<compile_context>
chip_gen: v7x
topology: tpu7x:2x2x1
jax: 0.10.2.dev20260603
libtpu: 0.0.44.dev20260713+nightly
codegen_flags: <defaults>
</compile_context>

<pallas_src>
import functools
import math

import jax
import jax.numpy as jnp
from jax import lax
from jax.experimental import pallas as pl
from jax.experimental.pallas import tpu as pltpu
from jax.experimental.pallas import tpu_sc as plsc

_H = 8


def _ln_rows(x, s, b):
    mu = jnp.mean(x, axis=-1, keepdims=True)
    var = jnp.mean((x - mu) ** 2, axis=-1, keepdims=True)
    return (x - mu) * lax.rsqrt(var + 1e-5) * s + b



def _sc_gather(atom_emb, node_ids, edge_emb, edge_ids, lap_flat, src, dst,
               n_per, num_workers):
    nn = node_ids.shape[0]
    ne = edge_ids.shape[0]
    d = atom_emb.shape[1]
    cn = nn // num_workers
    ce = ne // num_workers
    edges_per_graph = ne // (nn // n_per)

    mesh = plsc.VectorSubcoreMesh(core_axis_name="c", subcore_axis_name="s")
    f32 = jnp.float32

    nsub_n = cn // 128
    nsub_e = ce // 128
    nsub = nsub_n + 3 * nsub_e

    @functools.partial(
        pl.kernel,
        mesh=mesh,
        out_type=(
            jax.ShapeDtypeStruct((nn, d), f32),
            jax.ShapeDtypeStruct((ne, d), f32),
            jax.ShapeDtypeStruct((ne, d), f32),
            jax.ShapeDtypeStruct((ne, d), f32),
        ),
        scratch_types=(
            [pltpu.VMEM((128,), jnp.int32)] * nsub
            + [pltpu.VMEM((128, d), f32)] * nsub
            + [pltpu.SemaphoreType.DMA, pltpu.SemaphoreType.DMA]
        ),
    )
    def body(atom_hbm, nid_hbm, eemb_hbm, eid_hbm, lap_hbm, src_hbm, dst_hbm,
             nf_hbm, ef_hbm, ls_hbm, ld_hbm, *scratch):
        idx_bufs = scratch[:nsub]
        row_bufs = scratch[nsub:2 * nsub]
        sem = scratch[2 * nsub]
        sem2 = scratch[2 * nsub + 1]
        wid = lax.axis_index("s") * 2 + lax.axis_index("c")
        nbase = wid * cn
        ebase = wid * ce
        goff = (ebase // edges_per_graph) * n_per

        plan = []
        for sub in range(nsub_n):
            plan.append((nid_hbm, atom_hbm, nf_hbm, nbase + sub * 128, None))
        for ids, tab, out in ((eid_hbm, eemb_hbm, ef_hbm),
                              (src_hbm, lap_hbm, ls_hbm),
                              (dst_hbm, lap_hbm, ld_hbm)):
            off = None if tab is eemb_hbm else goff
            for sub in range(nsub_e):
                plan.append((ids, tab, out, ebase + sub * 128, off))

        for (ids, _, _, s0, off), ib in zip(plan, idx_bufs):
            pltpu.sync_copy(ids.at[pl.ds(s0, 128)], ib)
            if off is not None:
                for i in range(8):
                    sl = pl.ds(i * 16, 16)
                    ib[sl] = ib[sl] + off
        descs = [pltpu.async_copy(tab.at[ib], rb, sem)
                 for (_, tab, _, _, _), ib, rb in zip(plan, idx_bufs, row_bufs)]
        for dsc in descs:
            dsc.wait()
        outs = [pltpu.async_copy(rb, out.at[pl.ds(s0, 128)], sem2)
                for (_, _, out, s0, _), rb in zip(plan, row_bufs)]
        for dsc in outs:
            dsc.wait()

    return body(atom_emb, node_ids, edge_emb, edge_ids, lap_flat, src, dst)



def _assemble_math(nf, ef, ls, ld, lap, src, dst, wa, wb, oe, gt, nt, t_pad):
    f32 = jnp.float32
    k = lap.shape[1]
    row0 = oe[0:1, :]
    row1 = oe[1:2, :]
    nodes = (nf
             + jnp.dot(lap, wa[:k] + wb[:k], preferred_element_type=f32)
             + row1)
    edges = (ef
             + jnp.dot(ls, wa, preferred_element_type=f32)
             + jnp.dot(ld, wb, preferred_element_type=f32)
             + row0)
    mask = (src == dst).astype(f32)
    ordc = lax.dot_general(mask, row1 - row0,
                           (((0,), (0,)), ((), ())),
                           preferred_element_type=f32)
    edges = edges + ordc
    d = nodes.shape[1]
    t_real = 2 + nodes.shape[0] + edges.shape[0]
    return jnp.concatenate(
        [gt, nt, nodes, edges, jnp.zeros((t_pad - t_real, d), f32)], axis=0)


def _layer_math(x, wq, bq, wk, bk, wv, bv, wo, bo, s1, b1, s2, b2,
                w1, f1, w2, f2, t_real):
    f32 = jnp.float32
    t_pad, d = x.shape
    hd = d // _H
    y = _ln_rows(x, s1, b1)
    q = jnp.dot(y, wq, preferred_element_type=f32) + bq
    k_ = jnp.dot(y, wk, preferred_element_type=f32) + bk
    v = jnp.dot(y, wv, preferred_element_type=f32) + bv
    scale = 1.0 / math.sqrt(hd)
    rowv = lax.broadcasted_iota(jnp.int32, (t_pad, 1), 0)
    biascol = jnp.where(rowv >= t_real, jnp.float32(-1e30), jnp.float32(0.0))
    onesq = jnp.ones((t_pad, 1), f32)
    onesv = jnp.ones((t_pad, hd), f32)
    acc = jnp.zeros((t_pad, d), f32)
    chunks = [(j0, min(512, t_pad - j0)) for j0 in range(0, t_pad, 512)]
    qh2 = [jnp.concatenate([q[:, slice(h * hd, (h + 1) * hd)] * scale, onesq],
                           axis=1) for h in range(_H)]
    kh2 = [jnp.concatenate([k_[:, slice(h * hd, (h + 1) * hd)], biascol],
                           axis=1) for h in range(_H)]
    vh2 = [jnp.concatenate([v[:, slice(h * hd, (h + 1) * hd)], onesv],
                           axis=1) for h in range(_H)]
    oh2 = [jnp.zeros((t_pad, 2 * hd), f32) for _ in range(_H)]
    for j0, jc in chunks:
        for h in range(_H):
            p = jnp.exp(lax.dot_general(qh2[h], kh2[h][j0:j0 + jc],
                                        (((1,), (1,)), ((), ())),
                                        preferred_element_type=f32))
            oh2[h] = oh2[h] + jnp.dot(p, vh2[h][j0:j0 + jc],
                                      preferred_element_type=f32)
    for h in range(_H):
        oh = oh2[h][:, :hd] / oh2[h][:, hd:hd + 1]
        acc = acc + jnp.dot(oh, wo[h * hd:(h + 1) * hd, :],
                            preferred_element_type=f32)
    x1 = x + acc + bo
    y2 = _ln_rows(x1, s2, b2)
    hmid = jax.nn.gelu(jnp.dot(y2, w1, preferred_element_type=f32) + f1)
    return x1 + jnp.dot(hmid, w2, preferred_element_type=f32) + f2


def _asm_layer_body(nf_ref, ef_ref, ls_ref, ld_ref, lap_ref, src_ref, dst_ref,
                    wa_ref, wb_ref, oe_ref, gt_ref, nt_ref,
                    wq_ref, bq_ref, wk_ref, bk_ref, wv_ref, bv_ref,
                    wo_ref, bo_ref, s1_ref, b1_ref, s2_ref, b2_ref,
                    w1_ref, f1_ref, w2_ref, f2_ref, fs_ref, fb_ref, out_ref,
                    *, t_pad, t_real, final):
    x0 = _assemble_math(
        nf_ref[0], ef_ref[0], ls_ref[0], ld_ref[0], lap_ref[0],
        src_ref[0], dst_ref[0], wa_ref[...], wb_ref[...],
        oe_ref[...], gt_ref[...], nt_ref[...], t_pad)
    x1 = _layer_math(x0, wq_ref[...], bq_ref[...], wk_ref[...],
                     bk_ref[...], wv_ref[...], bv_ref[...], wo_ref[...],
                     bo_ref[...], s1_ref[...], b1_ref[...], s2_ref[...],
                     b2_ref[...], w1_ref[...], f1_ref[...], w2_ref[...],
                     f2_ref[...], t_real)
    if final:
        x1 = _ln_rows(x1, fs_ref[...], fb_ref[...])
    out_ref[0] = x1


def _layer_body(x_ref, wq_ref, bq_ref, wk_ref, bk_ref, wv_ref, bv_ref,
                wo_ref, bo_ref, s1_ref, b1_ref, s2_ref, b2_ref,
                w1_ref, f1_ref, w2_ref, f2_ref, fs_ref, fb_ref, out_ref,
                *, t_real, final):
    x2 = _layer_math(x_ref[0], wq_ref[...], bq_ref[...], wk_ref[...],
                     bk_ref[...], wv_ref[...], bv_ref[...], wo_ref[...],
                     bo_ref[...], s1_ref[...], b1_ref[...], s2_ref[...],
                     b2_ref[...], w1_ref[...], f1_ref[...], w2_ref[...],
                     f2_ref[...], t_real)
    if final:
        x2 = _ln_rows(x2, fs_ref[...], fb_ref[...])
    out_ref[0] = x2


def _run_fused(nf, ef, ls, ld, lap, src3, dst3, wa_pad, wb_pad, order_emb,
               graph_token, null_token, layer_w, lnf_s, lnf_b,
               t_pad, t_real, interpret=False):
    b, n, d = nf.shape
    e = ef.shape[1]
    k = lap.shape[2]
    nlayers, _, f = layer_w["fc1_W"].shape
    full = lambda shape: pl.BlockSpec(shape, lambda g: (0,) * len(shape))
    cp = pltpu.CompilerParams(
        dimension_semantics=("arbitrary",),
        vmem_limit_bytes=128 * 1024 * 1024,
    )
    x = pl.pallas_call(
        functools.partial(_asm_layer_body, t_pad=t_pad, t_real=t_real,
                          final=(nlayers == 1)),
        grid=(b,),
        in_specs=[
            pl.BlockSpec((1, n, d), lambda g: (g, 0, 0)),
            pl.BlockSpec((1, e, d), lambda g: (g, 0, 0)),
            pl.BlockSpec((1, e, d), lambda g: (g, 0, 0)),
            pl.BlockSpec((1, e, d), lambda g: (g, 0, 0)),
            pl.BlockSpec((1, n, k), lambda g: (g, 0, 0)),
            pl.BlockSpec((1, 1, e), lambda g: (g, 0, 0)),
            pl.BlockSpec((1, 1, e), lambda g: (g, 0, 0)),
            full((d, d)), full((d, d)), full((2, d)), full((1, d)),
            full((1, d)),
            full((d, d)), full((1, d)),
            full((d, d)), full((1, d)),
            full((d, d)), full((1, d)),
            full((d, d)), full((1, d)),
            full((1, d)), full((1, d)),
            full((1, d)), full((1, d)),
            full((d, f)), full((1, f)),
            full((f, d)), full((1, d)),
            full((1, d)), full((1, d)),
        ],
        out_specs=pl.BlockSpec((1, t_pad, d), lambda g: (g, 0, 0)),
        out_shape=jax.ShapeDtypeStruct((b, t_pad, d), jnp.float32),
        compiler_params=cp,
        interpret=interpret,
    )(nf, ef, ls, ld, lap, src3, dst3, wa_pad, wb_pad, order_emb,
      graph_token, null_token,
      layer_w["Wq"][0], layer_w["bq"][0].reshape(1, d),
      layer_w["Wk"][0], layer_w["bk"][0].reshape(1, d),
      layer_w["Wv"][0], layer_w["bv"][0].reshape(1, d),
      layer_w["Wo"][0], layer_w["bo"][0].reshape(1, d),
      layer_w["ln1_s"][0].reshape(1, d), layer_w["ln1_b"][0].reshape(1, d),
      layer_w["ln2_s"][0].reshape(1, d), layer_w["ln2_b"][0].reshape(1, d),
      layer_w["fc1_W"][0], layer_w["fc1_b"][0].reshape(1, f),
      layer_w["fc2_W"][0], layer_w["fc2_b"][0].reshape(1, d),
      lnf_s.reshape(1, d), lnf_b.reshape(1, d))

    for i in range(1, nlayers):
        final = i == nlayers - 1
        body = functools.partial(_layer_body, t_real=t_real, final=final)
        x = pl.pallas_call(
            body,
            grid=(b,),
            in_specs=[
                pl.BlockSpec((1, t_pad, d), lambda g: (g, 0, 0)),
                full((d, d)), full((1, d)),
                full((d, d)), full((1, d)),
                full((d, d)), full((1, d)),
                full((d, d)), full((1, d)),
                full((1, d)), full((1, d)),
                full((1, d)), full((1, d)),
                full((d, f)), full((1, f)),
                full((f, d)), full((1, d)),
                full((1, d)), full((1, d)),
            ],
            out_specs=pl.BlockSpec((1, t_pad, d), lambda g: (g, 0, 0)),
            out_shape=jax.ShapeDtypeStruct((b, t_pad, d), jnp.float32),
            compiler_params=cp,
            interpret=interpret,
        )(x, layer_w["Wq"][i], layer_w["bq"][i].reshape(1, d),
          layer_w["Wk"][i], layer_w["bk"][i].reshape(1, d),
          layer_w["Wv"][i], layer_w["bv"][i].reshape(1, d),
          layer_w["Wo"][i], layer_w["bo"][i].reshape(1, d),
          layer_w["ln1_s"][i].reshape(1, d), layer_w["ln1_b"][i].reshape(1, d),
          layer_w["ln2_s"][i].reshape(1, d), layer_w["ln2_b"][i].reshape(1, d),
          layer_w["fc1_W"][i], layer_w["fc1_b"][i].reshape(1, f),
          layer_w["fc2_W"][i], layer_w["fc2_b"][i].reshape(1, d),
          lnf_s.reshape(1, d), lnf_b.reshape(1, d))
    return x


def kernel(node_data, edge_index, edge_data, lap_eigvec, node_num, edge_num,
           atom_emb, edge_emb, graph_token, null_token, order_emb, lap_W,
           ln1_s, ln1_b, Wq, bq, Wk, bk, Wv, bv, Wo, bo,
           ln2_s, ln2_b, fc1_W, fc1_b, fc2_W, fc2_b, lnf_s, lnf_b):
    b = 8
    n = node_data.shape[0] // b
    e = edge_data.shape[0] // b
    d = atom_emb.shape[1]
    k = lap_eigvec.shape[1]
    t_real = 2 + n + e
    t_pad = ((t_real + 7) // 8) * 8

    nid = node_data.astype(jnp.int32)
    eid = edge_data.astype(jnp.int32)
    src = edge_index[0].astype(jnp.int32)
    dst = edge_index[1].astype(jnp.int32)

    lap_pad = jnp.pad(lap_eigvec, ((0, 0), (0, d - k)))
    wa_pad = jnp.pad(lap_W[:k], ((0, d - k), (0, 0)))
    wb_pad = jnp.pad(lap_W[k:], ((0, d - k), (0, 0)))

    nf, ef, ls, ld = _sc_gather(atom_emb, nid, edge_emb, eid, lap_pad,
                                src, dst, n, 32)

    layer_w = dict(Wq=Wq, bq=bq, Wk=Wk, bk=bk, Wv=Wv, bv=bv, Wo=Wo, bo=bo,
                   ln1_s=ln1_s, ln1_b=ln1_b, ln2_s=ln2_s, ln2_b=ln2_b,
                   fc1_W=fc1_W, fc1_b=fc1_b, fc2_W=fc2_W, fc2_b=fc2_b)
    x = _run_fused(
        nf.reshape(b, n, d), ef.reshape(b, e, d),
        ls.reshape(b, e, d), ld.reshape(b, e, d),
        lap_eigvec.reshape(b, n, k),
        src.reshape(b, 1, e), dst.reshape(b, 1, e),
        wa_pad, wb_pad, order_emb, graph_token, null_token,
        layer_w, lnf_s, lnf_b, t_pad, t_real)
    xout = x[:, :t_real, :]
    return (xout, xout[:, 0])

# --- scband reference (transcript-rebuilt; emitter-appended) ---
"""Pipeline reference for scband-token-gtgraph-encoder-73023033966802 (READ-ONLY COPY).

The authoritative reference and input builder live on the scoring server;
editing this copy changes nothing except your own understanding.
"""

import jax, jax.numpy as jnp
import numpy as np
import math

B = 8
N_PER = 512
E_PER = 1024
D = 128
K = 16
H = 8
F = 512
L = 2
NUM_ATOMS = 4608
NUM_EDGE_VOCAB = 1536


def setup_inputs(seed: int = 0):
    key = jax.random.key(seed)
    ks = jax.random.split(key, 24)
    std = 0.02 / math.sqrt(L)
    inp = {}
    inp["node_data"] = jax.random.randint(ks[0], (B * N_PER,), 0, NUM_ATOMS)
    inp["edge_index"] = jax.random.randint(ks[1], (2, B * E_PER), 0, N_PER)
    inp["edge_data"] = jax.random.randint(ks[2], (B * E_PER,), 0, NUM_EDGE_VOCAB)
    inp["lap_eigvec"] = jax.random.normal(ks[3], (B * N_PER, K), dtype=jnp.float32)
    inp["node_num"] = N_PER
    inp["edge_num"] = E_PER
    inp["atom_emb"] = (0.02 * jax.random.normal(ks[4], (NUM_ATOMS, D), dtype=jnp.float32)).at[0].set(0.0)
    inp["edge_emb"] = (0.02 * jax.random.normal(ks[5], (NUM_EDGE_VOCAB, D), dtype=jnp.float32)).at[0].set(0.0)
    inp["graph_token"] = 0.02 * jax.random.normal(ks[6], (1, D), dtype=jnp.float32)
    inp["null_token"] = 0.02 * jax.random.normal(ks[7], (1, D), dtype=jnp.float32)
    inp["order_emb"] = 0.02 * jax.random.normal(ks[8], (2, D), dtype=jnp.float32)
    inp["lap_W"] = std * jax.random.normal(ks[9], (2 * K, D), dtype=jnp.float32)
    inp["ln1_s"] = jnp.ones((L, D), jnp.float32)
    inp["ln1_b"] = jnp.zeros((L, D), jnp.float32)
    inp["Wq"] = std * jax.random.normal(ks[10], (L, D, D), dtype=jnp.float32)
    inp["bq"] = jnp.zeros((L, D), jnp.float32)
    inp["Wk"] = std * jax.random.normal(ks[11], (L, D, D), dtype=jnp.float32)
    inp["bk"] = jnp.zeros((L, D), jnp.float32)
    inp["Wv"] = std * jax.random.normal(ks[12], (L, D, D), dtype=jnp.float32)
    inp["bv"] = jnp.zeros((L, D), jnp.float32)
    inp["Wo"] = std * jax.random.normal(ks[13], (L, D, D), dtype=jnp.float32)
    inp["bo"] = jnp.zeros((L, D), jnp.float32)
    inp["ln2_s"] = jnp.ones((L, D), jnp.float32)
    inp["ln2_b"] = jnp.zeros((L, D), jnp.float32)
    inp["fc1_W"] = std * jax.random.normal(ks[14], (L, D, F), dtype=jnp.float32)
    inp["fc1_b"] = jnp.zeros((L, F), jnp.float32)
    inp["fc2_W"] = std * jax.random.normal(ks[15], (L, F, D), dtype=jnp.float32)
    inp["fc2_b"] = jnp.zeros((L, D), jnp.float32)
    inp["lnf_s"] = jnp.ones((D,), jnp.float32)
    inp["lnf_b"] = jnp.zeros((D,), jnp.float32)
    return inp


def _ln(x, s, b):
    mu = jnp.mean(x, axis=-1, keepdims=True)
    var = jnp.mean((x - mu) ** 2, axis=-1, keepdims=True)
    return (x - mu) / jnp.sqrt(var + 1e-5) * s + b


def reference(node_data, edge_index, edge_data, lap_eigvec, node_num, edge_num,
              atom_emb, edge_emb, graph_token, null_token, order_emb, lap_W,
              ln1_s, ln1_b, Wq, bq, Wk, bk, Wv, bv, Wo, bo,
              ln2_s, ln2_b, fc1_W, fc1_b, fc2_W, fc2_b, lnf_s, lnf_b):
    n = node_data.shape[0] // B
    e = edge_data.shape[0] // B
    b = node_data.shape[0] // n
    d = atom_emb.shape[1]
    num_dep = (jnp.asarray(node_num) + jnp.asarray(edge_num)).astype(jnp.float32) * 0.0
    # --- GraphFeatureTokenizer ---
    node_feat = jnp.take(atom_emb, node_data, axis=0).reshape(b, n, d)
    edge_feat = jnp.take(edge_emb, edge_data, axis=0).reshape(b, e, d)
    ei = edge_index.reshape(2, b, e).transpose(1, 2, 0)  # [b, e, 2] local node ids
    ar = jnp.arange(n)
    node_pi = jnp.broadcast_to(jnp.stack([ar, ar], axis=-1)[None], (b, n, 2))
    padded_index = jnp.concatenate([node_pi, ei], axis=1)          # [b, T, 2]
    padded_feature = jnp.concatenate([node_feat, edge_feat], axis=1)  # [b, T, d]
    padded_feature = padded_feature + num_dep
    # lap node-id embedding: gather node eigvecs for both endpoints of each token
    lap = lap_eigvec.reshape(b, n, -1)
    bidx = jnp.arange(b)[:, None, None]
    idx_embed = lap[bidx, padded_index]             # [b, T, 2, K]
    idx_embed = idx_embed.reshape(b, n + e, -1)     # [b, T, 2K]
    padded_feature = padded_feature + idx_embed @ lap_W
    # type-id embedding (node tokens: src==dst)
    order = (padded_index[..., 0] == padded_index[..., 1]).astype(jnp.int32)
    padded_feature = padded_feature + jnp.take(order_emb, order, axis=0)
    # prepend [graph] and [null] special tokens
    x = jnp.concatenate([jnp.broadcast_to(graph_token[None], (b, 1, d)),
                         jnp.broadcast_to(null_token[None], (b, 1, d)),
                         padded_feature], axis=1)
    t = x.shape[1]
    h_dim = d // H
    # --- Transformer encoder layers (pre-LN) ---
    for i in range(L):
        res = x
        y = _ln(x, ln1_s[i], ln1_b[i])
        q = (y @ Wq[i] + bq[i]).reshape(b, t, H, h_dim).transpose(0, 2, 1, 3)
        k_ = (y @ Wk[i] + bk[i]).reshape(b, t, H, h_dim).transpose(0, 2, 1, 3)
        v = (y @ Wv[i] + bv[i]).reshape(b, t, H, h_dim).transpose(0, 2, 1, 3)
        scores = jnp.einsum('bhqd,bhkd->bhqk', q, k_) / math.sqrt(h_dim)
        a = jax.nn.softmax(scores, axis=-1)
        o = jnp.einsum('bhqk,bhkd->bhqd', a, v).transpose(0, 2, 1, 3).reshape(b, t, d)
        x = res + o @ Wo[i] + bo[i]
        res = x
        y = _ln(x, ln2_s[i], ln2_b[i])
        y = jax.nn.gelu(y @ fc1_W[i] + fc1_b[i]) @ fc2_W[i] + fc2_b[i]
        x = res + y
    x = _ln(x, lnf_s, lnf_b)
    graph_rep = x[:, 0]
    return (x, graph_rep)

if __name__ == "__main__":
    import jax
    _d = setup_inputs()
    print(jax.jit(kernel)(*tuple(_d.values())))

</pallas_src>

<mosaic_0001>
#map = affine_map<(d0, d1) -> (0, 0)>
#map1 = affine_map<(d0, d1) -> (0)>
module attributes {stable_mosaic.version = 14 : i64} {
  func.func @body(%arg0: i32, %arg1: i32, %arg2: memref<4608x128xf32, #tpu.memory_space<hbm>>, %arg3: memref<4096xi32, #tpu.memory_space<hbm>>, %arg4: memref<1536x128xf32, #tpu.memory_space<hbm>>, %arg5: memref<8192xi32, #tpu.memory_space<hbm>>, %arg6: memref<4096x128xf32, #tpu.memory_space<hbm>>, %arg7: memref<8192xi32, #tpu.memory_space<hbm>>, %arg8: memref<8192xi32, #tpu.memory_space<hbm>>, %arg9: memref<4096x128xf32, #tpu.memory_space<hbm>>, %arg10: memref<8192x128xf32, #tpu.memory_space<hbm>>, %arg11: memref<8192x128xf32, #tpu.memory_space<hbm>>, %arg12: memref<8192x128xf32, #tpu.memory_space<hbm>>, %arg13: memref<128xi32, #tpu.memory_space<vmem>>, %arg14: memref<128xi32, #tpu.memory_space<vmem>>, %arg15: memref<128xi32, #tpu.memory_space<vmem>>, %arg16: memref<128xi32, #tpu.memory_space<vmem>>, %arg17: memref<128xi32, #tpu.memory_space<vmem>>, %arg18: memref<128xi32, #tpu.memory_space<vmem>>, %arg19: memref<128xi32, #tpu.memory_space<vmem>>, %arg20: memref<128x128xf32, #tpu.memory_space<vmem>>, %arg21: memref<128x128xf32, #tpu.memory_space<vmem>>, %arg22: memref<128x128xf32, #tpu.memory_space<vmem>>, %arg23: memref<128x128xf32, #tpu.memory_space<vmem>>, %arg24: memref<128x128xf32, #tpu.memory_space<vmem>>, %arg25: memref<128x128xf32, #tpu.memory_space<vmem>>, %arg26: memref<128x128xf32, #tpu.memory_space<vmem>>, %arg27: memref<!tpu.dma_semaphore, #tpu.memory_space<semaphore_mem>>, %arg28: memref<!tpu.dma_semaphore, #tpu.memory_space<semaphore_mem>>) attributes {dimension_semantics = [#tpu.dimension_semantics<core_parallel>, #tpu.dimension_semantics<subcore_parallel>], iteration_bounds = array<i64: 2, 16>, scalar_prefetch = 0 : i64, scratch_operands = 16 : i64, tpu.core_type = #tpu.core_type<sc_vector_subcore>, window_params = [{transform_indices = #map}, {transform_indices = #map1}, {transform_indices = #map}, {transform_indices = #map1}, {transform_indices = #map}, {transform_indices = #map1}, {transform_indices = #map1}, {transform_indices = #map}, {transform_indices = #map}, {transform_indices = #map}, {transform_indices = #map}]} {
    %mul3A = arith.constant 2 : i32
    %mul3A_0 = arith.muli %arg1, %mul3A : i32
    %add3A = arith.addi %mul3A_0, %arg0 : i32
    %mul3A_1 = arith.constant 128 : i32
    %mul3A_2 = arith.muli %add3A, %mul3A_1 : i32
    %mul3A_3 = arith.constant 256 : i32
    %mul3A_4 = arith.muli %add3A, %mul3A_3 : i32
    %jit3A = arith.constant 1024 : i32
    %div3A = arith.divsi %mul3A_4, %jit3A : i32
    %sign3A = arith.constant 0 : i32
    %sign3A_5 = arith.cmpi sgt, %mul3A_4, %sign3A : i32
    %sign3A_6 = arith.extui %sign3A_5 : i1 to i32
    %sign3A_7 = arith.constant 0 : i32
    %sign3A_8 = arith.cmpi slt, %mul3A_4, %sign3A_7 : i32
    %sign3A_9 = arith.extui %sign3A_8 : i1 to i32
    %sign3A_10 = arith.subi %sign3A_6, %sign3A_9 : i32
    %sign3A_11 = arith.constant 0 : i32
    %sign3A_12 = arith.cmpi sgt, %jit3A, %sign3A_11 : i32
    %sign3A_13 = arith.extui %sign3A_12 : i1 to i32
    %sign3A_14 = arith.constant 0 : i32
    %sign3A_15 = arith.cmpi slt, %jit3A, %sign3A_14 : i32
    %sign3A_16 = arith.extui %sign3A_15 : i1 to i32
    %sign3A_17 = arith.subi %sign3A_13, %sign3A_16 : i32
    %ne3A = arith.cmpi ne, %sign3A_10, %sign3A_17 : i32
    %rem3A = arith.remsi %mul3A_4, %jit3A : i32
    %ne3A_18 = arith.constant 0 : i32
    %ne3A_19 = arith.cmpi ne, %rem3A, %ne3A_18 : i32
    %and3A = arith.andi %ne3A, %ne3A_19 : i1
    %sub3A = arith.constant 1 : i32
    %sub3A_20 = arith.subi %div3A, %sub3A : i32
    %select_n3A = arith.select %and3A, %sub3A_20, %div3A : i32
    %mul3A_21 = arith.constant 512 : i32
    %mul3A_22 = arith.muli %select_n3A, %mul3A_21 : i32
    %add3A_23 = arith.constant 0 : i32
    %add3A_24 = arith.addi %mul3A_2, %add3A_23 : i32
    %add3A_25 = arith.constant 0 : i32
    %add3A_26 = arith.addi %mul3A_4, %add3A_25 : i32
    %add3A_27 = arith.constant 128 : i32
    %add3A_28 = arith.addi %mul3A_4, %add3A_27 : i32
    %add3A_29 = arith.constant 0 : i32
    %add3A_30 = arith.addi %mul3A_4, %add3A_29 : i32
    %add3A_31 = arith.constant 128 : i32
    %add3A_32 = arith.addi %mul3A_4, %add3A_31 : i32
    %add3A_33 = arith.constant 0 : i32
    %add3A_34 = arith.addi %mul3A_4, %add3A_33 : i32
    %add3A_35 = arith.constant 128 : i32
    %add3A_36 = arith.addi %mul3A_4, %add3A_35 : i32
    "tpu.region"() ({
      %run_scoped3A = tpu.sem_alloc : memref<!tpu.dma_semaphore, #tpu.memory_space<semaphore_mem>>
      %dma_start3A_419 = tpu.memref_slice %arg3[%add3A_24] : memref<4096xi32, #tpu.memory_space<hbm>> -> memref<128xi32, #tpu.memory_space<hbm>>
      %dma_start3A_420 = tpu.memref_slice %arg3[%add3A_24] : memref<4096xi32, #tpu.memory_space<hbm>> -> memref<128xi32, #tpu.memory_space<hbm>>
      tpu.enqueue_dma source(%dma_start3A_420 : memref<128xi32, #tpu.memory_space<hbm>>) target(%arg13 : memref<128xi32, #tpu.memory_space<vmem>>) target_semaphore(%run_scoped3A : memref<!tpu.dma_semaphore, #tpu.memory_space<semaphore_mem>>)
      %dma_wait3A_421 = tpu.memref_slice %arg3[%add3A_24] : memref<4096xi32, #tpu.memory_space<hbm>> -> memref<128xi32, #tpu.memory_space<hbm>>
      %dma_wait3A_422 = tpu.memref_slice %arg3[%add3A_24] : memref<4096xi32, #tpu.memory_space<hbm>> -> memref<128xi32, #tpu.memory_space<hbm>>
      tpu.wait_dma2 semaphore(%run_scoped3A : memref<!tpu.dma_semaphore, #tpu.memory_space<semaphore_mem>>) src(%dma_wait3A_422 : memref<128xi32, #tpu.memory_space<hbm>>) dst(%arg13 : memref<128xi32, #tpu.memory_space<vmem>>)
      tpu.yield
    }) : () -> ()
    "tpu.region"() ({
      %run_scoped3A = tpu.sem_alloc : memref<!tpu.dma_semaphore, #tpu.memory_space<semaphore_mem>>
      %dma_start3A_419 = tpu.memref_slice %arg5[%add3A_26] : memref<8192xi32, #tpu.memory_space<hbm>> -> memref<128xi32, #tpu.memory_space<hbm>>
      %dma_start3A_420 = tpu.memref_slice %arg5[%add3A_26] : memref<8192xi32, #tpu.memory_space<hbm>> -> memref<128xi32, #tpu.memory_space<hbm>>
      tpu.enqueue_dma source(%dma_start3A_420 : memref<128xi32, #tpu.memory_space<hbm>>) target(%arg14 : memref<128xi32, #tpu.memory_space<vmem>>) target_semaphore(%run_scoped3A : memref<!tpu.dma_semaphore, #tpu.memory_space<semaphore_mem>>)
      %dma_wait3A_421 = tpu.memref_slice %arg5[%add3A_26] : memref<8192xi32, #tpu.memory_space<hbm>> -> memref<128xi32, #tpu.memory_space<hbm>>
      %dma_wait3A_422 = tpu.memref_slice %arg5[%add3A_26] : memref<8192xi32, #tpu.memory_space<hbm>> -> memref<128xi32, #tpu.memory_space<hbm>>
      tpu.wait_dma2 semaphore(%run_scoped3A : memref<!tpu.dma_semaphore, #tpu.memory_space<semaphore_mem>>) src(%dma_wait3A_422 : memref<128xi32, #tpu.memory_space<hbm>>) dst(%arg14 : memref<128xi32, #tpu.memory_space<vmem>>)
      tpu.yield
    }) : () -> ()
    "tpu.region"() ({
      %run_scoped3A = tpu.sem_alloc : memref<!tpu.dma_semaphore, #tpu.memory_space<semaphore_mem>>
      %dma_start3A_419 = tpu.memref_slice %arg5[%add3A_28] : memref<8192xi32, #tpu.memory_space<hbm>> -> memref<128xi32, #tpu.memory_space<hbm>>
      %dma_start3A_420 = tpu.memref_slice %arg5[%add3A_28] : memref<8192xi32, #tpu.memory_space<hbm>> -> memref<128xi32, #tpu.memory_space<hbm>>
      tpu.enqueue_dma source(%dma_start3A_420 : memref<128xi32, #tpu.memory_space<hbm>>) target(%arg15 : memref<128xi32, #tpu.memory_space<vmem>>) target_semaphore(%run_scoped3A : memref<!tpu.dma_semaphore, #tpu.memory_space<semaphore_mem>>)
      %dma_wait3A_421 = tpu.memref_slice %arg5[%add3A_28] : memref<8192xi32, #tpu.memory_space<hbm>> -> memref<128xi32, #tpu.memory_space<hbm>>
      %dma_wait3A_422 = tpu.memref_slice %arg5[%add3A_28] : memref<8192xi32, #tpu.memory_space<hbm>> -> memref<128xi32, #tpu.memory_space<hbm>>
      tpu.wait_dma2 semaphore(%run_scoped3A : memref<!tpu.dma_semaphore, #tpu.memory_space<semaphore_mem>>) src(%dma_wait3A_422 : memref<128xi32, #tpu.memory_space<hbm>>) dst(%arg15 : memref<128xi32, #tpu.memory_space<vmem>>)
      tpu.yield
    }) : () -> ()
    "tpu.region"() ({
      %run_scoped3A = tpu.sem_alloc : memref<!tpu.dma_semaphore, #tpu.memory_space<semaphore_mem>>
      %dma_start3A_419 = tpu.memref_slice %arg7[%add3A_30] : memref<8192xi32, #tpu.memory_space<hbm>> -> memref<128xi32, #tpu.memory_space<hbm>>
      %dma_start3A_420 = tpu.memref_slice %arg7[%add3A_30] : memref<8192xi32, #tpu.memory_space<hbm>> -> memref<128xi32, #tpu.memory_space<hbm>>
      tpu.enqueue_dma source(%dma_start3A_420 : memref<128xi32, #tpu.memory_space<hbm>>) target(%arg16 : memref<128xi32, #tpu.memory_space<vmem>>) target_semaphore(%run_scoped3A : memref<!tpu.dma_semaphore, #tpu.memory_space<semaphore_mem>>)
      %dma_wait3A_421 = tpu.memref_slice %arg7[%add3A_30] : memref<8192xi32, #tpu.memory_space<hbm>> -> memref<128xi32, #tpu.memory_space<hbm>>
      %dma_wait3A_422 = tpu.memref_slice %arg7[%add3A_30] : memref<8192xi32, #tpu.memory_space<hbm>> -> memref<128xi32, #tpu.memory_space<hbm>>
      tpu.wait_dma2 semaphore(%run_scoped3A : memref<!tpu.dma_semaphore, #tpu.memory_space<semaphore_mem>>) src(%dma_wait3A_422 : memref<128xi32, #tpu.memory_space<hbm>>) dst(%arg16 : memref<128xi32, #tpu.memory_space<vmem>>)
      tpu.yield
    }) : () -> ()
    %get3A = arith.constant 0 : index
    %get3A_37 = tpu.vector_load %arg16[%get3A] {strides = array<i32>} : memref<128xi32, #tpu.memory_space<vmem>>, vector<16xi32>,
    %get3A_38 = vector.shape_cast %get3A_37 : vector<16xi32> to vector<16xi32>
    %add3A_39 = vector.broadcast %mul3A_22 : i32 to vector<16xi32>
    %add3A_40 = arith.addi %get3A_38, %add3A_39 : vector<16xi32>
    %swap3A = arith.constant 0 : index
    %swap3A_41 = tpu.vector_load %arg16[%swap3A] {strides = array<i32>} : memref<128xi32, #tpu.memory_space<vmem>>, vector<16xi32>,
    %swap3A_42 = vector.shape_cast %swap3A_41 : vector<16xi32> to vector<16xi32>
    %swap3A_43 = vector.shape_cast %add3A_40 : vector<16xi32> to vector<16xi32>
    tpu.vector_store %arg16[%swap3A], %swap3A_43 {strides = array<i32>} : memref<128xi32, #tpu.memory_space<vmem>>, vector<16xi32>,
    %get3A_44 = arith.constant 16 : index
    %get3A_45 = tpu.vector_load %arg16[%get3A_44] {strides = array<i32>} : memref<128xi32, #tpu.memory_space<vmem>>, vector<16xi32>,
    %get3A_46 = vector.shape_cast %get3A_45 : vector<16xi32> to vector<16xi32>
    %add3A_47 = vector.broadcast %mul3A_22 : i32 to vector<16xi32>
    %add3A_48 = arith.addi %get3A_46, %add3A_47 : vector<16xi32>
    %swap3A_49 = arith.constant 16 : index
    %swap3A_50 = tpu.vector_load %arg16[%swap3A_49] {strides = array<i32>} : memref<128xi32, #tpu.memory_space<vmem>>, vector<16xi32>,
    %swap3A_51 = vector.shape_cast %swap3A_50 : vector<16xi32> to vector<16xi32>
    %swap3A_52 = vector.shape_cast %add3A_48 : vector<16xi32> to vector<16xi32>
    tpu.vector_store %arg16[%swap3A_49], %swap3A_52 {strides = array<i32>} : memref<128xi32, #tpu.memory_space<vmem>>, vector<16xi32>,
    %get3A_53 = arith.constant 32 : index
    %get3A_54 = tpu.vector_load %arg16[%get3A_53] {strides = array<i32>} : memref<128xi32, #tpu.memory_space<vmem>>, vector<16xi32>,
    %get3A_55 = vector.shape_cast %get3A_54 : vector<16xi32> to vector<16xi32>
    %add3A_56 = vector.broadcast %mul3A_22 : i32 to vector<16xi32>
    %add3A_57 = arith.addi %get3A_55, %add3A_56 : vector<16xi32>
    %swap3A_58 = arith.constant 32 : index
    %swap3A_59 = tpu.vector_load %arg16[%swap3A_58] {strides = array<i32>} : memref<128xi32, #tpu.memory_space<vmem>>, vector<16xi32>,
    %swap3A_60 = vector.shape_cast %swap3A_59 : vector<16xi32> to vector<16xi32>
    %swap3A_61 = vector.shape_cast %add3A_57 : vector<16xi32> to vector<16xi32>
    tpu.vector_store %arg16[%swap3A_58], %swap3A_61 {strides = array<i32>} : memref<128xi32, #tpu.memory_space<vmem>>, vector<16xi32>,
    %get3A_62 = arith.constant 48 : index
    %get3A_63 = tpu.vector_load %arg16[%get3A_62] {strides = array<i32>} : memref<128xi32, #tpu.memory_space<vmem>>, vector<16xi32>,
    %get3A_64 = vector.shape_cast %get3A_63 : vector<16xi32> to vector<16xi32>
    %add3A_65 = vector.broadcast %mul3A_22 : i32 to vector<16xi32>
    %add3A_66 = arith.addi %get3A_64, %add3A_65 : vector<16xi32>
    %swap3A_67 = arith.constant 48 : index
    %swap3A_68 = tpu.vector_load %arg16[%swap3A_67] {strides = array<i32>} : memref<128xi32, #tpu.memory_space<vmem>>, vector<16xi32>,
    %swap3A_69 = vector.shape_cast %swap3A_68 : vector<16xi32> to vector<16xi32>
    %swap3A_70 = vector.shape_cast %add3A_66 : vector<16xi32> to vector<16xi32>
    tpu.vector_store %arg16[%swap3A_67], %swap3A_70 {strides = array<i32>} : memref<128xi32, #tpu.memory_space<vmem>>, vector<16xi32>,
    %get3A_71 = arith.constant 64 : index
    %get3A_72 = tpu.vector_load %arg16[%get3A_71] {strides = array<i32>} : memref<128xi32, #tpu.memory_space<vmem>>, vector<16xi32>,
    %get3A_73 = vector.shape_cast %get3A_72 : vector<16xi32> to vector<16xi32>
    %add3A_74 = vector.broadcast %mul3A_22 : i32 to vector<16xi32>
    %add3A_75 = arith.addi %get3A_73, %add3A_74 : vector<16xi32>
    %swap3A_76 = arith.constant 64 : index
    %swap3A_77 = tpu.vector_load %arg16[%swap3A_76] {strides = array<i32>} : memref<128xi32, #tpu.memory_space<vmem>>, vector<16xi32>,
    %swap3A_78 = vector.shape_cast %swap3A_77 : vector<16xi32> to vector<16xi32>
    %swap3A_79 = vector.shape_cast %add3A_75 : vector<16xi32> to vector<16xi32>
    tpu.vector_store %arg16[%swap3A_76], %swap3A_79 {strides = array<i32>} : memref<128xi32, #tpu.memory_space<vmem>>, vector<16xi32>,
    %get3A_80 = arith.constant 80 : index
    %get3A_81 = tpu.vector_load %arg16[%get3A_80] {strides = array<i32>} : memref<128xi32, #tpu.memory_space<vmem>>, vector<16xi32>,
    %get3A_82 = vector.shape_cast %get3A_81 : vector<16xi32> to vector<16xi32>
    %add3A_83 = vector.broadcast %mul3A_22 : i32 to vector<16xi32>
    %add3A_84 = arith.addi %get3A_82, %add3A_83 : vector<16xi32>
    %swap3A_85 = arith.constant 80 : index
    %swap3A_86 = tpu.vector_load %arg16[%swap3A_85] {strides = array<i32>} : memref<128xi32, #tpu.memory_space<vmem>>, vector<16xi32>,
    %swap3A_87 = vector.shape_cast %swap3A_86 : vector<16xi32> to vector<16xi32>
    %swap3A_88 = vector.shape_cast %add3A_84 : vector<16xi32> to vector<16xi32>
    tpu.vector_store %arg16[%swap3A_85], %swap3A_88 {strides = array<i32>} : memref<128xi32, #tpu.memory_space<vmem>>, vector<16xi32>,
    %get3A_89 = arith.constant 96 : index
    %get3A_90 = tpu.vector_load %arg16[%get3A_89] {strides = array<i32>} : memref<128xi32, #tpu.memory_space<vmem>>, vector<16xi32>,
    %get3A_91 = vector.shape_cast %get3A_90 : vector<16xi32> to vector<16xi32>
    %add3A_92 = vector.broadcast %mul3A_22 : i32 to vector<16xi32>
    %add3A_93 = arith.addi %get3A_91, %add3A_92 : vector<16xi32>
    %swap3A_94 = arith.constant 96 : index
    %swap3A_95 = tpu.vector_load %arg16[%swap3A_94] {strides = array<i32>} : memref<128xi32, #tpu.memory_space<vmem>>, vector<16xi32>,
    %swap3A_96 = vector.shape_cast %swap3A_95 : vector<16xi32> to vector<16xi32>
    %swap3A_97 = vector.shape_cast %add3A_93 : vector<16xi32> to vector<16xi32>
    tpu.vector_store %arg16[%swap3A_94], %swap3A_97 {strides = array<i32>} : memref<128xi32, #tpu.memory_space<vmem>>, vector<16xi32>,
    %get3A_98 = arith.constant 112 : index
    %get3A_99 = tpu.vector_load %arg16[%get3A_98] {strides = array<i32>} : memref<128xi32, #tpu.memory_space<vmem>>, vector<16xi32>,
    %get3A_100 = vector.shape_cast %get3A_99 : vector<16xi32> to vector<16xi32>
    %add3A_101 = vector.broadcast %mul3A_22 : i32 to vector<16xi32>
    %add3A_102 = arith.addi %get3A_100, %add3A_101 : vector<16xi32>
    %swap3A_103 = arith.constant 112 : index
    %swap3A_104 = tpu.vector_load %arg16[%swap3A_103] {strides = array<i32>} : memref<128xi32, #tpu.memory_space<vmem>>, vector<16xi32>,
    %swap3A_105 = vector.shape_cast %swap3A_104 : vector<16xi32> to vector<16xi32>
    %swap3A_106 = vector.shape_cast %add3A_102 : vector<16xi32> to vector<16xi32>
    tpu.vector_store %arg16[%swap3A_103], %swap3A_106 {strides = array<i32>} : memref<128xi32, #tpu.memory_space<vmem>>, vector<16xi32>,
    "tpu.region"() ({
      %run_scoped3A = tpu.sem_alloc : memref<!tpu.dma_semaphore, #tpu.memory_space<semaphore_mem>>
      %dma_start3A_419 = tpu.memref_slice %arg7[%add3A_32] : memref<8192xi32, #tpu.memory_space<hbm>> -> memref<128xi32, #tpu.memory_space<hbm>>
      %dma_start3A_420 = tpu.memref_slice %arg7[%add3A_32] : memref<8192xi32, #tpu.memory_space<hbm>> -> memref<128xi32, #tpu.memory_space<hbm>>
      tpu.enqueue_dma source(%dma_start3A_420 : memref<128xi32, #tpu.memory_space<hbm>>) target(%arg17 : memref<128xi32, #tpu.memory_space<vmem>>) target_semaphore(%run_scoped3A : memref<!tpu.dma_semaphore, #tpu.memory_space<semaphore_mem>>)
      %dma_wait3A_421 = tpu.memref_slice %arg7[%add3A_32] : memref<8192xi32, #tpu.memory_space<hbm>> -> memref<128xi32, #tpu.memory_space<hbm>>
      %dma_wait3A_422 = tpu.memref_slice %arg7[%add3A_32] : memref<8192xi32, #tpu.memory_space<hbm>> -> memref<128xi32, #tpu.memory_space<hbm>>
      tpu.wait_dma2 semaphore(%run_scoped3A : memref<!tpu.dma_semaphore, #tpu.memory_space<semaphore_mem>>) src(%dma_wait3A_422 : memref<128xi32, #tpu.memory_space<hbm>>) dst(%arg17 : memref<128xi32, #tpu.memory_space<vmem>>)
      tpu.yield
    }) : () -> ()
    %get3A_107 = arith.constant 0 : index
    %get3A_108 = tpu.vector_load %arg17[%get3A_107] {strides = array<i32>} : memref<128xi32, #tpu.memory_space<vmem>>, vector<16xi32>,
    %get3A_109 = vector.shape_cast %get3A_108 : vector<16xi32> to vector<16xi32>
    %add3A_110 = vector.broadcast %mul3A_22 : i32 to vector<16xi32>
    %add3A_111 = arith.addi %get3A_109, %add3A_110 : vector<16xi32>
    %swap3A_112 = arith.constant 0 : index
    %swap3A_113 = tpu.vector_load %arg17[%swap3A_112] {strides = array<i32>} : memref<128xi32, #tpu.memory_space<vmem>>, vector<16xi32>,
    %swap3A_114 = vector.shape_cast %swap3A_113 : vector<16xi32> to vector<16xi32>
    %swap3A_115 = vector.shape_cast %add3A_111 : vector<16xi32> to vector<16xi32>
    tpu.vector_store %arg17[%swap3A_112], %swap3A_115 {strides = array<i32>} : memref<128xi32, #tpu.memory_space<vmem>>, vector<16xi32>,
    %get3A_116 = arith.constant 16 : index
    %get3A_117 = tpu.vector_load %arg17[%get3A_116] {strides = array<i32>} : memref<128xi32, #tpu.memory_space<vmem>>, vector<16xi32>,
    %get3A_118 = vector.shape_cast %get3A_117 : vector<16xi32> to vector<16xi32>
    %add3A_119 = vector.broadcast %mul3A_22 : i32 to vector<16xi32>
    %add3A_120 = arith.addi %get3A_118, %add3A_119 : vector<16xi32>
    %swap3A_121 = arith.constant 16 : index
    %swap3A_122 = tpu.vector_load %arg17[%swap3A_121] {strides = array<i32>} : memref<128xi32, #tpu.memory_space<vmem>>, vector<16xi32>,
    %swap3A_123 = vector.shape_cast %swap3A_122 : vector<16xi32> to vector<16xi32>
    %swap3A_124 = vector.shape_cast %add3A_120 : vector<16xi32> to vector<16xi32>
    tpu.vector_store %arg17[%swap3A_121], %swap3A_124 {strides = array<i32>} : memref<128xi32, #tpu.memory_space<vmem>>, vector<16xi32>,
    %get3A_125 = arith.constant 32 : index
    %get3A_126 = tpu.vector_load %arg17[%get3A_125] {strides = array<i32>} : memref<128xi32, #tpu.memory_space<vmem>>, vector<16xi32>,
    %get3A_127 = vector.shape_cast %get3A_126 : vector<16xi32> to vector<16xi32>
    %add3A_128 = vector.broadcast %mul3A_22 : i32 to vector<16xi32>
    %add3A_129 = arith.addi %get3A_127, %add3A_128 : vector<16xi32>
    %swap3A_130 = arith.constant 32 : index
    %swap3A_131 = tpu.vector_load %arg17[%swap3A_130] {strides = array<i32>} : memref<128xi32, #tpu.memory_space<vmem>>, vector<16xi32>,
    %swap3A_132 = vector.shape_cast %swap3A_131 : vector<16xi32> to vector<16xi32>
    %swap3A_133 = vector.shape_cast %add3A_129 : vector<16xi32> to vector<16xi32>
    tpu.vector_store %arg17[%swap3A_130], %swap3A_133 {strides = array<i32>} : memref<128xi32, #tpu.memory_space<vmem>>, vector<16xi32>,
    %get3A_134 = arith.constant 48 : index
    %get3A_135 = tpu.vector_load %arg17[%get3A_134] {strides = array<i32>} : memref<128xi32, #tpu.memory_space<vmem>>, vector<16xi32>,
    %get3A_136 = vector.shape_cast %get3A_135 : vector<16xi32> to vector<16xi32>
    %add3A_137 = vector.broadcast %mul3A_22 : i32 to vector<16xi32>
    %add3A_138 = arith.addi %get3A_136, %add3A_137 : vector<16xi32>
    %swap3A_139 = arith.constant 48 : index
    %swap3A_140 = tpu.vector_load %arg17[%swap3A_139] {strides = array<i32>} : memref<128xi32, #tpu.memory_space<vmem>>, vector<16xi32>,
    %swap3A_141 = vector.shape_cast %swap3A_140 : vector<16xi32> to vector<16xi32>
    %swap3A_142 = vector.shape_cast %add3A_138 : vector<16xi32> to vector<16xi32>
    tpu.vector_store %arg17[%swap3A_139], %swap3A_142 {strides = array<i32>} : memref<128xi32, #tpu.memory_space<vmem>>, vector<16xi32>,
    %get3A_143 = arith.constant 64 : index
    %get3A_144 = tpu.vector_load %arg17[%get3A_143] {strides = array<i32>} : memref<128xi32, #tpu.memory_space<vmem>>, vector<16xi32>,
    %get3A_145 = vector.shape_cast %get3A_144 : vector<16xi32> to vector<16xi32>
    %add3A_146 = vector.broadcast %mul3A_22 : i32 to vector<16xi32>
    %add3A_147 = arith.addi %get3A_145, %add3A_146 : vector<16xi32>
    %swap3A_148 = arith.constant 64 : index
    %swap3A_149 = tpu.vector_load %arg17[%swap3A_148] {strides = array<i32>} : memref<128xi32, #tpu.memory_space<vmem>>, vector<16xi32>,
    %swap3A_150 = vector.shape_cast %swap3A_149 : vector<16xi32> to vector<16xi32>
    %swap3A_151 = vector.shape_cast %add3A_147 : vector<16xi32> to vector<16xi32>
    tpu.vector_store %arg17[%swap3A_148], %swap3A_151 {strides = array<i32>} : memref<128xi32, #tpu.memory_space<vmem>>, vector<16xi32>,
    %get3A_152 = arith.constant 80 : index
    %get3A_153 = tpu.vector_load %arg17[%get3A_152] {strides = array<i32>} : memref<128xi32, #tpu.memory_space<vmem>>, vector<16xi32>,
    %get3A_154 = vector.shape_cast %get3A_153 : vector<16xi32> to vector<16xi32>
    %add3A_155 = vector.broadcast %mul3A_22 : i32 to vector<16xi32>
    %add3A_156 = arith.addi %get3A_154, %add3A_155 : vector<16xi32>
    %swap3A_157 = arith.constant 80 : index
    %swap3A_158 = tpu.vector_load %arg17[%swap3A_157] {strides = array<i32>} : memref<128xi32, #tpu.memory_space<vmem>>, vector<16xi32>,
    %swap3A_159 = vector.shape_cast %swap3A_158 : vector<16xi32> to vector<16xi32>
    %swap3A_160 = vector.shape_cast %add3A_156 : vector<16xi32> to vector<16xi32>
    tpu.vector_store %arg17[%swap3A_157], %swap3A_160 {strides = array<i32>} : memref<128xi32, #tpu.memory_space<vmem>>, vector<16xi32>,
    %get3A_161 = arith.constant 96 : index
    %get3A_162 = tpu.vector_load %arg17[%get3A_161] {strides = array<i32>} : memref<128xi32, #tpu.memory_space<vmem>>, vector<16xi32>,
    %get3A_163 = vector.shape_cast %get3A_162 : vector<16xi32> to vector<16xi32>
    %add3A_164 = vector.broadcast %mul3A_22 : i32 to vector<16xi32>
    %add3A_165 = arith.addi %get3A_163, %add3A_164 : vector<16xi32>
    %swap3A_166 = arith.constant 96 : index
    %swap3A_167 = tpu.vector_load %arg17[%swap3A_166] {strides = array<i32>} : memref<128xi32, #tpu.memory_space<vmem>>, vector<16xi32>,
    %swap3A_168 = vector.shape_cast %swap3A_167 : vector<16xi32> to vector<16xi32>
    %swap3A_169 = vector.shape_cast %add3A_165 : vector<16xi32> to vector<16xi32>
    tpu.vector_store %arg17[%swap3A_166], %swap3A_169 {strides = array<i32>} : memref<128xi32, #tpu.memory_space<vmem>>, vector<16xi32>,
    %get3A_170 = arith.constant 112 : index
    %get3A_171 = tpu.vector_load %arg17[%get3A_170] {strides = array<i32>} : memref<128xi32, #tpu.memory_space<vmem>>, vector<16xi32>,
    %get3A_172 = vector.shape_cast %get3A_171 : vector<16xi32> to vector<16xi32>
    %add3A_173 = vector.broadcast %mul3A_22 : i32 to vector<16xi32>
    %add3A_174 = arith.addi %get3A_172, %add3A_173 : vector<16xi32>
    %swap3A_175 = arith.constant 112 : index
    %swap3A_176 = tpu.vector_load %arg17[%swap3A_175] {strides = array<i32>} : memref<128xi32, #tpu.memory_space<vmem>>, vector<16xi32>,
    %swap3A_177 = vector.shape_cast %swap3A_176 : vector<16xi32> to vector<16xi32>
    %swap3A_178 = vector.shape_cast %add3A_174 : vector<16xi32> to vector<16xi32>
    tpu.vector_store %arg17[%swap3A_175], %swap3A_178 {strides = array<i32>} : memref<128xi32, #tpu.memory_space<vmem>>, vector<16xi32>,
    "tpu.region"() ({
      %run_scoped3A = tpu.sem_alloc : memref<!tpu.dma_semaphore, #tpu.memory_space<semaphore_mem>>
      %dma_start3A_419 = tpu.memref_slice %arg8[%add3A_34] : memref<8192xi32, #tpu.memory_space<hbm>> -> memref<128xi32, #tpu.memory_space<hbm>>
      %dma_start3A_420 = tpu.memref_slice %arg8[%add3A_34] : memref<8192xi32, #tpu.memory_space<hbm>> -> memref<128xi32, #tpu.memory_space<hbm>>
      tpu.enqueue_dma source(%dma_start3A_420 : memref<128xi32, #tpu.memory_space<hbm>>) target(%arg18 : memref<128xi32, #tpu.memory_space<vmem>>) target_semaphore(%run_scoped3A : memref<!tpu.dma_semaphore, #tpu.memory_space<semaphore_mem>>)
      %dma_wait3A_421 = tpu.memref_slice %arg8[%add3A_34] : memref<8192xi32, #tpu.memory_space<hbm>> -> memref<128xi32, #tpu.memory_space<hbm>>
      %dma_wait3A_422 = tpu.memref_slice %arg8[%add3A_34] : memref<8192xi32, #tpu.memory_space<hbm>> -> memref<128xi32, #tpu.memory_space<hbm>>
      tpu.wait_dma2 semaphore(%run_scoped3A : memref<!tpu.dma_semaphore, #tpu.memory_space<semaphore_mem>>) src(%dma_wait3A_422 : memref<128xi32, #tpu.memory_space<hbm>>) dst(%arg18 : memref<128xi32, #tpu.memory_space<vmem>>)
      tpu.yield
    }) : () -> ()
    %get3A_179 = arith.constant 0 : index
    %get3A_180 = tpu.vector_load %arg18[%get3A_179] {strides = array<i32>} : memref<128xi32, #tpu.memory_space<vmem>>, vector<16xi32>,
    %get3A_181 = vector.shape_cast %get3A_180 : vector<16xi32> to vector<16xi32>
    %add3A_182 = vector.broadcast %mul3A_22 : i32 to vector<16xi32>
    %add3A_183 = arith.addi %get3A_181, %add3A_182 : vector<16xi32>
    %swap3A_184 = arith.constant 0 : index
    %swap3A_185 = tpu.vector_load %arg18[%swap3A_184] {strides = array<i32>} : memref<128xi32, #tpu.memory_space<vmem>>, vector<16xi32>,
    %swap3A_186 = vector.shape_cast %swap3A_185 : vector<16xi32> to vector<16xi32>
    %swap3A_187 = vector.shape_cast %add3A_183 : vector<16xi32> to vector<16xi32>
    tpu.vector_store %arg18[%swap3A_184], %swap3A_187 {strides = array<i32>} : memref<128xi32, #tpu.memory_space<vmem>>, vector<16xi32>,
    %get3A_188 = arith.constant 16 : index
    %get3A_189 = tpu.vector_load %arg18[%get3A_188] {strides = array<i32>} : memref<128xi32, #tpu.memory_space<vmem>>, vector<16xi32>,
    %get3A_190 = vector.shape_cast %get3A_189 : vector<16xi32> to vector<16xi32>
    %add3A_191 = vector.broadcast %mul3A_22 : i32 to vector<16xi32>
    %add3A_192 = arith.addi %get3A_190, %add3A_191 : vector<16xi32>
    %swap3A_193 = arith.constant 16 : index
    %swap3A_194 = tpu.vector_load %arg18[%swap3A_193] {strides = array<i32>} : memref<128xi32, #tpu.memory_space<vmem>>, vector<16xi32>,
    %swap3A_195 = vector.shape_cast %swap3A_194 : vector<16xi32> to vector<16xi32>
    %swap3A_196 = vector.shape_cast %add3A_192 : vector<16xi32> to vector<16xi32>
    tpu.vector_store %arg18[%swap3A_193], %swap3A_196 {strides = array<i32>} : memref<128xi32, #tpu.memory_space<vmem>>, vector<16xi32>,
    %get3A_197 = arith.constant 32 : index
    %get3A_198 = tpu.vector_load %arg18[%get3A_197] {strides = array<i32>} : memref<128xi32, #tpu.memory_space<vmem>>, vector<16xi32>,
    %get3A_199 = vector.shape_cast %get3A_198 : vector<16xi32> to vector<16xi32>
    %add3A_200 = vector.broadcast %mul3A_22 : i32 to vector<16xi32>
    %add3A_201 = arith.addi %get3A_199, %add3A_200 : vector<16xi32>
    %swap3A_202 = arith.constant 32 : index
    %swap3A_203 = tpu.vector_load %arg18[%swap3A_202] {strides = array<i32>} : memref<128xi32, #tpu.memory_space<vmem>>, vector<16xi32>,
    %swap3A_204 = vector.shape_cast %swap3A_203 : vector<16xi32> to vector<16xi32>
    %swap3A_205 = vector.shape_cast %add3A_201 : vector<16xi32> to vector<16xi32>
    tpu.vector_store %arg18[%swap3A_202], %swap3A_205 {strides = array<i32>} : memref<128xi32, #tpu.memory_space<vmem>>, vector<16xi32>,
    %get3A_206 = arith.constant 48 : index
    %get3A_207 = tpu.vector_load %arg18[%get3A_206] {strides = array<i32>} : memref<128xi32, #tpu.memory_space<vmem>>, vector<16xi32>,
    %get3A_208 = vector.shape_cast %get3A_207 : vector<16xi32> to vector<16xi32>
    %add3A_209 = vector.broadcast %mul3A_22 : i32 to vector<16xi32>
    %add3A_210 = arith.addi %get3A_208, %add3A_209 : vector<16xi32>
    %swap3A_211 = arith.constant 48 : index
    %swap3A_212 = tpu.vector_load %arg18[%swap3A_211] {strides = array<i32>} : memref<128xi32, #tpu.memory_space<vmem>>, vector<16xi32>,
    %swap3A_213 = vector.shape_cast %swap3A_212 : vector<16xi32> to vector<16xi32>
    %swap3A_214 = vector.shape_cast %add3A_210 : vector<16xi32> to vector<16xi32>
    tpu.vector_store %arg18[%swap3A_211], %swap3A_214 {strides = array<i32>} : memref<128xi32, #tpu.memory_space<vmem>>, vector<16xi32>,
    %get3A_215 = arith.constant 64 : index
    %get3A_216 = tpu.vector_load %arg18[%get3A_215] {strides = array<i32>} : memref<128xi32, #tpu.memory_space<vmem>>, vector<16xi32>,
    %get3A_217 = vector.shape_cast %get3A_216 : vector<16xi32> to vector<16xi32>
    %add3A_218 = vector.broadcast %mul3A_22 : i32 to vector<16xi32>
    %add3A_219 = arith.addi %get3A_217, %add3A_218 : vector<16xi32>
    %swap3A_220 = arith.constant 64 : index
    %swap3A_221 = tpu.vector_load %arg18[%swap3A_220] {strides = array<i32>} : memref<128xi32, #tpu.memory_space<vmem>>, vector<16xi32>,
    %swap3A_222 = vector.shape_cast %swap3A_221 : vector<16xi32> to vector<16xi32>
    %swap3A_223 = vector.shape_cast %add3A_219 : vector<16xi32> to vector<16xi32>
    tpu.vector_store %arg18[%swap3A_220], %swap3A_223 {strides = array<i32>} : memref<128xi32, #tpu.memory_space<vmem>>, vector<16xi32>,
    %get3A_224 = arith.constant 80 : index
    %get3A_225 = tpu.vector_load %arg18[%get3A_224] {strides = array<i32>} : memref<128xi32, #tpu.memory_space<vmem>>, vector<16xi32>,
    %get3A_226 = vector.shape_cast %get3A_225 : vector<16xi32> to vector<16xi32>
    %add3A_227 = vector.broadcast %mul3A_22 : i32 to vector<16xi32>
    %add3A_228 = arith.addi %get3A_226, %add3A_227 : vector<16xi32>
    %swap3A_229 = arith.constant 80 : index
    %swap3A_230 = tpu.vector_load %arg18[%swap3A_229] {strides = array<i32>} : memref<128xi32, #tpu.memory_space<vmem>>, vector<16xi32>,
    %swap3A_231 = vector.shape_cast %swap3A_230 : vector<16xi32> to vector<16xi32>
    %swap3A_232 = vector.shape_cast %add3A_228 : vector<16xi32> to vector<16xi32>
    tpu.vector_store %arg18[%swap3A_229], %swap3A_232 {strides = array<i32>} : memref<128xi32, #tpu.memory_space<vmem>>, vector<16xi32>,
    %get3A_233 = arith.constant 96 : index
    %get3A_234 = tpu.vector_load %arg18[%get3A_233] {strides = array<i32>} : memref<128xi32, #tpu.memory_space<vmem>>, vector<16xi32>,
    %get3A_235 = vector.shape_cast %get3A_234 : vector<16xi32> to vector<16xi32>
    %add3A_236 = vector.broadcast %mul3A_22 : i32 to vector<16xi32>
    %add3A_237 = arith.addi %get3A_235, %add3A_236 : vector<16xi32>
    %swap3A_238 = arith.constant 96 : index
    %swap3A_239 = tpu.vector_load %arg18[%swap3A_238] {strides = array<i32>} : memref<128xi32, #tpu.memory_space<vmem>>, vector<16xi32>,
    %swap3A_240 = vector.shape_cast %swap3A_239 : vector<16xi32> to vector<16xi32>
    %swap3A_241 = vector.shape_cast %add3A_237 : vector<16xi32> to vector<16xi32>
    tpu.vector_store %arg18[%swap3A_238], %swap3A_241 {strides = array<i32>} : memref<128xi32, #tpu.memory_space<vmem>>, vector<16xi32>,
    %get3A_242 = arith.constant 112 : index
    %get3A_243 = tpu.vector_load %arg18[%get3A_242] {strides = array<i32>} : memref<128xi32, #tpu.memory_space<vmem>>, vector<16xi32>,
    %get3A_244 = vector.shape_cast %get3A_243 : vector<16xi32> to vector<16xi32>
    %add3A_245 = vector.broadcast %mul3A_22 : i32 to vector<16xi32>
    %add3A_246 = arith.addi %get3A_244, %add3A_245 : vector<16xi32>
    %swap3A_247 = arith.constant 112 : index
    %swap3A_248 = tpu.vector_load %arg18[%swap3A_247] {strides = array<i32>} : memref<128xi32, #tpu.memory_space<vmem>>, vector<16xi32>,
    %swap3A_249 = vector.shape_cast %swap3A_248 : vector<16xi32> to vector<16xi32>
    %swap3A_250 = vector.shape_cast %add3A_246 : vector<16xi32> to vector<16xi32>
    tpu.vector_store %arg18[%swap3A_247], %swap3A_250 {strides = array<i32>} : memref<128xi32, #tpu.memory_space<vmem>>, vector<16xi32>,
    "tpu.region"() ({
      %run_scoped3A = tpu.sem_alloc : memref<!tpu.dma_semaphore, #tpu.memory_space<semaphore_mem>>
      %dma_start3A_419 = tpu.memref_slice %arg8[%add3A_36] : memref<8192xi32, #tpu.memory_space<hbm>> -> memref<128xi32, #tpu.memory_space<hbm>>
      %dma_start3A_420 = tpu.memref_slice %arg8[%add3A_36] : memref<8192xi32, #tpu.memory_space<hbm>> -> memref<128xi32, #tpu.memory_space<hbm>>
      tpu.enqueue_dma source(%dma_start3A_420 : memref<128xi32, #tpu.memory_space<hbm>>) target(%arg19 : memref<128xi32, #tpu.memory_space<vmem>>) target_semaphore(%run_scoped3A : memref<!tpu.dma_semaphore, #tpu.memory_space<semaphore_mem>>)
      %dma_wait3A_421 = tpu.memref_slice %arg8[%add3A_36] : memref<8192xi32, #tpu.memory_space<hbm>> -> memref<128xi32, #tpu.memory_space<hbm>>
      %dma_wait3A_422 = tpu.memref_slice %arg8[%add3A_36] : memref<8192xi32, #tpu.memory_space<hbm>> -> memref<128xi32, #tpu.memory_space<hbm>>
      tpu.wait_dma2 semaphore(%run_scoped3A : memref<!tpu.dma_semaphore, #tpu.memory_space<semaphore_mem>>) src(%dma_wait3A_422 : memref<128xi32, #tpu.memory_space<hbm>>) dst(%arg19 : memref<128xi32, #tpu.memory_space<vmem>>)
      tpu.yield
    }) : () -> ()
    %get3A_251 = arith.constant 0 : index
    %get3A_252 = tpu.vector_load %arg19[%get3A_251] {strides = array<i32>} : memref<128xi32, #tpu.memory_space<vmem>>, vector<16xi32>,
    %get3A_253 = vector.shape_cast %get3A_252 : vector<16xi32> to vector<16xi32>
    %add3A_254 = vector.broadcast %mul3A_22 : i32 to vector<16xi32>
    %add3A_255 = arith.addi %get3A_253, %add3A_254 : vector<16xi32>
    %swap3A_256 = arith.constant 0 : index
    %swap3A_257 = tpu.vector_load %arg19[%swap3A_256] {strides = array<i32>} : memref<128xi32, #tpu.memory_space<vmem>>, vector<16xi32>,
    %swap3A_258 = vector.shape_cast %swap3A_257 : vector<16xi32> to vector<16xi32>
    %swap3A_259 = vector.shape_cast %add3A_255 : vector<16xi32> to vector<16xi32>
    tpu.vector_store %arg19[%swap3A_256], %swap3A_259 {strides = array<i32>} : memref<128xi32, #tpu.memory_space<vmem>>, vector<16xi32>,
    %get3A_260 = arith.constant 16 : index
    %get3A_261 = tpu.vector_load %arg19[%get3A_260] {strides = array<i32>} : memref<128xi32, #tpu.memory_space<vmem>>, vector<16xi32>,
    %get3A_262 = vector.shape_cast %get3A_261 : vector<16xi32> to vector<16xi32>
    %add3A_263 = vector.broadcast %mul3A_22 : i32 to vector<16xi32>
    %add3A_264 = arith.addi %get3A_262, %add3A_263 : vector<16xi32>
    %swap3A_265 = arith.constant 16 : index
    %swap3A_266 = tpu.vector_load %arg19[%swap3A_265] {strides = array<i32>} : memref<128xi32, #tpu.memory_space<vmem>>, vector<16xi32>,
    %swap3A_267 = vector.shape_cast %swap3A_266 : vector<16xi32> to vector<16xi32>
    %swap3A_268 = vector.shape_cast %add3A_264 : vector<16xi32> to vector<16xi32>
    tpu.vector_store %arg19[%swap3A_265], %swap3A_268 {strides = array<i32>} : memref<128xi32, #tpu.memory_space<vmem>>, vector<16xi32>,
    %get3A_269 = arith.constant 32 : index
    %get3A_270 = tpu.vector_load %arg19[%get3A_269] {strides = array<i32>} : memref<128xi32, #tpu.memory_space<vmem>>, vector<16xi32>,
    %get3A_271 = vector.shape_cast %get3A_270 : vector<16xi32> to vector<16xi32>
    %add3A_272 = vector.broadcast %mul3A_22 : i32 to vector<16xi32>
    %add3A_273 = arith.addi %get3A_271, %add3A_272 : vector<16xi32>
    %swap3A_274 = arith.constant 32 : index
    %swap3A_275 = tpu.vector_load %arg19[%swap3A_274] {strides = array<i32>} : memref<128xi32, #tpu.memory_space<vmem>>, vector<16xi32>,
    %swap3A_276 = vector.shape_cast %swap3A_275 : vector<16xi32> to vector<16xi32>
    %swap3A_277 = vector.shape_cast %add3A_273 : vector<16xi32> to vector<16xi32>
    tpu.vector_store %arg19[%swap3A_274], %swap3A_277 {strides = array<i32>} : memref<128xi32, #tpu.memory_space<vmem>>, vector<16xi32>,
    %get3A_278 = arith.constant 48 : index
    %get3A_279 = tpu.vector_load %arg19[%get3A_278] {strides = array<i32>} : memref<128xi32, #tpu.memory_space<vmem>>, vector<16xi32>,
    %get3A_280 = vector.shape_cast %get3A_279 : vector<16xi32> to vector<16xi32>
    %add3A_281 = vector.broadcast %mul3A_22 : i32 to vector<16xi32>
    %add3A_282 = arith.addi %get3A_280, %add3A_281 : vector<16xi32>
    %swap3A_283 = arith.constant 48 : index
    %swap3A_284 = tpu.vector_load %arg19[%swap3A_283] {strides = array<i32>} : memref<128xi32, #tpu.memory_space<vmem>>, vector<16xi32>,
    %swap3A_285 = vector.shape_cast %swap3A_284 : vector<16xi32> to vector<16xi32>
    %swap3A_286 = vector.shape_cast %add3A_282 : vector<16xi32> to vector<16xi32>
    tpu.vector_store %arg19[%swap3A_283], %swap3A_286 {strides = array<i32>} : memref<128xi32, #tpu.memory_space<vmem>>, vector<16xi32>,
    %get3A_287 = arith.constant 64 : index
    %get3A_288 = tpu.vector_load %arg19[%get3A_287] {strides = array<i32>} : memref<128xi32, #tpu.memory_space<vmem>>, vector<16xi32>,
    %get3A_289 = vector.shape_cast %get3A_288 : vector<16xi32> to vector<16xi32>
    %add3A_290 = vector.broadcast %mul3A_22 : i32 to vector<16xi32>
    %add3A_291 = arith.addi %get3A_289, %add3A_290 : vector<16xi32>
    %swap3A_292 = arith.constant 64 : index
    %swap3A_293 = tpu.vector_load %arg19[%swap3A_292] {strides = array<i32>} : memref<128xi32, #tpu.memory_space<vmem>>, vector<16xi32>,
    %swap3A_294 = vector.shape_cast %swap3A_293 : vector<16xi32> to vector<16xi32>
    %swap3A_295 = vector.shape_cast %add3A_291 : vector<16xi32> to vector<16xi32>
    tpu.vector_store %arg19[%swap3A_292], %swap3A_295 {strides = array<i32>} : memref<128xi32, #tpu.memory_space<vmem>>, vector<16xi32>,
    %get3A_296 = arith.constant 80 : index
    %get3A_297 = tpu.vector_load %arg19[%get3A_296] {strides = array<i32>} : memref<128xi32, #tpu.memory_space<vmem>>, vector<16xi32>,
    %get3A_298 = vector.shape_cast %get3A_297 : vector<16xi32> to vector<16xi32>
    %add3A_299 = vector.broadcast %mul3A_22 : i32 to vector<16xi32>
    %add3A_300 = arith.addi %get3A_298, %add3A_299 : vector<16xi32>
    %swap3A_301 = arith.constant 80 : index
    %swap3A_302 = tpu.vector_load %arg19[%swap3A_301] {strides = array<i32>} : memref<128xi32, #tpu.memory_space<vmem>>, vector<16xi32>,
    %swap3A_303 = vector.shape_cast %swap3A_302 : vector<16xi32> to vector<16xi32>
    %swap3A_304 = vector.shape_cast %add3A_300 : vector<16xi32> to vector<16xi32>
    tpu.vector_store %arg19[%swap3A_301], %swap3A_304 {strides = array<i32>} : memref<128xi32, #tpu.memory_space<vmem>>, vector<16xi32>,
    %get3A_305 = arith.constant 96 : index
    %get3A_306 = tpu.vector_load %arg19[%get3A_305] {strides = array<i32>} : memref<128xi32, #tpu.memory_space<vmem>>, vector<16xi32>,
    %get3A_307 = vector.shape_cast %get3A_306 : vector<16xi32> to vector<16xi32>
    %add3A_308 = vector.broadcast %mul3A_22 : i32 to vector<16xi32>
    %add3A_309 = arith.addi %get3A_307, %add3A_308 : vector<16xi32>
    %swap3A_310 = arith.constant 96 : index
    %swap3A_311 = tpu.vector_load %arg19[%swap3A_310] {strides = array<i32>} : memref<128xi32, #tpu.memory_space<vmem>>, vector<16xi32>,
    %swap3A_312 = vector.shape_cast %swap3A_311 : vector<16xi32> to vector<16xi32>
    %swap3A_313 = vector.shape_cast %add3A_309 : vector<16xi32> to vector<16xi32>
    tpu.vector_store %arg19[%swap3A_310], %swap3A_313 {strides = array<i32>} : memref<128xi32, #tpu.memory_space<vmem>>, vector<16xi32>,
    %get3A_314 = arith.constant 112 : index
    %get3A_315 = tpu.vector_load %arg19[%get3A_314] {strides = array<i32>} : memref<128xi32, #tpu.memory_space<vmem>>, vector<16xi32>,
    %get3A_316 = vector.shape_cast %get3A_315 : vector<16xi32> to vector<16xi32>
    %add3A_317 = vector.broadcast %mul3A_22 : i32 to vector<16xi32>
    %add3A_318 = arith.addi %get3A_316, %add3A_317 : vector<16xi32>
    %swap3A_319 = arith.constant 112 : index
    %swap3A_320 = tpu.vector_load %arg19[%swap3A_319] {strides = array<i32>} : memref<128xi32, #tpu.memory_space<vmem>>, vector<16xi32>,
    %swap3A_321 = vector.shape_cast %swap3A_320 : vector<16xi32> to vector<16xi32>
    %swap3A_322 = vector.shape_cast %add3A_318 : vector<16xi32> to vector<16xi32>
    tpu.vector_store %arg19[%swap3A_319], %swap3A_322 {strides = array<i32>} : memref<128xi32, #tpu.memory_space<vmem>>, vector<16xi32>,
    %dma_start3A = arith.constant 0 : i32
    %dma_start3A_323 = arith.constant 0 : i32
    %dma_start3A_324 = tpu.memref_slice %arg2[%dma_start3A, %dma_start3A_323] : memref<4608x128xf32, #tpu.memory_space<hbm>> -> memref<4608x128xf32, #tpu.memory_space<hbm>>
    tpu.enqueue_indirect_dma source(%dma_start3A_324 : memref<4608x128xf32, #tpu.memory_space<hbm>>) target(%arg20 : memref<128x128xf32, #tpu.memory_space<vmem>>) offsets(%arg13 : memref<128xi32, #tpu.memory_space<vmem>>) semaphore(%arg27 : memref<!tpu.dma_semaphore, #tpu.memory_space<semaphore_mem>>)
    %dma_start3A_325 = arith.constant 0 : i32
    %dma_start3A_326 = arith.constant 0 : i32
    %dma_start3A_327 = tpu.memref_slice %arg4[%dma_start3A_325, %dma_start3A_326] : memref<1536x128xf32, #tpu.memory_space<hbm>> -> memref<1536x128xf32, #tpu.memory_space<hbm>>
    tpu.enqueue_indirect_dma source(%dma_start3A_327 : memref<1536x128xf32, #tpu.memory_space<hbm>>) target(%arg21 : memref<128x128xf32, #tpu.memory_space<vmem>>) offsets(%arg14 : memref<128xi32, #tpu.memory_space<vmem>>) semaphore(%arg27 : memref<!tpu.dma_semaphore, #tpu.memory_space<semaphore_mem>>)
    %dma_start3A_328 = arith.constant 0 : i32
    %dma_start3A_329 = arith.constant 0 : i32
    %dma_start3A_330 = tpu.memref_slice %arg4[%dma_start3A_328, %dma_start3A_329] : memref<1536x128xf32, #tpu.memory_space<hbm>> -> memref<1536x128xf32, #tpu.memory_space<hbm>>
    tpu.enqueue_indirect_dma source(%dma_start3A_330 : memref<1536x128xf32, #tpu.memory_space<hbm>>) target(%arg22 : memref<128x128xf32, #tpu.memory_space<vmem>>) offsets(%arg15 : memref<128xi32, #tpu.memory_space<vmem>>) semaphore(%arg27 : memref<!tpu.dma_semaphore, #tpu.memory_space<semaphore_mem>>)
    %dma_start3A_331 = arith.constant 0 : i32
    %dma_start3A_332 = arith.constant 0 : i32
    %dma_start3A_333 = tpu.memref_slice %arg6[%dma_start3A_331, %dma_start3A_332] : memref<4096x128xf32, #tpu.memory_space<hbm>> -> memref<4096x128xf32, #tpu.memory_space<hbm>>
    tpu.enqueue_indirect_dma source(%dma_start3A_333 : memref<4096x128xf32, #tpu.memory_space<hbm>>) target(%arg23 : memref<128x128xf32, #tpu.memory_space<vmem>>) offsets(%arg16 : memref<128xi32, #tpu.memory_space<vmem>>) semaphore(%arg27 : memref<!tpu.dma_semaphore, #tpu.memory_space<semaphore_mem>>)
    %dma_start3A_334 = arith.constant 0 : i32
    %dma_start3A_335 = arith.constant 0 : i32
    %dma_start3A_336 = tpu.memref_slice %arg6[%dma_start3A_334, %dma_start3A_335] : memref<4096x128xf32, #tpu.memory_space<hbm>> -> memref<4096x128xf32, #tpu.memory_space<hbm>>
    tpu.enqueue_indirect_dma source(%dma_start3A_336 : memref<4096x128xf32, #tpu.memory_space<hbm>>) target(%arg24 : memref<128x128xf32, #tpu.memory_space<vmem>>) offsets(%arg17 : memref<128xi32, #tpu.memory_space<vmem>>) semaphore(%arg27 : memref<!tpu.dma_semaphore, #tpu.memory_space<semaphore_mem>>)
    %dma_start3A_337 = arith.constant 0 : i32
    %dma_start3A_338 = arith.constant 0 : i32
    %dma_start3A_339 = tpu.memref_slice %arg6[%dma_start3A_337, %dma_start3A_338] : memref<4096x128xf32, #tpu.memory_space<hbm>> -> memref<4096x128xf32, #tpu.memory_space<hbm>>
    tpu.enqueue_indirect_dma source(%dma_start3A_339 : memref<4096x128xf32, #tpu.memory_space<hbm>>) target(%arg25 : memref<128x128xf32, #tpu.memory_space<vmem>>) offsets(%arg18 : memref<128xi32, #tpu.memory_space<vmem>>) semaphore(%arg27 : memref<!tpu.dma_semaphore, #tpu.memory_space<semaphore_mem>>)
    %dma_start3A_340 = arith.constant 0 : i32
    %dma_start3A_341 = arith.constant 0 : i32
    %dma_start3A_342 = tpu.memref_slice %arg6[%dma_start3A_340, %dma_start3A_341] : memref<4096x128xf32, #tpu.memory_space<hbm>> -> memref<4096x128xf32, #tpu.memory_space<hbm>>
    tpu.enqueue_indirect_dma source(%dma_start3A_342 : memref<4096x128xf32, #tpu.memory_space<hbm>>) target(%arg26 : memref<128x128xf32, #tpu.memory_space<vmem>>) offsets(%arg19 : memref<128xi32, #tpu.memory_space<vmem>>) semaphore(%arg27 : memref<!tpu.dma_semaphore, #tpu.memory_space<semaphore_mem>>)
    %dma_wait3A = arith.constant 0 : i32
    %dma_wait3A_343 = arith.constant 0 : i32
    %dma_wait3A_344 = tpu.memref_slice %arg2[%dma_wait3A, %dma_wait3A_343] : memref<4608x128xf32, #tpu.memory_space<hbm>> -> memref<4608x128xf32, #tpu.memory_space<hbm>>
    tpu.wait_indirect_dma semaphore(%arg27 : memref<!tpu.dma_semaphore, #tpu.memory_space<semaphore_mem>>) src(%dma_wait3A_344 : memref<4608x128xf32, #tpu.memory_space<hbm>>) dst(%arg20 : memref<128x128xf32, #tpu.memory_space<vmem>>)
    %dma_wait3A_345 = arith.constant 0 : i32
    %dma_wait3A_346 = arith.constant 0 : i32
    %dma_wait3A_347 = tpu.memref_slice %arg4[%dma_wait3A_345, %dma_wait3A_346] : memref<1536x128xf32, #tpu.memory_space<hbm>> -> memref<1536x128xf32, #tpu.memory_space<hbm>>
    tpu.wait_indirect_dma semaphore(%arg27 : memref<!tpu.dma_semaphore, #tpu.memory_space<semaphore_mem>>) src(%dma_wait3A_347 : memref<1536x128xf32, #tpu.memory_space<hbm>>) dst(%arg21 : memref<128x128xf32, #tpu.memory_space<vmem>>)
    %dma_wait3A_348 = arith.constant 0 : i32
    %dma_wait3A_349 = arith.constant 0 : i32
    %dma_wait3A_350 = tpu.memref_slice %arg4[%dma_wait3A_348, %dma_wait3A_349] : memref<1536x128xf32, #tpu.memory_space<hbm>> -> memref<1536x128xf32, #tpu.memory_space<hbm>>
    tpu.wait_indirect_dma semaphore(%arg27 : memref<!tpu.dma_semaphore, #tpu.memory_space<semaphore_mem>>) src(%dma_wait3A_350 : memref<1536x128xf32, #tpu.memory_space<hbm>>) dst(%arg22 : memref<128x128xf32, #tpu.memory_space<vmem>>)
    %dma_wait3A_351 = arith.constant 0 : i32
    %dma_wait3A_352 = arith.constant 0 : i32
    %dma_wait3A_353 = tpu.memref_slice %arg6[%dma_wait3A_351, %dma_wait3A_352] : memref<4096x128xf32, #tpu.memory_space<hbm>> -> memref<4096x128xf32, #tpu.memory_space<hbm>>
    tpu.wait_indirect_dma semaphore(%arg27 : memref<!tpu.dma_semaphore, #tpu.memory_space<semaphore_mem>>) src(%dma_wait3A_353 : memref<4096x128xf32, #tpu.memory_space<hbm>>) dst(%arg23 : memref<128x128xf32, #tpu.memory_space<vmem>>)
    %dma_wait3A_354 = arith.constant 0 : i32
    %dma_wait3A_355 = arith.constant 0 : i32
    %dma_wait3A_356 = tpu.memref_slice %arg6[%dma_wait3A_354, %dma_wait3A_355] : memref<4096x128xf32, #tpu.memory_space<hbm>> -> memref<4096x128xf32, #tpu.memory_space<hbm>>
    tpu.wait_indirect_dma semaphore(%arg27 : memref<!tpu.dma_semaphore, #tpu.memory_space<semaphore_mem>>) src(%dma_wait3A_356 : memref<4096x128xf32, #tpu.memory_space<hbm>>) dst(%arg24 : memref<128x128xf32, #tpu.memory_space<vmem>>)
    %dma_wait3A_357 = arith.constant 0 : i32
    %dma_wait3A_358 = arith.constant 0 : i32
    %dma_wait3A_359 = tpu.memref_slice %arg6[%dma_wait3A_357, %dma_wait3A_358] : memref<4096x128xf32, #tpu.memory_space<hbm>> -> memref<4096x128xf32, #tpu.memory_space<hbm>>
    tpu.wait_indirect_dma semaphore(%arg27 : memref<!tpu.dma_semaphore, #tpu.memory_space<semaphore_mem>>) src(%dma_wait3A_359 : memref<4096x128xf32, #tpu.memory_space<hbm>>) dst(%arg25 : memref<128x128xf32, #tpu.memory_space<vmem>>)
    %dma_wait3A_360 = arith.constant 0 : i32
    %dma_wait3A_361 = arith.constant 0 : i32
    %dma_wait3A_362 = tpu.memref_slice %arg6[%dma_wait3A_360, %dma_wait3A_361] : memref<4096x128xf32, #tpu.memory_space<hbm>> -> memref<4096x128xf32, #tpu.memory_space<hbm>>
    tpu.wait_indirect_dma semaphore(%arg27 : memref<!tpu.dma_semaphore, #tpu.memory_space<semaphore_mem>>) src(%dma_wait3A_362 : memref<4096x128xf32, #tpu.memory_space<hbm>>) dst(%arg26 : memref<128x128xf32, #tpu.memory_space<vmem>>)
    %dma_start3A_363 = arith.constant 0 : i32
    %dma_start3A_364 = tpu.memref_slice %arg9[%add3A_24, %dma_start3A_363] : memref<4096x128xf32, #tpu.memory_space<hbm>> -> memref<128x128xf32, #tpu.memory_space<hbm>>
    %dma_start3A_365 = arith.constant 0 : i32
    %dma_start3A_366 = tpu.memref_slice %arg9[%add3A_24, %dma_start3A_365] : memref<4096x128xf32, #tpu.memory_space<hbm>> -> memref<128x128xf32, #tpu.memory_space<hbm>>
    tpu.enqueue_dma source(%arg20 : memref<128x128xf32, #tpu.memory_space<vmem>>) target(%dma_start3A_366 : memref<128x128xf32, #tpu.memory_space<hbm>>) target_semaphore(%arg28 : memref<!tpu.dma_semaphore, #tpu.memory_space<semaphore_mem>>)
    %dma_start3A_367 = arith.constant 0 : i32
    %dma_start3A_368 = tpu.memref_slice %arg10[%add3A_26, %dma_start3A_367] : memref<8192x128xf32, #tpu.memory_space<hbm>> -> memref<128x128xf32, #tpu.memory_space<hbm>>
    %dma_start3A_369 = arith.constant 0 : i32
    %dma_start3A_370 = tpu.memref_slice %arg10[%add3A_26, %dma_start3A_369] : memref<8192x128xf32, #tpu.memory_space<hbm>> -> memref<128x128xf32, #tpu.memory_space<hbm>>
    tpu.enqueue_dma source(%arg21 : memref<128x128xf32, #tpu.memory_space<vmem>>) target(%dma_start3A_370 : memref<128x128xf32, #tpu.memory_space<hbm>>) target_semaphore(%arg28 : memref<!tpu.dma_semaphore, #tpu.memory_space<semaphore_mem>>)
    %dma_start3A_371 = arith.constant 0 : i32
    %dma_start3A_372 = tpu.memref_slice %arg10[%add3A_28, %dma_start3A_371] : memref<8192x128xf32, #tpu.memory_space<hbm>> -> memref<128x128xf32, #tpu.memory_space<hbm>>
    %dma_start3A_373 = arith.constant 0 : i32
    %dma_start3A_374 = tpu.memref_slice %arg10[%add3A_28, %dma_start3A_373] : memref<8192x128xf32, #tpu.memory_space<hbm>> -> memref<128x128xf32, #tpu.memory_space<hbm>>
    tpu.enqueue_dma source(%arg22 : memref<128x128xf32, #tpu.memory_space<vmem>>) target(%dma_start3A_374 : memref<128x128xf32, #tpu.memory_space<hbm>>) target_semaphore(%arg28 : memref<!tpu.dma_semaphore, #tpu.memory_space<semaphore_mem>>)
    %dma_start3A_375 = arith.constant 0 : i32
    %dma_start3A_376 = tpu.memref_slice %arg11[%add3A_30, %dma_start3A_375] : memref<8192x128xf32, #tpu.memory_space<hbm>> -> memref<128x128xf32, #tpu.memory_space<hbm>>
    %dma_start3A_377 = arith.constant 0 : i32
    %dma_start3A_378 = tpu.memref_slice %arg11[%add3A_30, %dma_start3A_377] : memref<8192x128xf32, #tpu.memory_space<hbm>> -> memref<128x128xf32, #tpu.memory_space<hbm>>
    tpu.enqueue_dma source(%arg23 : memref<128x128xf32, #tpu.memory_space<vmem>>) target(%dma_start3A_378 : memref<128x128xf32, #tpu.memory_space<hbm>>) target_semaphore(%arg28 : memref<!tpu.dma_semaphore, #tpu.memory_space<semaphore_mem>>)
    %dma_start3A_379 = arith.constant 0 : i32
    %dma_start3A_380 = tpu.memref_slice %arg11[%add3A_32, %dma_start3A_379] : memref<8192x128xf32, #tpu.memory_space<hbm>> -> memref<128x128xf32, #tpu.memory_space<hbm>>
    %dma_start3A_381 = arith.constant 0 : i32
    %dma_start3A_382 = tpu.memref_slice %arg11[%add3A_32, %dma_start3A_381] : memref<8192x128xf32, #tpu.memory_space<hbm>> -> memref<128x128xf32, #tpu.memory_space<hbm>>
    tpu.enqueue_dma source(%arg24 : memref<128x128xf32, #tpu.memory_space<vmem>>) target(%dma_start3A_382 : memref<128x128xf32, #tpu.memory_space<hbm>>) target_semaphore(%arg28 : memref<!tpu.dma_semaphore, #tpu.memory_space<semaphore_mem>>)
    %dma_start3A_383 = arith.constant 0 : i32
    %dma_start3A_384 = tpu.memref_slice %arg12[%add3A_34, %dma_start3A_383] : memref<8192x128xf32, #tpu.memory_space<hbm>> -> memref<128x128xf32, #tpu.memory_space<hbm>>
    %dma_start3A_385 = arith.constant 0 : i32
    %dma_start3A_386 = tpu.memref_slice %arg12[%add3A_34, %dma_start3A_385] : memref<8192x128xf32, #tpu.memory_space<hbm>> -> memref<128x128xf32, #tpu.memory_space<hbm>>
    tpu.enqueue_dma source(%arg25 : memref<128x128xf32, #tpu.memory_space<vmem>>) target(%dma_start3A_386 : memref<128x128xf32, #tpu.memory_space<hbm>>) target_semaphore(%arg28 : memref<!tpu.dma_semaphore, #tpu.memory_space<semaphore_mem>>)
    %dma_start3A_387 = arith.constant 0 : i32
    %dma_start3A_388 = tpu.memref_slice %arg12[%add3A_36, %dma_start3A_387] : memref<8192x128xf32, #tpu.memory_space<hbm>> -> memref<128x128xf32, #tpu.memory_space<hbm>>
    %dma_start3A_389 = arith.constant 0 : i32
    %dma_start3A_390 = tpu.memref_slice %arg12[%add3A_36, %dma_start3A_389] : memref<8192x128xf32, #tpu.memory_space<hbm>> -> memref<128x128xf32, #tpu.memory_space<hbm>>
    tpu.enqueue_dma source(%arg26 : memref<128x128xf32, #tpu.memory_space<vmem>>) target(%dma_start3A_390 : memref<128x128xf32, #tpu.memory_space<hbm>>) target_semaphore(%arg28 : memref<!tpu.dma_semaphore, #tpu.memory_space<semaphore_mem>>)
    %dma_wait3A_391 = arith.constant 0 : i32
    %dma_wait3A_392 = tpu.memref_slice %arg9[%add3A_24, %dma_wait3A_391] : memref<4096x128xf32, #tpu.memory_space<hbm>> -> memref<128x128xf32, #tpu.memory_space<hbm>>
    %dma_wait3A_393 = arith.constant 0 : i32
    %dma_wait3A_394 = tpu.memref_slice %arg9[%add3A_24, %dma_wait3A_393] : memref<4096x128xf32, #tpu.memory_space<hbm>> -> memref<128x128xf32, #tpu.memory_space<hbm>>
    tpu.wait_dma2 semaphore(%arg28 : memref<!tpu.dma_semaphore, #tpu.memory_space<semaphore_mem>>) src(%arg20 : memref<128x128xf32, #tpu.memory_space<vmem>>) dst(%dma_wait3A_394 : memref<128x128xf32, #tpu.memory_space<hbm>>)
    %dma_wait3A_395 = arith.constant 0 : i32
    %dma_wait3A_396 = tpu.memref_slice %arg10[%add3A_26, %dma_wait3A_395] : memref<8192x128xf32, #tpu.memory_space<hbm>> -> memref<128x128xf32, #tpu.memory_space<hbm>>
    %dma_wait3A_397 = arith.constant 0 : i32
    %dma_wait3A_398 = tpu.memref_slice %arg10[%add3A_26, %dma_wait3A_397] : memref<8192x128xf32, #tpu.memory_space<hbm>> -> memref<128x128xf32, #tpu.memory_space<hbm>>
    tpu.wait_dma2 semaphore(%arg28 : memref<!tpu.dma_semaphore, #tpu.memory_space<semaphore_mem>>) src(%arg21 : memref<128x128xf32, #tpu.memory_space<vmem>>) dst(%dma_wait3A_398 : memref<128x128xf32, #tpu.memory_space<hbm>>)
    %dma_wait3A_399 = arith.constant 0 : i32
    %dma_wait3A_400 = tpu.memref_slice %arg10[%add3A_28, %dma_wait3A_399] : memref<8192x128xf32, #tpu.memory_space<hbm>> -> memref<128x128xf32, #tpu.memory_space<hbm>>
    %dma_wait3A_401 = arith.constant 0 : i32
    %dma_wait3A_402 = tpu.memref_slice %arg10[%add3A_28, %dma_wait3A_401] : memref<8192x128xf32, #tpu.memory_space<hbm>> -> memref<128x128xf32, #tpu.memory_space<hbm>>
    tpu.wait_dma2 semaphore(%arg28 : memref<!tpu.dma_semaphore, #tpu.memory_space<semaphore_mem>>) src(%arg22 : memref<128x128xf32, #tpu.memory_space<vmem>>) dst(%dma_wait3A_402 : memref<128x128xf32, #tpu.memory_space<hbm>>)
    %dma_wait3A_403 = arith.constant 0 : i32
    %dma_wait3A_404 = tpu.memref_slice %arg11[%add3A_30, %dma_wait3A_403] : memref<8192x128xf32, #tpu.memory_space<hbm>> -> memref<128x128xf32, #tpu.memory_space<hbm>>
    %dma_wait3A_405 = arith.constant 0 : i32
    %dma_wait3A_406 = tpu.memref_slice %arg11[%add3A_30, %dma_wait3A_405] : memref<8192x128xf32, #tpu.memory_space<hbm>> -> memref<128x128xf32, #tpu.memory_space<hbm>>
    tpu.wait_dma2 semaphore(%arg28 : memref<!tpu.dma_semaphore, #tpu.memory_space<semaphore_mem>>) src(%arg23 : memref<128x128xf32, #tpu.memory_space<vmem>>) dst(%dma_wait3A_406 : memref<128x128xf32, #tpu.memory_space<hbm>>)
    %dma_wait3A_407 = arith.constant 0 : i32
    %dma_wait3A_408 = tpu.memref_slice %arg11[%add3A_32, %dma_wait3A_407] : memref<8192x128xf32, #tpu.memory_space<hbm>> -> memref<128x128xf32, #tpu.memory_space<hbm>>
    %dma_wait3A_409 = arith.constant 0 : i32
    %dma_wait3A_410 = tpu.memref_slice %arg11[%add3A_32, %dma_wait3A_409] : memref<8192x128xf32, #tpu.memory_space<hbm>> -> memref<128x128xf32, #tpu.memory_space<hbm>>
    tpu.wait_dma2 semaphore(%arg28 : memref<!tpu.dma_semaphore, #tpu.memory_space<semaphore_mem>>) src(%arg24 : memref<128x128xf32, #tpu.memory_space<vmem>>) dst(%dma_wait3A_410 : memref<128x128xf32, #tpu.memory_space<hbm>>)
    %dma_wait3A_411 = arith.constant 0 : i32
    %dma_wait3A_412 = tpu.memref_slice %arg12[%add3A_34, %dma_wait3A_411] : memref<8192x128xf32, #tpu.memory_space<hbm>> -> memref<128x128xf32, #tpu.memory_space<hbm>>
    %dma_wait3A_413 = arith.constant 0 : i32
    %dma_wait3A_414 = tpu.memref_slice %arg12[%add3A_34, %dma_wait3A_413] : memref<8192x128xf32, #tpu.memory_space<hbm>> -> memref<128x128xf32, #tpu.memory_space<hbm>>
    tpu.wait_dma2 semaphore(%arg28 : memref<!tpu.dma_semaphore, #tpu.memory_space<semaphore_mem>>) src(%arg25 : memref<128x128xf32, #tpu.memory_space<vmem>>) dst(%dma_wait3A_414 : memref<128x128xf32, #tpu.memory_space<hbm>>)
    %dma_wait3A_415 = arith.constant 0 : i32
    %dma_wait3A_416 = tpu.memref_slice %arg12[%add3A_36, %dma_wait3A_415] : memref<8192x128xf32, #tpu.memory_space<hbm>> -> memref<128x128xf32, #tpu.memory_space<hbm>>
    %dma_wait3A_417 = arith.constant 0 : i32
    %dma_wait3A_418 = tpu.memref_slice %arg12[%add3A_36, %dma_wait3A_417] : memref<8192x128xf32, #tpu.memory_space<hbm>> -> memref<128x128xf32, #tpu.memory_space<hbm>>
    tpu.wait_dma2 semaphore(%arg28 : memref<!tpu.dma_semaphore, #tpu.memory_space<semaphore_mem>>) src(%arg26 : memref<128x128xf32, #tpu.memory_space<vmem>>) dst(%dma_wait3A_418 : memref<128x128xf32, #tpu.memory_space<hbm>>)
    return
  }
}

module attributes {stable_mosaic.version = 14 : i64} {
  func.func @_layer_body(%arg0: i32, %arg1: memref<1x1544x128xf32, #tpu.memory_space<vmem>>, %arg2: memref<128x128xf32, #tpu.memory_space<vmem>>, %arg3: memref<1x128xf32, #tpu.memory_space<vmem>>, %arg4: memref<128x128xf32, #tpu.memory_space<vmem>>, %arg5: memref<1x128xf32, #tpu.memory_space<vmem>>, %arg6: memref<128x128xf32, #tpu.memory_space<vmem>>, %arg7: memref<1x128xf32, #tpu.memory_space<vmem>>, %arg8: memref<128x128xf32, #tpu.memory_space<vmem>>, %arg9: memref<1x128xf32, #tpu.memory_space<vmem>>, %arg10: memref<1x128xf32, #tpu.memory_space<vmem>>, %arg11: memref<1x128xf32, #tpu.memory_space<vmem>>, %arg12: memref<1x128xf32, #tpu.memory_space<vmem>>, %arg13: memref<1x128xf32, #tpu.memory_space<vmem>>, %arg14: memref<128x512xf32, #tpu.memory_space<vmem>>, %arg15: memref<1x512xf32, #tpu.memory_space<vmem>>, %arg16: memref<512x128xf32, #tpu.memory_space<vmem>>, %arg17: memref<1x128xf32, #tpu.memory_space<vmem>>, %arg18: memref<1x128xf32, #tpu.memory_space<vmem>>, %arg19: memref<1x128xf32, #tpu.memory_space<vmem>>, %arg20: memref<1x1544x128xf32, #tpu.memory_space<vmem>>) attributes {dimension_semantics = [#tpu.dimension_semantics<arbitrary>], iteration_bounds = array<i64: 8>, scalar_prefetch = 0 : i64, scratch_operands = 0 : i64, tpu.core_type = #tpu.core_type<tc>, window_params = [{transform_indices = @transform_0, window_bounds = array<i64: 1, 1544, 128>}, {pipeline_mode = #tpu.pipeline_mode<synchronous>, transform_indices = @transform_1, window_bounds = array<i64: 128, 128>}, {pipeline_mode = #tpu.pipeline_mode<synchronous>, transform_indices = @transform_2, window_bounds = array<i64: 1, 128>}, {pipeline_mode = #tpu.pipeline_mode<synchronous>, transform_indices = @transform_3, window_bounds = array<i64: 128, 128>}, {pipeline_mode = #tpu.pipeline_mode<synchronous>, transform_indices = @transform_4, window_bounds = array<i64: 1, 128>}, {pipeline_mode = #tpu.pipeline_mode<synchronous>, transform_indices = @transform_5, window_bounds = array<i64: 128, 128>}, {pipeline_mode = #tpu.pipeline_mode<synchronous>, transform_indices = @transform_6, window_bounds = array<i64: 1, 128>}, {pipeline_mode = #tpu.pipeline_mode<synchronous>, transform_indices = @transform_7, window_bounds = array<i64: 128, 128>}, {pipeline_mode = #tpu.pipeline_mode<synchronous>, transform_indices = @transform_8, window_bounds = array<i64: 1, 128>}, {pipeline_mode = #tpu.pipeline_mode<synchronous>, transform_indices = @transform_9, window_bounds = array<i64: 1, 128>}, {pipeline_mode = #tpu.pipeline_mode<synchronous>, transform_indices = @transform_10, window_bounds = array<i64: 1, 128>}, {pipeline_mode = #tpu.pipeline_mode<synchronous>, transform_indices = @transform_11, window_bounds = array<i64: 1, 128>}, {pipeline_mode = #tpu.pipeline_mode<synchronous>, transform_indices = @transform_12, window_bounds = array<i64: 1, 128>}, {pipeline_mode = #tpu.pipeline_mode<synchronous>, transform_indices = @transform_13, window_bounds = array<i64: 128, 512>}, {pipeline_mode = #tpu.pipeline_mode<synchronous>, transform_indices = @transform_14, window_bounds = array<i64: 1, 512>}, {pipeline_mode = #tpu.pipeline_mode<synchronous>, transform_indices = @transform_15, window_bounds = array<i64: 512, 128>}, {pipeline_mode = #tpu.pipeline_mode<synchronous>, transform_indices = @transform_16, window_bounds = array<i64: 1, 128>}, {pipeline_mode = #tpu.pipeline_mode<synchronous>, transform_indices = @transform_17, window_bounds = array<i64: 1, 128>}, {pipeline_mode = #tpu.pipeline_mode<synchronous>, transform_indices = @transform_18, window_bounds = array<i64: 1, 128>}, {transform_indices = @transform_19, window_bounds = array<i64: 1, 1544, 128>}]} {
    %get3A = arith.constant 0 : index
    %get3A_0 = arith.constant 0 : index
    %get3A_1 = arith.constant 0 : index
    %get3A_2 = vector.load %arg1[%get3A, %get3A_0, %get3A_1] : memref<1x1544x128xf32, #tpu.memory_space<vmem>>, vector<1x1544x128xf32>
    %get3A_3 = vector.shape_cast %get3A_2 : vector<1x1544x128xf32> to vector<1544x128xf32>
    %get3A_4 = arith.constant 0 : index
    %get3A_5 = arith.constant 0 : index
    %get3A_6 = vector.load %arg2[%get3A_4, %get3A_5] : memref<128x128xf32, #tpu.memory_space<vmem>>, vector<128x128xf32>
    %get3A_7 = arith.constant 0 : index
    %get3A_8 = arith.constant 0 : index
    %get3A_9 = vector.load %arg3[%get3A_7, %get3A_8] : memref<1x128xf32, #tpu.memory_space<vmem>>, vector<1x128xf32>
    %get3A_10 = arith.constant 0 : index
    %get3A_11 = arith.constant 0 : index
    %get3A_12 = vector.load %arg4[%get3A_10, %get3A_11] : memref<128x128xf32, #tpu.memory_space<vmem>>, vector<128x128xf32>
    %get3A_13 = arith.constant 0 : index
    %get3A_14 = arith.constant 0 : index
    %get3A_15 = vector.load %arg5[%get3A_13, %get3A_14] : memref<1x128xf32, #tpu.memory_space<vmem>>, vector<1x128xf32>
    %get3A_16 = arith.constant 0 : index
    %get3A_17 = arith.constant 0 : index
    %get3A_18 = vector.load %arg6[%get3A_16, %get3A_17] : memref<128x128xf32, #tpu.memory_space<vmem>>, vector<128x128xf32>
    %get3A_19 = arith.constant 0 : index
    %get3A_20 = arith.constant 0 : index
    %get3A_21 = vector.load %arg7[%get3A_19, %get3A_20] : memref<1x128xf32, #tpu.memory_space<vmem>>, vector<1x128xf32>
    %get3A_22 = arith.constant 0 : index
    %get3A_23 = arith.constant 0 : index
    %get3A_24 = vector.load %arg8[%get3A_22, %get3A_23] : memref<128x128xf32, #tpu.memory_space<vmem>>, vector<128x128xf32>
    %get3A_25 = arith.constant 0 : index
    %get3A_26 = arith.constant 0 : index
    %get3A_27 = vector.load %arg9[%get3A_25, %get3A_26] : memref<1x128xf32, #tpu.memory_space<vmem>>, vector<1x128xf32>
    %get3A_28 = arith.constant 0 : index
    %get3A_29 = arith.constant 0 : index
    %get3A_30 = vector.load %arg10[%get3A_28, %get3A_29] : memref<1x128xf32, #tpu.memory_space<vmem>>, vector<1x128xf32>
    %get3A_31 = arith.constant 0 : index
    %get3A_32 = arith.constant 0 : index
    %get3A_33 = vector.load %arg11[%get3A_31, %get3A_32] : memref<1x128xf32, #tpu.memory_space<vmem>>, vector<1x128xf32>
    %get3A_34 = arith.constant 0 : index
    %get3A_35 = arith.constant 0 : index
    %get3A_36 = vector.load %arg12[%get3A_34, %get3A_35] : memref<1x128xf32, #tpu.memory_space<vmem>>, vector<1x128xf32>
    %get3A_37 = arith.constant 0 : index
    %get3A_38 = arith.constant 0 : index
    %get3A_39 = vector.load %arg13[%get3A_37, %get3A_38] : memref<1x128xf32, #tpu.memory_space<vmem>>, vector<1x128xf32>
    %get3A_40 = arith.constant 0 : index
    %get3A_41 = arith.constant 0 : index
    %get3A_42 = vector.load %arg14[%get3A_40, %get3A_41] : memref<128x512xf32, #tpu.memory_space<vmem>>, vector<128x512xf32>
    %get3A_43 = arith.constant 0 : index
    %get3A_44 = arith.constant 0 : index
    %get3A_45 = vector.load %arg15[%get3A_43, %get3A_44] : memref<1x512xf32, #tpu.memory_space<vmem>>, vector<1x512xf32>
    %get3A_46 = arith.constant 0 : index
    %get3A_47 = arith.constant 0 : index
    %get3A_48 = vector.load %arg16[%get3A_46, %get3A_47] : memref<512x128xf32, #tpu.memory_space<vmem>>, vector<512x128xf32>
    %get3A_49 = arith.constant 0 : index
    %get3A_50 = arith.constant 0 : index
    %get3A_51 = vector.load %arg17[%get3A_49, %get3A_50] : memref<1x128xf32, #tpu.memory_space<vmem>>, vector<1x128xf32>
    %reduce_sum3A = arith.constant dense<0.000000e+00> : vector<1544xf32>
    %reduce_sum3A_52 = vector.multi_reduction <add>, %get3A_3, %reduce_sum3A [1] : vector<1544x128xf32> to vector<1544xf32>
    %broadcast_in_dim3A = vector.shape_cast %reduce_sum3A_52 : vector<1544xf32> to vector<1544x1xf32>
    %div3A = arith.constant 1.280000e+02 : f32
    %div3A_53 = vector.broadcast %div3A : f32 to vector<1544x1xf32>
    %div3A_54 = arith.divf %broadcast_in_dim3A, %div3A_53 : vector<1544x1xf32>
    %sub3A = vector.broadcast %div3A_54 : vector<1544x1xf32> to vector<1544x128xf32>
    %sub3A_55 = arith.subf %get3A_3, %sub3A : vector<1544x128xf32>
    %integer_pow3A = arith.mulf %sub3A_55, %sub3A_55 : vector<1544x128xf32>
    %reduce_sum3A_56 = arith.constant dense<0.000000e+00> : vector<1544xf32>
    %reduce_sum3A_57 = vector.multi_reduction <add>, %integer_pow3A, %reduce_sum3A_56 [1] : vector<1544x128xf32> to vector<1544xf32>
    %broadcast_in_dim3A_58 = vector.shape_cast %reduce_sum3A_57 : vector<1544xf32> to vector<1544x1xf32>
    %div3A_59 = arith.constant 1.280000e+02 : f32
    %div3A_60 = vector.broadcast %div3A_59 : f32 to vector<1544x1xf32>
    %div3A_61 = arith.divf %broadcast_in_dim3A_58, %div3A_60 : vector<1544x1xf32>
    %sub3A_62 = vector.broadcast %div3A_54 : vector<1544x1xf32> to vector<1544x128xf32>
    %sub3A_63 = arith.subf %get3A_3, %sub3A_62 : vector<1544x128xf32>
    %add3A = arith.constant 9.99999974E-6 : f32
    %add3A_64 = vector.broadcast %add3A : f32 to vector<1544x1xf32>
    %add3A_65 = arith.addf %div3A_61, %add3A_64 : vector<1544x1xf32>
    %rsqrt3A = math.rsqrt %add3A_65 : vector<1544x1xf32>
    %mul3A = vector.broadcast %rsqrt3A : vector<1544x1xf32> to vector<1544x128xf32>
    %mul3A_66 = arith.mulf %sub3A_63, %mul3A : vector<1544x128xf32>
    %mul3A_67 = vector.broadcast %get3A_30 : vector<1x128xf32> to vector<1544x128xf32>
    %mul3A_68 = arith.mulf %mul3A_66, %mul3A_67 : vector<1544x128xf32>
    %add3A_69 = vector.broadcast %get3A_33 : vector<1x128xf32> to vector<1544x128xf32>
    %add3A_70 = arith.addf %mul3A_68, %add3A_69 : vector<1544x128xf32>
    %dot_general3A = arith.constant dense<0.000000e+00> : vector<1544x128xf32>
    %dot_general3A_71 = tpu.matmul %add3A_70, %get3A_6, %dot_general3A {dimension_numbers = #tpu.dot_dimension_numbers<[1], [0], [0], [1], [0, 0, 1, 1], [], []>, transpose_lhs_hint = false} : vector<1544x128xf32>, vector<128x128xf32>, vector<1544x128xf32> -> vector<1544x128xf32>
    %add3A_72 = vector.broadcast %get3A_9 : vector<1x128xf32> to vector<1544x128xf32>
    %add3A_73 = arith.addf %dot_general3A_71, %add3A_72 : vector<1544x128xf32>
    %dot_general3A_74 = arith.constant dense<0.000000e+00> : vector<1544x128xf32>
    %dot_general3A_75 = tpu.matmul %add3A_70, %get3A_12, %dot_general3A_74 {dimension_numbers = #tpu.dot_dimension_numbers<[1], [0], [0], [1], [0, 0, 1, 1], [], []>, transpose_lhs_hint = false} : vector<1544x128xf32>, vector<128x128xf32>, vector<1544x128xf32> -> vector<1544x128xf32>
    %add3A_76 = vector.broadcast %get3A_15 : vector<1x128xf32> to vector<1544x128xf32>
    %add3A_77 = arith.addf %dot_general3A_75, %add3A_76 : vector<1544x128xf32>
    %dot_general3A_78 = arith.constant dense<0.000000e+00> : vector<1544x128xf32>
    %dot_general3A_79 = tpu.matmul %add3A_70, %get3A_18, %dot_general3A_78 {dimension_numbers = #tpu.dot_dimension_numbers<[1], [0], [0], [1], [0, 0, 1, 1], [], []>, transpose_lhs_hint = false} : vector<1544x128xf32>, vector<128x128xf32>, vector<1544x128xf32> -> vector<1544x128xf32>
    %add3A_80 = vector.broadcast %get3A_21 : vector<1x128xf32> to vector<1544x128xf32>
    %add3A_81 = arith.addf %dot_general3A_79, %add3A_80 : vector<1544x128xf32>
    %iota3A = tpu.iota {dimensions = array<i32: 0>} : vector<1544x1xi32>
    %ge3A = arith.constant 1538 : i32
    %ge3A_82 = vector.broadcast %ge3A : i32 to vector<1544x1xi32>
    %ge3A_83 = arith.cmpi sge, %iota3A, %ge3A_82 : vector<1544x1xi32>
    %jit3A = arith.constant -1.000000e+30 : f32
    %jit3A_84 = arith.constant 0.000000e+00 : f32
    %broadcast_in_dim3A_85 = vector.broadcast %jit3A : f32 to vector<1544x1xf32>
    %broadcast_in_dim3A_86 = vector.broadcast %jit3A_84 : f32 to vector<1544x1xf32>
    %select_n3A = arith.select %ge3A_83, %broadcast_in_dim3A_85, %broadcast_in_dim3A_86 : vector<1544x1xi1>, vector<1544x1xf32>
    %broadcast_in_dim3A_87 = arith.constant 1.000000e+00 : f32
    %broadcast_in_dim3A_88 = vector.broadcast %broadcast_in_dim3A_87 : f32 to vector<1544x1xf32>
    %broadcast_in_dim3A_89 = arith.constant 1.000000e+00 : f32
    %broadcast_in_dim3A_90 = vector.broadcast %broadcast_in_dim3A_89 : f32 to vector<1544x16xf32>
    %broadcast_in_dim3A_91 = arith.constant 0.000000e+00 : f32
    %broadcast_in_dim3A_92 = vector.broadcast %broadcast_in_dim3A_91 : f32 to vector<1544x128xf32>
    %slice3A = vector.extract_strided_slice %add3A_73 {offsets = [0, 0], sizes = [1544, 16], strides = [1, 1]} : vector<1544x128xf32> to vector<1544x16xf32>
    %mul3A_93 = arith.constant 2.500000e-01 : f32
    %mul3A_94 = vector.broadcast %mul3A_93 : f32 to vector<1544x16xf32>
    %mul3A_95 = arith.mulf %slice3A, %mul3A_94 : vector<1544x16xf32>
    %concatenate3A = tpu.concatenate %mul3A_95, %broadcast_in_dim3A_88 in 1 : vector<1544x16xf32>, vector<1544x1xf32> -> vector<1544x17xf32>
    %slice3A_96 = vector.extract_strided_slice %add3A_73 {offsets = [0, 16], sizes = [1544, 16], strides = [1, 1]} : vector<1544x128xf32> to vector<1544x16xf32>
    %mul3A_97 = arith.constant 2.500000e-01 : f32
    %mul3A_98 = vector.broadcast %mul3A_97 : f32 to vector<1544x16xf32>
    %mul3A_99 = arith.mulf %slice3A_96, %mul3A_98 : vector<1544x16xf32>
    %concatenate3A_100 = tpu.concatenate %mul3A_99, %broadcast_in_dim3A_88 in 1 : vector<1544x16xf32>, vector<1544x1xf32> -> vector<1544x17xf32>
    %slice3A_101 = vector.extract_strided_slice %add3A_73 {offsets = [0, 32], sizes = [1544, 16], strides = [1, 1]} : vector<1544x128xf32> to vector<1544x16xf32>
    %mul3A_102 = arith.constant 2.500000e-01 : f32
    %mul3A_103 = vector.broadcast %mul3A_102 : f32 to vector<1544x16xf32>
    %mul3A_104 = arith.mulf %slice3A_101, %mul3A_103 : vector<1544x16xf32>
    %concatenate3A_105 = tpu.concatenate %mul3A_104, %broadcast_in_dim3A_88 in 1 : vector<1544x16xf32>, vector<1544x1xf32> -> vector<1544x17xf32>
    %slice3A_106 = vector.extract_strided_slice %add3A_73 {offsets = [0, 48], sizes = [1544, 16], strides = [1, 1]} : vector<1544x128xf32> to vector<1544x16xf32>
    %mul3A_107 = arith.constant 2.500000e-01 : f32
    %mul3A_108 = vector.broadcast %mul3A_107 : f32 to vector<1544x16xf32>
    %mul3A_109 = arith.mulf %slice3A_106, %mul3A_108 : vector<1544x16xf32>
    %concatenate3A_110 = tpu.concatenate %mul3A_109, %broadcast_in_dim3A_88 in 1 : vector<1544x16xf32>, vector<1544x1xf32> -> vector<1544x17xf32>
    %slice3A_111 = vector.extract_strided_slice %add3A_73 {offsets = [0, 64], sizes = [1544, 16], strides = [1, 1]} : vector<1544x128xf32> to vector<1544x16xf32>
    %mul3A_112 = arith.constant 2.500000e-01 : f32
    %mul3A_113 = vector.broadcast %mul3A_112 : f32 to vector<1544x16xf32>
    %mul3A_114 = arith.mulf %slice3A_111, %mul3A_113 : vector<1544x16xf32>
    %concatenate3A_115 = tpu.concatenate %mul3A_114, %broadcast_in_dim3A_88 in 1 : vector<1544x16xf32>, vector<1544x1xf32> -> vector<1544x17xf32>
    %slice3A_116 = vector.extract_strided_slice %add3A_73 {offsets = [0, 80], sizes = [1544, 16], strides = [1, 1]} : vector<1544x128xf32> to vector<1544x16xf32>
    %mul3A_117 = arith.constant 2.500000e-01 : f32
    %mul3A_118 = vector.broadcast %mul3A_117 : f32 to vector<1544x16xf32>
    %mul3A_119 = arith.mulf %slice3A_116, %mul3A_118 : vector<1544x16xf32>
    %concatenate3A_120 = tpu.concatenate %mul3A_119, %broadcast_in_dim3A_88 in 1 : vector<1544x16xf32>, vector<1544x1xf32> -> vector<1544x17xf32>
    %slice3A_121 = vector.extract_strided_slice %add3A_73 {offsets = [0, 96], sizes = [1544, 16], strides = [1, 1]} : vector<1544x128xf32> to vector<1544x16xf32>
    %mul3A_122 = arith.constant 2.500000e-01 : f32
    %mul3A_123 = vector.broadcast %mul3A_122 : f32 to vector<1544x16xf32>
    %mul3A_124 = arith.mulf %slice3A_121, %mul3A_123 : vector<1544x16xf32>
    %concatenate3A_125 = tpu.concatenate %mul3A_124, %broadcast_in_dim3A_88 in 1 : vector<1544x16xf32>, vector<1544x1xf32> -> vector<1544x17xf32>
    %slice3A_126 = vector.extract_strided_slice %add3A_73 {offsets = [0, 112], sizes = [1544, 16], strides = [1, 1]} : vector<1544x128xf32> to vector<1544x16xf32>
    %mul3A_127 = arith.constant 2.500000e-01 : f32
    %mul3A_128 = vector.broadcast %mul3A_127 : f32 to vector<1544x16xf32>
    %mul3A_129 = arith.mulf %slice3A_126, %mul3A_128 : vector<1544x16xf32>
    %concatenate3A_130 = tpu.concatenate %mul3A_129, %broadcast_in_dim3A_88 in 1 : vector<1544x16xf32>, vector<1544x1xf32> -> vector<1544x17xf32>
    %slice3A_131 = vector.extract_strided_slice %add3A_77 {offsets = [0, 0], sizes = [1544, 16], strides = [1, 1]} : vector<1544x128xf32> to vector<1544x16xf32>
    %concatenate3A_132 = tpu.concatenate %slice3A_131, %select_n3A in 1 : vector<1544x16xf32>, vector<1544x1xf32> -> vector<1544x17xf32>
    %slice3A_133 = vector.extract_strided_slice %add3A_77 {offsets = [0, 16], sizes = [1544, 16], strides = [1, 1]} : vector<1544x128xf32> to vector<1544x16xf32>
    %concatenate3A_134 = tpu.concatenate %slice3A_133, %select_n3A in 1 : vector<1544x16xf32>, vector<1544x1xf32> -> vector<1544x17xf32>
    %slice3A_135 = vector.extract_strided_slice %add3A_77 {offsets = [0, 32], sizes = [1544, 16], strides = [1, 1]} : vector<1544x128xf32> to vector<1544x16xf32>
    %concatenate3A_136 = tpu.concatenate %slice3A_135, %select_n3A in 1 : vector<1544x16xf32>, vector<1544x1xf32> -> vector<1544x17xf32>
    %slice3A_137 = vector.extract_strided_slice %add3A_77 {offsets = [0, 48], sizes = [1544, 16], strides = [1, 1]} : vector<1544x128xf32> to vector<1544x16xf32>
    %concatenate3A_138 = tpu.concatenate %slice3A_137, %select_n3A in 1 : vector<1544x16xf32>, vector<1544x1xf32> -> vector<1544x17xf32>
    %slice3A_139 = vector.extract_strided_slice %add3A_77 {offsets = [0, 64], sizes = [1544, 16], strides = [1, 1]} : vector<1544x128xf32> to vector<1544x16xf32>
    %concatenate3A_140 = tpu.concatenate %slice3A_139, %select_n3A in 1 : vector<1544x16xf32>, vector<1544x1xf32> -> vector<1544x17xf32>
    %slice3A_141 = vector.extract_strided_slice %add3A_77 {offsets = [0, 80], sizes = [1544, 16], strides = [1, 1]} : vector<1544x128xf32> to vector<1544x16xf32>
    %concatenate3A_142 = tpu.concatenate %slice3A_141, %select_n3A in 1 : vector<1544x16xf32>, vector<1544x1xf32> -> vector<1544x17xf32>
    %slice3A_143 = vector.extract_strided_slice %add3A_77 {offsets = [0, 96], sizes = [1544, 16], strides = [1, 1]} : vector<1544x128xf32> to vector<1544x16xf32>
    %concatenate3A_144 = tpu.concatenate %slice3A_143, %select_n3A in 1 : vector<1544x16xf32>, vector<1544x1xf32> -> vector<1544x17xf32>
    %slice3A_145 = vector.extract_strided_slice %add3A_77 {offsets = [0, 112], sizes = [1544, 16], strides = [1, 1]} : vector<1544x128xf32> to vector<1544x16xf32>
    %concatenate3A_146 = tpu.concatenate %slice3A_145, %select_n3A in 1 : vector<1544x16xf32>, vector<1544x1xf32> -> vector<1544x17xf32>
    %slice3A_147 = vector.extract_strided_slice %add3A_81 {offsets = [0, 0], sizes = [1544, 16], strides = [1, 1]} : vector<1544x128xf32> to vector<1544x16xf32>
    %concatenate3A_148 = tpu.concatenate %slice3A_147, %broadcast_in_dim3A_90 in 1 : vector<1544x16xf32>, vector<1544x16xf32> -> vector<1544x32xf32>
    %slice3A_149 = vector.extract_strided_slice %add3A_81 {offsets = [0, 16], sizes = [1544, 16], strides = [1, 1]} : vector<1544x128xf32> to vector<1544x16xf32>
    %concatenate3A_150 = tpu.concatenate %slice3A_149, %broadcast_in_dim3A_90 in 1 : vector<1544x16xf32>, vector<1544x16xf32> -> vector<1544x32xf32>
    %slice3A_151 = vector.extract_strided_slice %add3A_81 {offsets = [0, 32], sizes = [1544, 16], strides = [1, 1]} : vector<1544x128xf32> to vector<1544x16xf32>
    %concatenate3A_152 = tpu.concatenate %slice3A_151, %broadcast_in_dim3A_90 in 1 : vector<1544x16xf32>, vector<1544x16xf32> -> vector<1544x32xf32>
    %slice3A_153 = vector.extract_strided_slice %add3A_81 {offsets = [0, 48], sizes = [1544, 16], strides = [1, 1]} : vector<1544x128xf32> to vector<1544x16xf32>
    %concatenate3A_154 = tpu.concatenate %slice3A_153, %broadcast_in_dim3A_90 in 1 : vector<1544x16xf32>, vector<1544x16xf32> -> vector<1544x32xf32>
    %slice3A_155 = vector.extract_strided_slice %add3A_81 {offsets = [0, 64], sizes = [1544, 16], strides = [1, 1]} : vector<1544x128xf32> to vector<1544x16xf32>
    %concatenate3A_156 = tpu.concatenate %slice3A_155, %broadcast_in_dim3A_90 in 1 : vector<1544x16xf32>, vector<1544x16xf32> -> vector<1544x32xf32>
    %slice3A_157 = vector.extract_strided_slice %add3A_81 {offsets = [0, 80], sizes = [1544, 16], strides = [1, 1]} : vector<1544x128xf32> to vector<1544x16xf32>
    %concatenate3A_158 = tpu.concatenate %slice3A_157, %broadcast_in_dim3A_90 in 1 : vector<1544x16xf32>, vector<1544x16xf32> -> vector<1544x32xf32>
    %slice3A_159 = vector.extract_strided_slice %add3A_81 {offsets = [0, 96], sizes = [1544, 16], strides = [1, 1]} : vector<1544x128xf32> to vector<1544x16xf32>
    %concatenate3A_160 = tpu.concatenate %slice3A_159, %broadcast_in_dim3A_90 in 1 : vector<1544x16xf32>, vector<1544x16xf32> -> vector<1544x32xf32>
    %slice3A_161 = vector.extract_strided_slice %add3A_81 {offsets = [0, 112], sizes = [1544, 16], strides = [1, 1]} : vector<1544x128xf32> to vector<1544x16xf32>
    %concatenate3A_162 = tpu.concatenate %slice3A_161, %broadcast_in_dim3A_90 in 1 : vector<1544x16xf32>, vector<1544x16xf32> -> vector<1544x32xf32>
    %broadcast_in_dim3A_163 = arith.constant 0.000000e+00 : f32
    %broadcast_in_dim3A_164 = vector.broadcast %broadcast_in_dim3A_163 : f32 to vector<1544x32xf32>
    %broadcast_in_dim3A_165 = arith.constant 0.000000e+00 : f32
    %broadcast_in_dim3A_166 = vector.broadcast %broadcast_in_dim3A_165 : f32 to vector<1544x32xf32>
    %broadcast_in_dim3A_167 = arith.constant 0.000000e+00 : f32
    %broadcast_in_dim3A_168 = vector.broadcast %broadcast_in_dim3A_167 : f32 to vector<1544x32xf32>
    %broadcast_in_dim3A_169 = arith.constant 0.000000e+00 : f32
    %broadcast_in_dim3A_170 = vector.broadcast %broadcast_in_dim3A_169 : f32 to vector<1544x32xf32>
    %broadcast_in_dim3A_171 = arith.constant 0.000000e+00 : f32
    %broadcast_in_dim3A_172 = vector.broadcast %broadcast_in_dim3A_171 : f32 to vector<1544x32xf32>
    %broadcast_in_dim3A_173 = arith.constant 0.000000e+00 : f32
    %broadcast_in_dim3A_174 = vector.broadcast %broadcast_in_dim3A_173 : f32 to vector<1544x32xf32>
    %broadcast_in_dim3A_175 = arith.constant 0.000000e+00 : f32
    %broadcast_in_dim3A_176 = vector.broadcast %broadcast_in_dim3A_175 : f32 to vector<1544x32xf32>
    %broadcast_in_dim3A_177 = arith.constant 0.000000e+00 : f32
    %broadcast_in_dim3A_178 = vector.broadcast %broadcast_in_dim3A_177 : f32 to vector<1544x32xf32>
    %slice3A_179 = vector.extract_strided_slice %concatenate3A_132 {offsets = [0, 0], sizes = [512, 17], strides = [1, 1]} : vector<1544x17xf32> to vector<512x17xf32>
    %dot_general3A_180 = arith.constant dense<0.000000e+00> : vector<1544x512xf32>
    %dot_general3A_181 = tpu.matmul %concatenate3A, %slice3A_179, %dot_general3A_180 {dimension_numbers = #tpu.dot_dimension_numbers<[1], [1], [0], [0], [0, 0, 1, 0], [], []>, transpose_lhs_hint = false} : vector<1544x17xf32>, vector<512x17xf32>, vector<1544x512xf32> -> vector<1544x512xf32>
    %exp3A = math.exp %dot_general3A_181 : vector<1544x512xf32>
    %slice3A_182 = vector.extract_strided_slice %concatenate3A_148 {offsets = [0, 0], sizes = [512, 32], strides = [1, 1]} : vector<1544x32xf32> to vector<512x32xf32>
    %dot_general3A_183 = arith.constant dense<0.000000e+00> : vector<1544x32xf32>
    %dot_general3A_184 = tpu.matmul %exp3A, %slice3A_182, %dot_general3A_183 {dimension_numbers = #tpu.dot_dimension_numbers<[1], [0], [0], [1], [0, 0, 1, 1], [], []>, transpose_lhs_hint = false} : vector<1544x512xf32>, vector<512x32xf32>, vector<1544x32xf32> -> vector<1544x32xf32>
    %add3A_185 = arith.addf %broadcast_in_dim3A_164, %dot_general3A_184 : vector<1544x32xf32>
    %slice3A_186 = vector.extract_strided_slice %concatenate3A_134 {offsets = [0, 0], sizes = [512, 17], strides = [1, 1]} : vector<1544x17xf32> to vector<512x17xf32>
    %dot_general3A_187 = arith.constant dense<0.000000e+00> : vector<1544x512xf32>
    %dot_general3A_188 = tpu.matmul %concatenate3A_100, %slice3A_186, %dot_general3A_187 {dimension_numbers = #tpu.dot_dimension_numbers<[1], [1], [0], [0], [0, 0, 1, 0], [], []>, transpose_lhs_hint = false} : vector<1544x17xf32>, vector<512x17xf32>, vector<1544x512xf32> -> vector<1544x512xf32>
    %exp3A_189 = math.exp %dot_general3A_188 : vector<1544x512xf32>
    %slice3A_190 = vector.extract_strided_slice %concatenate3A_150 {offsets = [0, 0], sizes = [512, 32], strides = [1, 1]} : vector<1544x32xf32> to vector<512x32xf32>
    %dot_general3A_191 = arith.constant dense<0.000000e+00> : vector<1544x32xf32>
    %dot_general3A_192 = tpu.matmul %exp3A_189, %slice3A_190, %dot_general3A_191 {dimension_numbers = #tpu.dot_dimension_numbers<[1], [0], [0], [1], [0, 0, 1, 1], [], []>, transpose_lhs_hint = false} : vector<1544x512xf32>, vector<512x32xf32>, vector<1544x32xf32> -> vector<1544x32xf32>
    %add3A_193 = arith.addf %broadcast_in_dim3A_166, %dot_general3A_192 : vector<1544x32xf32>
    %slice3A_194 = vector.extract_strided_slice %concatenate3A_136 {offsets = [0, 0], sizes = [512, 17], strides = [1, 1]} : vector<1544x17xf32> to vector<512x17xf32>
    %dot_general3A_195 = arith.constant dense<0.000000e+00> : vector<1544x512xf32>
    %dot_general3A_196 = tpu.matmul %concatenate3A_105, %slice3A_194, %dot_general3A_195 {dimension_numbers = #tpu.dot_dimension_numbers<[1], [1], [0], [0], [0, 0, 1, 0], [], []>, transpose_lhs_hint = false} : vector<1544x17xf32>, vector<512x17xf32>, vector<1544x512xf32> -> vector<1544x512xf32>
    %exp3A_197 = math.exp %dot_general3A_196 : vector<1544x512xf32>
    %slice3A_198 = vector.extract_strided_slice %concatenate3A_152 {offsets = [0, 0], sizes = [512, 32], strides = [1, 1]} : vector<1544x32xf32> to vector<512x32xf32>
    %dot_general3A_199 = arith.constant dense<0.000000e+00> : vector<1544x32xf32>
    %dot_general3A_200 = tpu.matmul %exp3A_197, %slice3A_198, %dot_general3A_199 {dimension_numbers = #tpu.dot_dimension_numbers<[1], [0], [0], [1], [0, 0, 1, 1], [], []>, transpose_lhs_hint = false} : vector<1544x512xf32>, vector<512x32xf32>, vector<1544x32xf32> -> vector<1544x32xf32>
    %add3A_201 = arith.addf %broadcast_in_dim3A_168, %dot_general3A_200 : vector<1544x32xf32>
    %slice3A_202 = vector.extract_strided_slice %concatenate3A_138 {offsets = [0, 0], sizes = [512, 17], strides = [1, 1]} : vector<1544x17xf32> to vector<512x17xf32>
    %dot_general3A_203 = arith.constant dense<0.000000e+00> : vector<1544x512xf32>
    %dot_general3A_204 = tpu.matmul %concatenate3A_110, %slice3A_202, %dot_general3A_203 {dimension_numbers = #tpu.dot_dimension_numbers<[1], [1], [0], [0], [0, 0, 1, 0], [], []>, transpose_lhs_hint = false} : vector<1544x17xf32>, vector<512x17xf32>, vector<1544x512xf32> -> vector<1544x512xf32>
    %exp3A_205 = math.exp %dot_general3A_204 : vector<1544x512xf32>
    %slice3A_206 = vector.extract_strided_slice %concatenate3A_154 {offsets = [0, 0], sizes = [512, 32], strides = [1, 1]} : vector<1544x32xf32> to vector<512x32xf32>
    %dot_general3A_207 = arith.constant dense<0.000000e+00> : vector<1544x32xf32>
    %dot_general3A_208 = tpu.matmul %exp3A_205, %slice3A_206, %dot_general3A_207 {dimension_numbers = #tpu.dot_dimension_numbers<[1], [0], [0], [1], [0, 0, 1, 1], [], []>, transpose_lhs_hint = false} : vector<1544x512xf32>, vector<512x32xf32>, vector<1544x32xf32> -> vector<1544x32xf32>
    %add3A_209 = arith.addf %broadcast_in_dim3A_170, %dot_general3A_208 : vector<1544x32xf32>
    %slice3A_210 = vector.extract_strided_slice %concatenate3A_140 {offsets = [0, 0], sizes = [512, 17], strides = [1, 1]} : vector<1544x17xf32> to vector<512x17xf32>
    %dot_general3A_211 = arith.constant dense<0.000000e+00> : vector<1544x512xf32>
    %dot_general3A_212 = tpu.matmul %concatenate3A_115, %slice3A_210, %dot_general3A_211 {dimension_numbers = #tpu.dot_dimension_numbers<[1], [1], [0], [0], [0, 0, 1, 0], [], []>, transpose_lhs_hint = false} : vector<1544x17xf32>, vector<512x17xf32>, vector<1544x512xf32> -> vector<1544x512xf32>
    %exp3A_213 = math.exp %dot_general3A_212 : vector<1544x512xf32>
    %slice3A_214 = vector.extract_strided_slice %concatenate3A_156 {offsets = [0, 0], sizes = [512, 32], strides = [1, 1]} : vector<1544x32xf32> to vector<512x32xf32>
    %dot_general3A_215 = arith.constant dense<0.000000e+00> : vector<1544x32xf32>
    %dot_general3A_216 = tpu.matmul %exp3A_213, %slice3A_214, %dot_general3A_215 {dimension_numbers = #tpu.dot_dimension_numbers<[1], [0], [0], [1], [0, 0, 1, 1], [], []>, transpose_lhs_hint = false} : vector<1544x512xf32>, vector<512x32xf32>, vector<1544x32xf32> -> vector<1544x32xf32>
    %add3A_217 = arith.addf %broadcast_in_dim3A_172, %dot_general3A_216 : vector<1544x32xf32>
    %slice3A_218 = vector.extract_strided_slice %concatenate3A_142 {offsets = [0, 0], sizes = [512, 17], strides = [1, 1]} : vector<1544x17xf32> to vector<512x17xf32>
    %dot_general3A_219 = arith.constant dense<0.000000e+00> : vector<1544x512xf32>
    %dot_general3A_220 = tpu.matmul %concatenate3A_120, %slice3A_218, %dot_general3A_219 {dimension_numbers = #tpu.dot_dimension_numbers<[1], [1], [0], [0], [0, 0, 1, 0], [], []>, transpose_lhs_hint = false} : vector<1544x17xf32>, vector<512x17xf32>, vector<1544x512xf32> -> vector<1544x512xf32>
    %exp3A_221 = math.exp %dot_general3A_220 : vector<1544x512xf32>
    %slice3A_222 = vector.extract_strided_slice %concatenate3A_158 {offsets = [0, 0], sizes = [512, 32], strides = [1, 1]} : vector<1544x32xf32> to vector<512x32xf32>
    %dot_general3A_223 = arith.constant dense<0.000000e+00> : vector<1544x32xf32>
    %dot_general3A_224 = tpu.matmul %exp3A_221, %slice3A_222, %dot_general3A_223 {dimension_numbers = #tpu.dot_dimension_numbers<[1], [0], [0], [1], [0, 0, 1, 1], [], []>, transpose_lhs_hint = false} : vector<1544x512xf32>, vector<512x32xf32>, vector<1544x32xf32> -> vector<1544x32xf32>
    %add3A_225 = arith.addf %broadcast_in_dim3A_174, %dot_general3A_224 : vector<1544x32xf32>
    %slice3A_226 = vector.extract_strided_slice %concatenate3A_144 {offsets = [0, 0], sizes = [512, 17], strides = [1, 1]} : vector<1544x17xf32> to vector<512x17xf32>
    %dot_general3A_227 = arith.constant dense<0.000000e+00> : vector<1544x512xf32>
    %dot_general3A_228 = tpu.matmul %concatenate3A_125, %slice3A_226, %dot_general3A_227 {dimension_numbers = #tpu.dot_dimension_numbers<[1], [1], [0], [0], [0, 0, 1, 0], [], []>, transpose_lhs_hint = false} : vector<1544x17xf32>, vector<512x17xf32>, vector<1544x512xf32> -> vector<1544x512xf32>
    %exp3A_229 = math.exp %dot_general3A_228 : vector<1544x512xf32>
    %slice3A_230 = vector.extract_strided_slice %concatenate3A_160 {offsets = [0, 0], sizes = [512, 32], strides = [1, 1]} : vector<1544x32xf32> to vector<512x32xf32>
    %dot_general3A_231 = arith.constant dense<0.000000e+00> : vector<1544x32xf32>
    %dot_general3A_232 = tpu.matmul %exp3A_229, %slice3A_230, %dot_general3A_231 {dimension_numbers = #tpu.dot_dimension_numbers<[1], [0], [0], [1], [0, 0, 1, 1], [], []>, transpose_lhs_hint = false} : vector<1544x512xf32>, vector<512x32xf32>, vector<1544x32xf32> -> vector<1544x32xf32>
    %add3A_233 = arith.addf %broadcast_in_dim3A_176, %dot_general3A_232 : vector<1544x32xf32>
    %slice3A_234 = vector.extract_strided_slice %concatenate3A_146 {offsets = [0, 0], sizes = [512, 17], strides = [1, 1]} : vector<1544x17xf32> to vector<512x17xf32>
    %dot_general3A_235 = arith.constant dense<0.000000e+00> : vector<1544x512xf32>
    %dot_general3A_236 = tpu.matmul %concatenate3A_130, %slice3A_234, %dot_general3A_235 {dimension_numbers = #tpu.dot_dimension_numbers<[1], [1], [0], [0], [0, 0, 1, 0], [], []>, transpose_lhs_hint = false} : vector<1544x17xf32>, vector<512x17xf32>, vector<1544x512xf32> -> vector<1544x512xf32>
    %exp3A_237 = math.exp %dot_general3A_236 : vector<1544x512xf32>
    %slice3A_238 = vector.extract_strided_slice %concatenate3A_162 {offsets = [0, 0], sizes = [512, 32], strides = [1, 1]} : vector<1544x32xf32> to vector<512x32xf32>
    %dot_general3A_239 = arith.constant dense<0.000000e+00> : vector<1544x32xf32>
    %dot_general3A_240 = tpu.matmul %exp3A_237, %slice3A_238, %dot_general3A_239 {dimension_numbers = #tpu.dot_dimension_numbers<[1], [0], [0], [1], [0, 0, 1, 1], [], []>, transpose_lhs_hint = false} : vector<1544x512xf32>, vector<512x32xf32>, vector<1544x32xf32> -> vector<1544x32xf32>
    %add3A_241 = arith.addf %broadcast_in_dim3A_178, %dot_general3A_240 : vector<1544x32xf32>
    %slice3A_242 = vector.extract_strided_slice %concatenate3A_132 {offsets = [512, 0], sizes = [512, 17], strides = [1, 1]} : vector<1544x17xf32> to vector<512x17xf32>
    %dot_general3A_243 = arith.constant dense<0.000000e+00> : vector<1544x512xf32>
    %dot_general3A_244 = tpu.matmul %concatenate3A, %slice3A_242, %dot_general3A_243 {dimension_numbers = #tpu.dot_dimension_numbers<[1], [1], [0], [0], [0, 0, 1, 0], [], []>, transpose_lhs_hint = false} : vector<1544x17xf32>, vector<512x17xf32>, vector<1544x512xf32> -> vector<1544x512xf32>
    %exp3A_245 = math.exp %dot_general3A_244 : vector<1544x512xf32>
    %slice3A_246 = vector.extract_strided_slice %concatenate3A_148 {offsets = [512, 0], sizes = [512, 32], strides = [1, 1]} : vector<1544x32xf32> to vector<512x32xf32>
    %dot_general3A_247 = arith.constant dense<0.000000e+00> : vector<1544x32xf32>
    %dot_general3A_248 = tpu.matmul %exp3A_245, %slice3A_246, %dot_general3A_247 {dimension_numbers = #tpu.dot_dimension_numbers<[1], [0], [0], [1], [0, 0, 1, 1], [], []>, transpose_lhs_hint = false} : vector<1544x512xf32>, vector<512x32xf32>, vector<1544x32xf32> -> vector<1544x32xf32>
    %add3A_249 = arith.addf %add3A_185, %dot_general3A_248 : vector<1544x32xf32>
    %slice3A_250 = vector.extract_strided_slice %concatenate3A_134 {offsets = [512, 0], sizes = [512, 17], strides = [1, 1]} : vector<1544x17xf32> to vector<512x17xf32>
    %dot_general3A_251 = arith.constant dense<0.000000e+00> : vector<1544x512xf32>
    %dot_general3A_252 = tpu.matmul %concatenate3A_100, %slice3A_250, %dot_general3A_251 {dimension_numbers = #tpu.dot_dimension_numbers<[1], [1], [0], [0], [0, 0, 1, 0], [], []>, transpose_lhs_hint = false} : vector<1544x17xf32>, vector<512x17xf32>, vector<1544x512xf32> -> vector<1544x512xf32>
    %exp3A_253 = math.exp %dot_general3A_252 : vector<1544x512xf32>
    %slice3A_254 = vector.extract_strided_slice %concatenate3A_150 {offsets = [512, 0], sizes = [512, 32], strides = [1, 1]} : vector<1544x32xf32> to vector<512x32xf32>
    %dot_general3A_255 = arith.constant dense<0.000000e+00> : vector<1544x32xf32>
    %dot_general3A_256 = tpu.matmul %exp3A_253, %slice3A_254, %dot_general3A_255 {dimension_numbers = #tpu.dot_dimension_numbers<[1], [0], [0], [1], [0, 0, 1, 1], [], []>, transpose_lhs_hint = false} : vector<1544x512xf32>, vector<512x32xf32>, vector<1544x32xf32> -> vector<1544x32xf32>
    %add3A_257 = arith.addf %add3A_193, %dot_general3A_256 : vector<1544x32xf32>
    %slice3A_258 = vector.extract_strided_slice %concatenate3A_136 {offsets = [512, 0], sizes = [512, 17], strides = [1, 1]} : vector<1544x17xf32> to vector<512x17xf32>
    %dot_general3A_259 = arith.constant dense<0.000000e+00> : vector<1544x512xf32>
    %dot_general3A_260 = tpu.matmul %concatenate3A_105, %slice3A_258, %dot_general3A_259 {dimension_numbers = #tpu.dot_dimension_numbers<[1], [1], [0], [0], [0, 0, 1, 0], [], []>, transpose_lhs_hint = false} : vector<1544x17xf32>, vector<512x17xf32>, vector<1544x512xf32> -> vector<1544x512xf32>
    %exp3A_261 = math.exp %dot_general3A_260 : vector<1544x512xf32>
    %slice3A_262 = vector.extract_strided_slice %concatenate3A_152 {offsets = [512, 0], sizes = [512, 32], strides = [1, 1]} : vector<1544x32xf32> to vector<512x32xf32>
    %dot_general3A_263 = arith.constant dense<0.000000e+00> : vector<1544x32xf32>
    %dot_general3A_264 = tpu.matmul %exp3A_261, %slice3A_262, %dot_general3A_263 {dimension_numbers = #tpu.dot_dimension_numbers<[1], [0], [0], [1], [0, 0, 1, 1], [], []>, transpose_lhs_hint = false} : vector<1544x512xf32>, vector<512x32xf32>, vector<1544x32xf32> -> vector<1544x32xf32>
    %add3A_265 = arith.addf %add3A_201, %dot_general3A_264 : vector<1544x32xf32>
    %slice3A_266 = vector.extract_strided_slice %concatenate3A_138 {offsets = [512, 0], sizes = [512, 17], strides = [1, 1]} : vector<1544x17xf32> to vector<512x17xf32>
    %dot_general3A_267 = arith.constant dense<0.000000e+00> : vector<1544x512xf32>
    %dot_general3A_268 = tpu.matmul %concatenate3A_110, %slice3A_266, %dot_general3A_267 {dimension_numbers = #tpu.dot_dimension_numbers<[1], [1], [0], [0], [0, 0, 1, 0], [], []>, transpose_lhs_hint = false} : vector<1544x17xf32>, vector<512x17xf32>, vector<1544x512xf32> -> vector<1544x512xf32>
    %exp3A_269 = math.exp %dot_general3A_268 : vector<1544x512xf32>
    %slice3A_270 = vector.extract_strided_slice %concatenate3A_154 {offsets = [512, 0], sizes = [512, 32], strides = [1, 1]} : vector<1544x32xf32> to vector<512x32xf32>
    %dot_general3A_271 = arith.constant dense<0.000000e+00> : vector<1544x32xf32>
    %dot_general3A_272 = tpu.matmul %exp3A_269, %slice3A_270, %dot_general3A_271 {dimension_numbers = #tpu.dot_dimension_numbers<[1], [0], [0], [1], [0, 0, 1, 1], [], []>, transpose_lhs_hint = false} : vector<1544x512xf32>, vector<512x32xf32>, vector<1544x32xf32> -> vector<1544x32xf32>
    %add3A_273 = arith.addf %add3A_209, %dot_general3A_272 : vector<1544x32xf32>
    %slice3A_274 = vector.extract_strided_slice %concatenate3A_140 {offsets = [512, 0], sizes = [512, 17], strides = [1, 1]} : vector<1544x17xf32> to vector<512x17xf32>
    %dot_general3A_275 = arith.constant dense<0.000000e+00> : vector<1544x512xf32>
    %dot_general3A_276 = tpu.matmul %concatenate3A_115, %slice3A_274, %dot_general3A_275 {dimension_numbers = #tpu.dot_dimension_numbers<[1], [1], [0], [0], [0, 0, 1, 0], [], []>, transpose_lhs_hint = false} : vector<1544x17xf32>, vector<512x17xf32>, vector<1544x512xf32> -> vector<1544x512xf32>
    %exp3A_277 = math.exp %dot_general3A_276 : vector<1544x512xf32>
    %slice3A_278 = vector.extract_strided_slice %concatenate3A_156 {offsets = [512, 0], sizes = [512, 32], strides = [1, 1]} : vector<1544x32xf32> to vector<512x32xf32>
    %dot_general3A_279 = arith.constant dense<0.000000e+00> : vector<1544x32xf32>
    %dot_general3A_280 = tpu.matmul %exp3A_277, %slice3A_278, %dot_general3A_279 {dimension_numbers = #tpu.dot_dimension_numbers<[1], [0], [0], [1], [0, 0, 1, 1], [], []>, transpose_lhs_hint = false} : vector<1544x512xf32>, vector<512x32xf32>, vector<1544x32xf32> -> vector<1544x32xf32>
    %add3A_281 = arith.addf %add3A_217, %dot_general3A_280 : vector<1544x32xf32>
    %slice3A_282 = vector.extract_strided_slice %concatenate3A_142 {offsets = [512, 0], sizes = [512, 17], strides = [1, 1]} : vector<1544x17xf32> to vector<512x17xf32>
    %dot_general3A_283 = arith.constant dense<0.000000e+00> : vector<1544x512xf32>
    %dot_general3A_284 = tpu.matmul %concatenate3A_120, %slice3A_282, %dot_general3A_283 {dimension_numbers = #tpu.dot_dimension_numbers<[1], [1], [0], [0], [0, 0, 1, 0], [], []>, transpose_lhs_hint = false} : vector<1544x17xf32>, vector<512x17xf32>, vector<1544x512xf32> -> vector<1544x512xf32>
    %exp3A_285 = math.exp %dot_general3A_284 : vector<1544x512xf32>
    %slice3A_286 = vector.extract_strided_slice %concatenate3A_158 {offsets = [512, 0], sizes = [512, 32], strides = [1, 1]} : vector<1544x32xf32> to vector<512x32xf32>
    %dot_general3A_287 = arith.constant dense<0.000000e+00> : vector<1544x32xf32>
    %dot_general3A_288 = tpu.matmul %exp3A_285, %slice3A_286, %dot_general3A_287 {dimension_numbers = #tpu.dot_dimension_numbers<[1], [0], [0], [1], [0, 0, 1, 1], [], []>, transpose_lhs_hint = false} : vector<1544x512xf32>, vector<512x32xf32>, vector<1544x32xf32> -> vector<1544x32xf32>
    %add3A_289 = arith.addf %add3A_225, %dot_general3A_288 : vector<1544x32xf32>
    %slice3A_290 = vector.extract_strided_slice %concatenate3A_144 {offsets = [512, 0], sizes = [512, 17], strides = [1, 1]} : vector<1544x17xf32> to vector<512x17xf32>
    %dot_general3A_291 = arith.constant dense<0.000000e+00> : vector<1544x512xf32>
    %dot_general3A_292 = tpu.matmul %concatenate3A_125, %slice3A_290, %dot_general3A_291 {dimension_numbers = #tpu.dot_dimension_numbers<[1], [1], [0], [0], [0, 0, 1, 0], [], []>, transpose_lhs_hint = false} : vector<1544x17xf32>, vector<512x17xf32>, vector<1544x512xf32> -> vector<1544x512xf32>
    %exp3A_293 = math.exp %dot_general3A_292 : vector<1544x512xf32>
    %slice3A_294 = vector.extract_strided_slice %concatenate3A_160 {offsets = [512, 0], sizes = [512, 32], strides = [1, 1]} : vector<1544x32xf32> to vector<512x32xf32>
    %dot_general3A_295 = arith.constant dense<0.000000e+00> : vector<1544x32xf32>
    %dot_general3A_296 = tpu.matmul %exp3A_293, %slice3A_294, %dot_general3A_295 {dimension_numbers = #tpu.dot_dimension_numbers<[1], [0], [0], [1], [0, 0, 1, 1], [], []>, transpose_lhs_hint = false} : vector<1544x512xf32>, vector<512x32xf32>, vector<1544x32xf32> -> vector<1544x32xf32>
    %add3A_297 = arith.addf %add3A_233, %dot_general3A_296 : vector<1544x32xf32>
    %slice3A_298 = vector.extract_strided_slice %concatenate3A_146 {offsets = [512, 0], sizes = [512, 17], strides = [1, 1]} : vector<1544x17xf32> to vector<512x17xf32>
    %dot_general3A_299 = arith.constant dense<0.000000e+00> : vector<1544x512xf32>
    %dot_general3A_300 = tpu.matmul %concatenate3A_130, %slice3A_298, %dot_general3A_299 {dimension_numbers = #tpu.dot_dimension_numbers<[1], [1], [0], [0], [0, 0, 1, 0], [], []>, transpose_lhs_hint = false} : vector<1544x17xf32>, vector<512x17xf32>, vector<1544x512xf32> -> vector<1544x512xf32>
    %exp3A_301 = math.exp %dot_general3A_300 : vector<1544x512xf32>
    %slice3A_302 = vector.extract_strided_slice %concatenate3A_162 {offsets = [512, 0], sizes = [512, 32], strides = [1, 1]} : vector<1544x32xf32> to vector<512x32xf32>
    %dot_general3A_303 = arith.constant dense<0.000000e+00> : vector<1544x32xf32>
    %dot_general3A_304 = tpu.matmul %exp3A_301, %slice3A_302, %dot_general3A_303 {dimension_numbers = #tpu.dot_dimension_numbers<[1], [0], [0], [1], [0, 0, 1, 1], [], []>, transpose_lhs_hint = false} : vector<1544x512xf32>, vector<512x32xf32>, vector<1544x32xf32> -> vector<1544x32xf32>
    %add3A_305 = arith.addf %add3A_241, %dot_general3A_304 : vector<1544x32xf32>
    %slice3A_306 = vector.extract_strided_slice %concatenate3A_132 {offsets = [1024, 0], sizes = [512, 17], strides = [1, 1]} : vector<1544x17xf32> to vector<512x17xf32>
    %dot_general3A_307 = arith.constant dense<0.000000e+00> : vector<1544x512xf32>
    %dot_general3A_308 = tpu.matmul %concatenate3A, %slice3A_306, %dot_general3A_307 {dimension_numbers = #tpu.dot_dimension_numbers<[1], [1], [0], [0], [0, 0, 1, 0], [], []>, transpose_lhs_hint = false} : vector<1544x17xf32>, vector<512x17xf32>, vector<1544x512xf32> -> vector<1544x512xf32>
    %exp3A_309 = math.exp %dot_general3A_308 : vector<1544x512xf32>
    %slice3A_310 = vector.extract_strided_slice %concatenate3A_148 {offsets = [1024, 0], sizes = [512, 32], strides = [1, 1]} : vector<1544x32xf32> to vector<512x32xf32>
    %dot_general3A_311 = arith.constant dense<0.000000e+00> : vector<1544x32xf32>
    %dot_general3A_312 = tpu.matmul %exp3A_309, %slice3A_310, %dot_general3A_311 {dimension_numbers = #tpu.dot_dimension_numbers<[1], [0], [0], [1], [0, 0, 1, 1], [], []>, transpose_lhs_hint = false} : vector<1544x512xf32>, vector<512x32xf32>, vector<1544x32xf32> -> vector<1544x32xf32>
    %add3A_313 = arith.addf %add3A_249, %dot_general3A_312 : vector<1544x32xf32>
    %slice3A_314 = vector.extract_strided_slice %concatenate3A_134 {offsets = [1024, 0], sizes = [512, 17], strides = [1, 1]} : vector<1544x17xf32> to vector<512x17xf32>
    %dot_general3A_315 = arith.constant dense<0.000000e+00> : vector<1544x512xf32>
    %dot_general3A_316 = tpu.matmul %concatenate3A_100, %slice3A_314, %dot_general3A_315 {dimension_numbers = #tpu.dot_dimension_numbers<[1], [1], [0], [0], [0, 0, 1, 0], [], []>, transpose_lhs_hint = false} : vector<1544x17xf32>, vector<512x17xf32>, vector<1544x512xf32> -> vector<1544x512xf32>
    %exp3A_317 = math.exp %dot_general3A_316 : vector<1544x512xf32>
    %slice3A_318 = vector.extract_strided_slice %concatenate3A_150 {offsets = [1024, 0], sizes = [512, 32], strides = [1, 1]} : vector<1544x32xf32> to vector<512x32xf32>
    %dot_general3A_319 = arith.constant dense<0.000000e+00> : vector<1544x32xf32>
    %dot_general3A_320 = tpu.matmul %exp3A_317, %slice3A_318, %dot_general3A_319 {dimension_numbers = #tpu.dot_dimension_numbers<[1], [0], [0], [1], [0, 0, 1, 1], [], []>, transpose_lhs_hint = false} : vector<1544x512xf32>, vector<512x32xf32>, vector<1544x32xf32> -> vector<1544x32xf32>
    %add3A_321 = arith.addf %add3A_257, %dot_general3A_320 : vector<1544x32xf32>
    %slice3A_322 = vector.extract_strided_slice %concatenate3A_136 {offsets = [1024, 0], sizes = [512, 17], strides = [1, 1]} : vector<1544x17xf32> to vector<512x17xf32>
    %dot_general3A_323 = arith.constant dense<0.000000e+00> : vector<1544x512xf32>
    %dot_general3A_324 = tpu.matmul %concatenate3A_105, %slice3A_322, %dot_general3A_323 {dimension_numbers = #tpu.dot_dimension_numbers<[1], [1], [0], [0], [0, 0, 1, 0], [], []>, transpose_lhs_hint = false} : vector<1544x17xf32>, vector<512x17xf32>, vector<1544x512xf32> -> vector<1544x512xf32>
    %exp3A_325 = math.exp %dot_general3A_324 : vector<1544x512xf32>
    %slice3A_326 = vector.extract_strided_slice %concatenate3A_152 {offsets = [1024, 0], sizes = [512, 32], strides = [1, 1]} : vector<1544x32xf32> to vector<512x32xf32>
    %dot_general3A_327 = arith.constant dense<0.000000e+00> : vector<1544x32xf32>
    %dot_general3A_328 = tpu.matmul %exp3A_325, %slice3A_326, %dot_general3A_327 {dimension_numbers = #tpu.dot_dimension_numbers<[1], [0], [0], [1], [0, 0, 1, 1], [], []>, transpose_lhs_hint = false} : vector<1544x512xf32>, vector<512x32xf32>, vector<1544x32xf32> -> vector<1544x32xf32>
    %add3A_329 = arith.addf %add3A_265, %dot_general3A_328 : vector<1544x32xf32>
    %slice3A_330 = vector.extract_strided_slice %concatenate3A_138 {offsets = [1024, 0], sizes = [512, 17], strides = [1, 1]} : vector<1544x17xf32> to vector<512x17xf32>
    %dot_general3A_331 = arith.constant dense<0.000000e+00> : vector<1544x512xf32>
    %dot_general3A_332 = tpu.matmul %concatenate3A_110, %slice3A_330, %dot_general3A_331 {dimension_numbers = #tpu.dot_dimension_numbers<[1], [1], [0], [0], [0, 0, 1, 0], [], []>, transpose_lhs_hint = false} : vector<1544x17xf32>, vector<512x17xf32>, vector<1544x512xf32> -> vector<1544x512xf32>
    %exp3A_333 = math.exp %dot_general3A_332 : vector<1544x512xf32>
    %slice3A_334 = vector.extract_strided_slice %concatenate3A_154 {offsets = [1024, 0], sizes = [512, 32], strides = [1, 1]} : vector<1544x32xf32> to vector<512x32xf32>
    %dot_general3A_335 = arith.constant dense<0.000000e+00> : vector<1544x32xf32>
    %dot_general3A_336 = tpu.matmul %exp3A_333, %slice3A_334, %dot_general3A_335 {dimension_numbers = #tpu.dot_dimension_numbers<[1], [0], [0], [1], [0, 0, 1, 1], [], []>, transpose_lhs_hint = false} : vector<1544x512xf32>, vector<512x32xf32>, vector<1544x32xf32> -> vector<1544x32xf32>
    %add3A_337 = arith.addf %add3A_273, %dot_general3A_336 : vector<1544x32xf32>
    %slice3A_338 = vector.extract_strided_slice %concatenate3A_140 {offsets = [1024, 0], sizes = [512, 17], strides = [1, 1]} : vector<1544x17xf32> to vector<512x17xf32>
    %dot_general3A_339 = arith.constant dense<0.000000e+00> : vector<1544x512xf32>
    %dot_general3A_340 = tpu.matmul %concatenate3A_115, %slice3A_338, %dot_general3A_339 {dimension_numbers = #tpu.dot_dimension_numbers<[1], [1], [0], [0], [0, 0, 1, 0], [], []>, transpose_lhs_hint = false} : vector<1544x17xf32>, vector<512x17xf32>, vector<1544x512xf32> -> vector<1544x512xf32>
    %exp3A_341 = math.exp %dot_general3A_340 : vector<1544x512xf32>
    %slice3A_342 = vector.extract_strided_slice %concatenate3A_156 {offsets = [1024, 0], sizes = [512, 32], strides = [1, 1]} : vector<1544x32xf32> to vector<512x32xf32>
    %dot_general3A_343 = arith.constant dense<0.000000e+00> : vector<1544x32xf32>
    %dot_general3A_344 = tpu.matmul %exp3A_341, %slice3A_342, %dot_general3A_343 {dimension_numbers = #tpu.dot_dimension_numbers<[1], [0], [0], [1], [0, 0, 1, 1], [], []>, transpose_lhs_hint = false} : vector<1544x512xf32>, vector<512x32xf32>, vector<1544x32xf32> -> vector<1544x32xf32>
    %add3A_345 = arith.addf %add3A_281, %dot_general3A_344 : vector<1544x32xf32>
    %slice3A_346 = vector.extract_strided_slice %concatenate3A_142 {offsets = [1024, 0], sizes = [512, 17], strides = [1, 1]} : vector<1544x17xf32> to vector<512x17xf32>
    %dot_general3A_347 = arith.constant dense<0.000000e+00> : vector<1544x512xf32>
    %dot_general3A_348 = tpu.matmul %concatenate3A_120, %slice3A_346, %dot_general3A_347 {dimension_numbers = #tpu.dot_dimension_numbers<[1], [1], [0], [0], [0, 0, 1, 0], [], []>, transpose_lhs_hint = false} : vector<1544x17xf32>, vector<512x17xf32>, vector<1544x512xf32> -> vector<1544x512xf32>
    %exp3A_349 = math.exp %dot_general3A_348 : vector<1544x512xf32>
    %slice3A_350 = vector.extract_strided_slice %concatenate3A_158 {offsets = [1024, 0], sizes = [512, 32], strides = [1, 1]} : vector<1544x32xf32> to vector<512x32xf32>
    %dot_general3A_351 = arith.constant dense<0.000000e+00> : vector<1544x32xf32>
    %dot_general3A_352 = tpu.matmul %exp3A_349, %slice3A_350, %dot_general3A_351 {dimension_numbers = #tpu.dot_dimension_numbers<[1], [0], [0], [1], [0, 0, 1, 1], [], []>, transpose_lhs_hint = false} : vector<1544x512xf32>, vector<512x32xf32>, vector<1544x32xf32> -> vector<1544x32xf32>
    %add3A_353 = arith.addf %add3A_289, %dot_general3A_352 : vector<1544x32xf32>
    %slice3A_354 = vector.extract_strided_slice %concatenate3A_144 {offsets = [1024, 0], sizes = [512, 17], strides = [1, 1]} : vector<1544x17xf32> to vector<512x17xf32>
    %dot_general3A_355 = arith.constant dense<0.000000e+00> : vector<1544x512xf32>
    %dot_general3A_356 = tpu.matmul %concatenate3A_125, %slice3A_354, %dot_general3A_355 {dimension_numbers = #tpu.dot_dimension_numbers<[1], [1], [0], [0], [0, 0, 1, 0], [], []>, transpose_lhs_hint = false} : vector<1544x17xf32>, vector<512x17xf32>, vector<1544x512xf32> -> vector<1544x512xf32>
    %exp3A_357 = math.exp %dot_general3A_356 : vector<1544x512xf32>
    %slice3A_358 = vector.extract_strided_slice %concatenate3A_160 {offsets = [1024, 0], sizes = [512, 32], strides = [1, 1]} : vector<1544x32xf32> to vector<512x32xf32>
    %dot_general3A_359 = arith.constant dense<0.000000e+00> : vector<1544x32xf32>
    %dot_general3A_360 = tpu.matmul %exp3A_357, %slice3A_358, %dot_general3A_359 {dimension_numbers = #tpu.dot_dimension_numbers<[1], [0], [0], [1], [0, 0, 1, 1], [], []>, transpose_lhs_hint = false} : vector<1544x512xf32>, vector<512x32xf32>, vector<1544x32xf32> -> vector<1544x32xf32>
    %add3A_361 = arith.addf %add3A_297, %dot_general3A_360 : vector<1544x32xf32>
    %slice3A_362 = vector.extract_strided_slice %concatenate3A_146 {offsets = [1024, 0], sizes = [512, 17], strides = [1, 1]} : vector<1544x17xf32> to vector<512x17xf32>
    %dot_general3A_363 = arith.constant dense<0.000000e+00> : vector<1544x512xf32>
    %dot_general3A_364 = tpu.matmul %concatenate3A_130, %slice3A_362, %dot_general3A_363 {dimension_numbers = #tpu.dot_dimension_numbers<[1], [1], [0], [0], [0, 0, 1, 0], [], []>, transpose_lhs_hint = false} : vector<1544x17xf32>, vector<512x17xf32>, vector<1544x512xf32> -> vector<1544x512xf32>
    %exp3A_365 = math.exp %dot_general3A_364 : vector<1544x512xf32>
    %slice3A_366 = vector.extract_strided_slice %concatenate3A_162 {offsets = [1024, 0], sizes = [512, 32], strides = [1, 1]} : vector<1544x32xf32> to vector<512x32xf32>
    %dot_general3A_367 = arith.constant dense<0.000000e+00> : vector<1544x32xf32>
    %dot_general3A_368 = tpu.matmul %exp3A_365, %slice3A_366, %dot_general3A_367 {dimension_numbers = #tpu.dot_dimension_numbers<[1], [0], [0], [1], [0, 0, 1, 1], [], []>, transpose_lhs_hint = false} : vector<1544x512xf32>, vector<512x32xf32>, vector<1544x32xf32> -> vector<1544x32xf32>
    %add3A_369 = arith.addf %add3A_305, %dot_general3A_368 : vector<1544x32xf32>
    %slice3A_370 = vector.extract_strided_slice %concatenate3A_132 {offsets = [1536, 0], sizes = [8, 17], strides = [1, 1]} : vector<1544x17xf32> to vector<8x17xf32>
    %dot_general3A_371 = arith.constant dense<0.000000e+00> : vector<1544x8xf32>
    %dot_general3A_372 = tpu.matmul %concatenate3A, %slice3A_370, %dot_general3A_371 {dimension_numbers = #tpu.dot_dimension_numbers<[1], [1], [0], [0], [0, 0, 1, 0], [], []>, transpose_lhs_hint = false} : vector<1544x17xf32>, vector<8x17xf32>, vector<1544x8xf32> -> vector<1544x8xf32>
    %exp3A_373 = math.exp %dot_general3A_372 : vector<1544x8xf32>
    %slice3A_374 = vector.extract_strided_slice %concatenate3A_148 {offsets = [1536, 0], sizes = [8, 32], strides = [1, 1]} : vector<1544x32xf32> to vector<8x32xf32>
    %dot_general3A_375 = arith.constant dense<0.000000e+00> : vector<1544x32xf32>
    %dot_general3A_376 = tpu.matmul %exp3A_373, %slice3A_374, %dot_general3A_375 {dimension_numbers = #tpu.dot_dimension_numbers<[1], [0], [0], [1], [0, 0, 1, 1], [], []>, transpose_lhs_hint = false} : vector<1544x8xf32>, vector<8x32xf32>, vector<1544x32xf32> -> vector<1544x32xf32>
    %add3A_377 = arith.addf %add3A_313, %dot_general3A_376 : vector<1544x32xf32>
    %slice3A_378 = vector.extract_strided_slice %concatenate3A_134 {offsets = [1536, 0], sizes = [8, 17], strides = [1, 1]} : vector<1544x17xf32> to vector<8x17xf32>
    %dot_general3A_379 = arith.constant dense<0.000000e+00> : vector<1544x8xf32>
    %dot_general3A_380 = tpu.matmul %concatenate3A_100, %slice3A_378, %dot_general3A_379 {dimension_numbers = #tpu.dot_dimension_numbers<[1], [1], [0], [0], [0, 0, 1, 0], [], []>, transpose_lhs_hint = false} : vector<1544x17xf32>, vector<8x17xf32>, vector<1544x8xf32> -> vector<1544x8xf32>
    %exp3A_381 = math.exp %dot_general3A_380 : vector<1544x8xf32>
    %slice3A_382 = vector.extract_strided_slice %concatenate3A_150 {offsets = [1536, 0], sizes = [8, 32], strides = [1, 1]} : vector<1544x32xf32> to vector<8x32xf32>
    %dot_general3A_383 = arith.constant dense<0.000000e+00> : vector<1544x32xf32>
    %dot_general3A_384 = tpu.matmul %exp3A_381, %slice3A_382, %dot_general3A_383 {dimension_numbers = #tpu.dot_dimension_numbers<[1], [0], [0], [1], [0, 0, 1, 1], [], []>, transpose_lhs_hint = false} : vector<1544x8xf32>, vector<8x32xf32>, vector<1544x32xf32> -> vector<1544x32xf32>
    %add3A_385 = arith.addf %add3A_321, %dot_general3A_384 : vector<1544x32xf32>
    %slice3A_386 = vector.extract_strided_slice %concatenate3A_136 {offsets = [1536, 0], sizes = [8, 17], strides = [1, 1]} : vector<1544x17xf32> to vector<8x17xf32>
    %dot_general3A_387 = arith.constant dense<0.000000e+00> : vector<1544x8xf32>
    %dot_general3A_388 = tpu.matmul %concatenate3A_105, %slice3A_386, %dot_general3A_387 {dimension_numbers = #tpu.dot_dimension_numbers<[1], [1], [0], [0], [0, 0, 1, 0], [], []>, transpose_lhs_hint = false} : vector<1544x17xf32>, vector<8x17xf32>, vector<1544x8xf32> -> vector<1544x8xf32>
    %exp3A_389 = math.exp %dot_general3A_388 : vector<1544x8xf32>
    %slice3A_390 = vector.extract_strided_slice %concatenate3A_152 {offsets = [1536, 0], sizes = [8, 32], strides = [1, 1]} : vector<1544x32xf32> to vector<8x32xf32>
    %dot_general3A_391 = arith.constant dense<0.000000e+00> : vector<1544x32xf32>
    %dot_general3A_392 = tpu.matmul %exp3A_389, %slice3A_390, %dot_general3A_391 {dimension_numbers = #tpu.dot_dimension_numbers<[1], [0], [0], [1], [0, 0, 1, 1], [], []>, transpose_lhs_hint = false} : vector<1544x8xf32>, vector<8x32xf32>, vector<1544x32xf32> -> vector<1544x32xf32>
    %add3A_393 = arith.addf %add3A_329, %dot_general3A_392 : vector<1544x32xf32>
    %slice3A_394 = vector.extract_strided_slice %concatenate3A_138 {offsets = [1536, 0], sizes = [8, 17], strides = [1, 1]} : vector<1544x17xf32> to vector<8x17xf32>
    %dot_general3A_395 = arith.constant dense<0.000000e+00> : vector<1544x8xf32>
    %dot_general3A_396 = tpu.matmul %concatenate3A_110, %slice3A_394, %dot_general3A_395 {dimension_numbers = #tpu.dot_dimension_numbers<[1], [1], [0], [0], [0, 0, 1, 0], [], []>, transpose_lhs_hint = false} : vector<1544x17xf32>, vector<8x17xf32>, vector<1544x8xf32> -> vector<1544x8xf32>
    %exp3A_397 = math.exp %dot_general3A_396 : vector<1544x8xf32>
    %slice3A_398 = vector.extract_strided_slice %concatenate3A_154 {offsets = [1536, 0], sizes = [8, 32], strides = [1, 1]} : vector<1544x32xf32> to vector<8x32xf32>
    %dot_general3A_399 = arith.constant dense<0.000000e+00> : vector<1544x32xf32>
    %dot_general3A_400 = tpu.matmul %exp3A_397, %slice3A_398, %dot_general3A_399 {dimension_numbers = #tpu.dot_dimension_numbers<[1], [0], [0], [1], [0, 0, 1, 1], [], []>, transpose_lhs_hint = false} : vector<1544x8xf32>, vector<8x32xf32>, vector<1544x32xf32> -> vector<1544x32xf32>
    %add3A_401 = arith.addf %add3A_337, %dot_general3A_400 : vector<1544x32xf32>
    %slice3A_402 = vector.extract_strided_slice %concatenate3A_140 {offsets = [1536, 0], sizes = [8, 17], strides = [1, 1]} : vector<1544x17xf32> to vector<8x17xf32>
    %dot_general3A_403 = arith.constant dense<0.000000e+00> : vector<1544x8xf32>
    %dot_general3A_404 = tpu.matmul %concatenate3A_115, %slice3A_402, %dot_general3A_403 {dimension_numbers = #tpu.dot_dimension_numbers<[1], [1], [0], [0], [0, 0, 1, 0], [], []>, transpose_lhs_hint = false} : vector<1544x17xf32>, vector<8x17xf32>, vector<1544x8xf32> -> vector<1544x8xf32>
    %exp3A_405 = math.exp %dot_general3A_404 : vector<1544x8xf32>
    %slice3A_406 = vector.extract_strided_slice %concatenate3A_156 {offsets = [1536, 0], sizes = [8, 32], strides = [1, 1]} : vector<1544x32xf32> to vector<8x32xf32>
    %dot_general3A_407 = arith.constant dense<0.000000e+00> : vector<1544x32xf32>
    %dot_general3A_408 = tpu.matmul %exp3A_405, %slice3A_406, %dot_general3A_407 {dimension_numbers = #tpu.dot_dimension_numbers<[1], [0], [0], [1], [0, 0, 1, 1], [], []>, transpose_lhs_hint = false} : vector<1544x8xf32>, vector<8x32xf32>, vector<1544x32xf32> -> vector<1544x32xf32>
    %add3A_409 = arith.addf %add3A_345, %dot_general3A_408 : vector<1544x32xf32>
    %slice3A_410 = vector.extract_strided_slice %concatenate3A_142 {offsets = [1536, 0], sizes = [8, 17], strides = [1, 1]} : vector<1544x17xf32> to vector<8x17xf32>
    %dot_general3A_411 = arith.constant dense<0.000000e+00> : vector<1544x8xf32>
    %dot_general3A_412 = tpu.matmul %concatenate3A_120, %slice3A_410, %dot_general3A_411 {dimension_numbers = #tpu.dot_dimension_numbers<[1], [1], [0], [0], [0, 0, 1, 0], [], []>, transpose_lhs_hint = false} : vector<1544x17xf32>, vector<8x17xf32>, vector<1544x8xf32> -> vector<1544x8xf32>
    %exp3A_413 = math.exp %dot_general3A_412 : vector<1544x8xf32>
    %slice3A_414 = vector.extract_strided_slice %concatenate3A_158 {offsets = [1536, 0], sizes = [8, 32], strides = [1, 1]} : vector<1544x32xf32> to vector<8x32xf32>
    %dot_general3A_415 = arith.constant dense<0.000000e+00> : vector<1544x32xf32>
    %dot_general3A_416 = tpu.matmul %exp3A_413, %slice3A_414, %dot_general3A_415 {dimension_numbers = #tpu.dot_dimension_numbers<[1], [0], [0], [1], [0, 0, 1, 1], [], []>, transpose_lhs_hint = false} : vector<1544x8xf32>, vector<8x32xf32>, vector<1544x32xf32> -> vector<1544x32xf32>
    %add3A_417 = arith.addf %add3A_353, %dot_general3A_416 : vector<1544x32xf32>
    %slice3A_418 = vector.extract_strided_slice %concatenate3A_144 {offsets = [1536, 0], sizes = [8, 17], strides = [1, 1]} : vector<1544x17xf32> to vector<8x17xf32>
    %dot_general3A_419 = arith.constant dense<0.000000e+00> : vector<1544x8xf32>
    %dot_general3A_420 = tpu.matmul %concatenate3A_125, %slice3A_418, %dot_general3A_419 {dimension_numbers = #tpu.dot_dimension_numbers<[1], [1], [0], [0], [0, 0, 1, 0], [], []>, transpose_lhs_hint = false} : vector<1544x17xf32>, vector<8x17xf32>, vector<1544x8xf32> -> vector<1544x8xf32>
    %exp3A_421 = math.exp %dot_general3A_420 : vector<1544x8xf32>
    %slice3A_422 = vector.extract_strided_slice %concatenate3A_160 {offsets = [1536, 0], sizes = [8, 32], strides = [1, 1]} : vector<1544x32xf32> to vector<8x32xf32>
    %dot_general3A_423 = arith.constant dense<0.000000e+00> : vector<1544x32xf32>
    %dot_general3A_424 = tpu.matmul %exp3A_421, %slice3A_422, %dot_general3A_423 {dimension_numbers = #tpu.dot_dimension_numbers<[1], [0], [0], [1], [0, 0, 1, 1], [], []>, transpose_lhs_hint = false} : vector<1544x8xf32>, vector<8x32xf32>, vector<1544x32xf32> -> vector<1544x32xf32>
    %add3A_425 = arith.addf %add3A_361, %dot_general3A_424 : vector<1544x32xf32>
    %slice3A_426 = vector.extract_strided_slice %concatenate3A_146 {offsets = [1536, 0], sizes = [8, 17], strides = [1, 1]} : vector<1544x17xf32> to vector<8x17xf32>
    %dot_general3A_427 = arith.constant dense<0.000000e+00> : vector<1544x8xf32>
    %dot_general3A_428 = tpu.matmul %concatenate3A_130, %slice3A_426, %dot_general3A_427 {dimension_numbers = #tpu.dot_dimension_numbers<[1], [1], [0], [0], [0, 0, 1, 0], [], []>, transpose_lhs_hint = false} : vector<1544x17xf32>, vector<8x17xf32>, vector<1544x8xf32> -> vector<1544x8xf32>
    %exp3A_429 = math.exp %dot_general3A_428 : vector<1544x8xf32>
    %slice3A_430 = vector.extract_strided_slice %concatenate3A_162 {offsets = [1536, 0], sizes = [8, 32], strides = [1, 1]} : vector<1544x32xf32> to vector<8x32xf32>
    %dot_general3A_431 = arith.constant dense<0.000000e+00> : vector<1544x32xf32>
    %dot_general3A_432 = tpu.matmul %exp3A_429, %slice3A_430, %dot_general3A_431 {dimension_numbers = #tpu.dot_dimension_numbers<[1], [0], [0], [1], [0, 0, 1, 1], [], []>, transpose_lhs_hint = false} : vector<1544x8xf32>, vector<8x32xf32>, vector<1544x32xf32> -> vector<1544x32xf32>
    %add3A_433 = arith.addf %add3A_369, %dot_general3A_432 : vector<1544x32xf32>
    %slice3A_434 = vector.extract_strided_slice %add3A_377 {offsets = [0, 0], sizes = [1544, 16], strides = [1, 1]} : vector<1544x32xf32> to vector<1544x16xf32>
    %slice3A_435 = vector.extract_strided_slice %add3A_377 {offsets = [0, 16], sizes = [1544, 1], strides = [1, 1]} : vector<1544x32xf32> to vector<1544x1xf32>
    %div3A_436 = vector.broadcast %slice3A_435 : vector<1544x1xf32> to vector<1544x16xf32>
    %div3A_437 = arith.divf %slice3A_434, %div3A_436 : vector<1544x16xf32>
    %slice3A_438 = vector.extract_strided_slice %get3A_24 {offsets = [0, 0], sizes = [16, 128], strides = [1, 1]} : vector<128x128xf32> to vector<16x128xf32>
    %dot_general3A_439 = arith.constant dense<0.000000e+00> : vector<1544x128xf32>
    %dot_general3A_440 = tpu.matmul %div3A_437, %slice3A_438, %dot_general3A_439 {dimension_numbers = #tpu.dot_dimension_numbers<[1], [0], [0], [1], [0, 0, 1, 1], [], []>, transpose_lhs_hint = false} : vector<1544x16xf32>, vector<16x128xf32>, vector<1544x128xf32> -> vector<1544x128xf32>
    %add3A_441 = arith.addf %broadcast_in_dim3A_92, %dot_general3A_440 : vector<1544x128xf32>
    %slice3A_442 = vector.extract_strided_slice %add3A_385 {offsets = [0, 0], sizes = [1544, 16], strides = [1, 1]} : vector<1544x32xf32> to vector<1544x16xf32>
    %slice3A_443 = vector.extract_strided_slice %add3A_385 {offsets = [0, 16], sizes = [1544, 1], strides = [1, 1]} : vector<1544x32xf32> to vector<1544x1xf32>
    %div3A_444 = vector.broadcast %slice3A_443 : vector<1544x1xf32> to vector<1544x16xf32>
    %div3A_445 = arith.divf %slice3A_442, %div3A_444 : vector<1544x16xf32>
    %slice3A_446 = vector.extract_strided_slice %get3A_24 {offsets = [16, 0], sizes = [16, 128], strides = [1, 1]} : vector<128x128xf32> to vector<16x128xf32>
    %dot_general3A_447 = arith.constant dense<0.000000e+00> : vector<1544x128xf32>
    %dot_general3A_448 = tpu.matmul %div3A_445, %slice3A_446, %dot_general3A_447 {dimension_numbers = #tpu.dot_dimension_numbers<[1], [0], [0], [1], [0, 0, 1, 1], [], []>, transpose_lhs_hint = false} : vector<1544x16xf32>, vector<16x128xf32>, vector<1544x128xf32> -> vector<1544x128xf32>
    %add3A_449 = arith.addf %add3A_441, %dot_general3A_448 : vector<1544x128xf32>
    %slice3A_450 = vector.extract_strided_slice %add3A_393 {offsets = [0, 0], sizes = [1544, 16], strides = [1, 1]} : vector<1544x32xf32> to vector<1544x16xf32>
    %slice3A_451 = vector.extract_strided_slice %add3A_393 {offsets = [0, 16], sizes = [1544, 1], strides = [1, 1]} : vector<1544x32xf32> to vector<1544x1xf32>
    %div3A_452 = vector.broadcast %slice3A_451 : vector<1544x1xf32> to vector<1544x16xf32>
    %div3A_453 = arith.divf %slice3A_450, %div3A_452 : vector<1544x16xf32>
    %slice3A_454 = vector.extract_strided_slice %get3A_24 {offsets = [32, 0], sizes = [16, 128], strides = [1, 1]} : vector<128x128xf32> to vector<16x128xf32>
    %dot_general3A_455 = arith.constant dense<0.000000e+00> : vector<1544x128xf32>
    %dot_general3A_456 = tpu.matmul %div3A_453, %slice3A_454, %dot_general3A_455 {dimension_numbers = #tpu.dot_dimension_numbers<[1], [0], [0], [1], [0, 0, 1, 1], [], []>, transpose_lhs_hint = false} : vector<1544x16xf32>, vector<16x128xf32>, vector<1544x128xf32> -> vector<1544x128xf32>
    %add3A_457 = arith.addf %add3A_449, %dot_general3A_456 : vector<1544x128xf32>
    %slice3A_458 = vector.extract_strided_slice %add3A_401 {offsets = [0, 0], sizes = [1544, 16], strides = [1, 1]} : vector<1544x32xf32> to vector<1544x16xf32>
    %slice3A_459 = vector.extract_strided_slice %add3A_401 {offsets = [0, 16], sizes = [1544, 1], strides = [1, 1]} : vector<1544x32xf32> to vector<1544x1xf32>
    %div3A_460 = vector.broadcast %slice3A_459 : vector<1544x1xf32> to vector<1544x16xf32>
    %div3A_461 = arith.divf %slice3A_458, %div3A_460 : vector<1544x16xf32>
    %slice3A_462 = vector.extract_strided_slice %get3A_24 {offsets = [48, 0], sizes = [16, 128], strides = [1, 1]} : vector<128x128xf32> to vector<16x128xf32>
    %dot_general3A_463 = arith.constant dense<0.000000e+00> : vector<1544x128xf32>
    %dot_general3A_464 = tpu.matmul %div3A_461, %slice3A_462, %dot_general3A_463 {dimension_numbers = #tpu.dot_dimension_numbers<[1], [0], [0], [1], [0, 0, 1, 1], [], []>, transpose_lhs_hint = false} : vector<1544x16xf32>, vector<16x128xf32>, vector<1544x128xf32> -> vector<1544x128xf32>
    %add3A_465 = arith.addf %add3A_457, %dot_general3A_464 : vector<1544x128xf32>
    %slice3A_466 = vector.extract_strided_slice %add3A_409 {offsets = [0, 0], sizes = [1544, 16], strides = [1, 1]} : vector<1544x32xf32> to vector<1544x16xf32>
    %slice3A_467 = vector.extract_strided_slice %add3A_409 {offsets = [0, 16], sizes = [1544, 1], strides = [1, 1]} : vector<1544x32xf32> to vector<1544x1xf32>
    %div3A_468 = vector.broadcast %slice3A_467 : vector<1544x1xf32> to vector<1544x16xf32>
    %div3A_469 = arith.divf %slice3A_466, %div3A_468 : vector<1544x16xf32>
    %slice3A_470 = vector.extract_strided_slice %get3A_24 {offsets = [64, 0], sizes = [16, 128], strides = [1, 1]} : vector<128x128xf32> to vector<16x128xf32>
    %dot_general3A_471 = arith.constant dense<0.000000e+00> : vector<1544x128xf32>
    %dot_general3A_472 = tpu.matmul %div3A_469, %slice3A_470, %dot_general3A_471 {dimension_numbers = #tpu.dot_dimension_numbers<[1], [0], [0], [1], [0, 0, 1, 1], [], []>, transpose_lhs_hint = false} : vector<1544x16xf32>, vector<16x128xf32>, vector<1544x128xf32> -> vector<1544x128xf32>
    %add3A_473 = arith.addf %add3A_465, %dot_general3A_472 : vector<1544x128xf32>
    %slice3A_474 = vector.extract_strided_slice %add3A_417 {offsets = [0, 0], sizes = [1544, 16], strides = [1, 1]} : vector<1544x32xf32> to vector<1544x16xf32>
    %slice3A_475 = vector.extract_strided_slice %add3A_417 {offsets = [0, 16], sizes = [1544, 1], strides = [1, 1]} : vector<1544x32xf32> to vector<1544x1xf32>
    %div3A_476 = vector.broadcast %slice3A_475 : vector<1544x1xf32> to vector<1544x16xf32>
    %div3A_477 = arith.divf %slice3A_474, %div3A_476 : vector<1544x16xf32>
    %slice3A_478 = vector.extract_strided_slice %get3A_24 {offsets = [80, 0], sizes = [16, 128], strides = [1, 1]} : vector<128x128xf32> to vector<16x128xf32>
    %dot_general3A_479 = arith.constant dense<0.000000e+00> : vector<1544x128xf32>
    %dot_general3A_480 = tpu.matmul %div3A_477, %slice3A_478, %dot_general3A_479 {dimension_numbers = #tpu.dot_dimension_numbers<[1], [0], [0], [1], [0, 0, 1, 1], [], []>, transpose_lhs_hint = false} : vector<1544x16xf32>, vector<16x128xf32>, vector<1544x128xf32> -> vector<1544x128xf32>
    %add3A_481 = arith.addf %add3A_473, %dot_general3A_480 : vector<1544x128xf32>
    %slice3A_482 = vector.extract_strided_slice %add3A_425 {offsets = [0, 0], sizes = [1544, 16], strides = [1, 1]} : vector<1544x32xf32> to vector<1544x16xf32>
    %slice3A_483 = vector.extract_strided_slice %add3A_425 {offsets = [0, 16], sizes = [1544, 1], strides = [1, 1]} : vector<1544x32xf32> to vector<1544x1xf32>
    %div3A_484 = vector.broadcast %slice3A_483 : vector<1544x1xf32> to vector<1544x16xf32>
    %div3A_485 = arith.divf %slice3A_482, %div3A_484 : vector<1544x16xf32>
    %slice3A_486 = vector.extract_strided_slice %get3A_24 {offsets = [96, 0], sizes = [16, 128], strides = [1, 1]} : vector<128x128xf32> to vector<16x128xf32>
    %dot_general3A_487 = arith.constant dense<0.000000e+00> : vector<1544x128xf32>
    %dot_general3A_488 = tpu.matmul %div3A_485, %slice3A_486, %dot_general3A_487 {dimension_numbers = #tpu.dot_dimension_numbers<[1], [0], [0], [1], [0, 0, 1, 1], [], []>, transpose_lhs_hint = false} : vector<1544x16xf32>, vector<16x128xf32>, vector<1544x128xf32> -> vector<1544x128xf32>
    %add3A_489 = arith.addf %add3A_481, %dot_general3A_488 : vector<1544x128xf32>
    %slice3A_490 = vector.extract_strided_slice %add3A_433 {offsets = [0, 0], sizes = [1544, 16], strides = [1, 1]} : vector<1544x32xf32> to vector<1544x16xf32>
    %slice3A_491 = vector.extract_strided_slice %add3A_433 {offsets = [0, 16], sizes = [1544, 1], strides = [1, 1]} : vector<1544x32xf32> to vector<1544x1xf32>
    %div3A_492 = vector.broadcast %slice3A_491 : vector<1544x1xf32> to vector<1544x16xf32>
    %div3A_493 = arith.divf %slice3A_490, %div3A_492 : vector<1544x16xf32>
    %slice3A_494 = vector.extract_strided_slice %get3A_24 {offsets = [112, 0], sizes = [16, 128], strides = [1, 1]} : vector<128x128xf32> to vector<16x128xf32>
    %dot_general3A_495 = arith.constant dense<0.000000e+00> : vector<1544x128xf32>
    %dot_general3A_496 = tpu.matmul %div3A_493, %slice3A_494, %dot_general3A_495 {dimension_numbers = #tpu.dot_dimension_numbers<[1], [0], [0], [1], [0, 0, 1, 1], [], []>, transpose_lhs_hint = false} : vector<1544x16xf32>, vector<16x128xf32>, vector<1544x128xf32> -> vector<1544x128xf32>
    %add3A_497 = arith.addf %add3A_489, %dot_general3A_496 : vector<1544x128xf32>
    %add3A_498 = arith.addf %get3A_3, %add3A_497 : vector<1544x128xf32>
    %add3A_499 = vector.broadcast %get3A_27 : vector<1x128xf32> to vector<1544x128xf32>
    %add3A_500 = arith.addf %add3A_498, %add3A_499 : vector<1544x128xf32>
    %reduce_sum3A_501 = arith.constant dense<0.000000e+00> : vector<1544xf32>
    %reduce_sum3A_502 = vector.multi_reduction <add>, %add3A_500, %reduce_sum3A_501 [1] : vector<1544x128xf32> to vector<1544xf32>
    %broadcast_in_dim3A_503 = vector.shape_cast %reduce_sum3A_502 : vector<1544xf32> to vector<1544x1xf32>
    %div3A_504 = arith.constant 1.280000e+02 : f32
    %div3A_505 = vector.broadcast %div3A_504 : f32 to vector<1544x1xf32>
    %div3A_506 = arith.divf %broadcast_in_dim3A_503, %div3A_505 : vector<1544x1xf32>
    %sub3A_507 = vector.broadcast %div3A_506 : vector<1544x1xf32> to vector<1544x128xf32>
    %sub3A_508 = arith.subf %add3A_500, %sub3A_507 : vector<1544x128xf32>
    %integer_pow3A_509 = arith.mulf %sub3A_508, %sub3A_508 : vector<1544x128xf32>
    %reduce_sum3A_510 = arith.constant dense<0.000000e+00> : vector<1544xf32>
    %reduce_sum3A_511 = vector.multi_reduction <add>, %integer_pow3A_509, %reduce_sum3A_510 [1] : vector<1544x128xf32> to vector<1544xf32>
    %broadcast_in_dim3A_512 = vector.shape_cast %reduce_sum3A_511 : vector<1544xf32> to vector<1544x1xf32>
    %div3A_513 = arith.constant 1.280000e+02 : f32
    %div3A_514 = vector.broadcast %div3A_513 : f32 to vector<1544x1xf32>
    %div3A_515 = arith.divf %broadcast_in_dim3A_512, %div3A_514 : vector<1544x1xf32>
    %sub3A_516 = vector.broadcast %div3A_506 : vector<1544x1xf32> to vector<1544x128xf32>
    %sub3A_517 = arith.subf %add3A_500, %sub3A_516 : vector<1544x128xf32>
    %add3A_518 = arith.constant 9.99999974E-6 : f32
    %add3A_519 = vector.broadcast %add3A_518 : f32 to vector<1544x1xf32>
    %add3A_520 = arith.addf %div3A_515, %add3A_519 : vector<1544x1xf32>
    %rsqrt3A_521 = math.rsqrt %add3A_520 : vector<1544x1xf32>
    %mul3A_522 = vector.broadcast %rsqrt3A_521 : vector<1544x1xf32> to vector<1544x128xf32>
    %mul3A_523 = arith.mulf %sub3A_517, %mul3A_522 : vector<1544x128xf32>
    %mul3A_524 = vector.broadcast %get3A_36 : vector<1x128xf32> to vector<1544x128xf32>
    %mul3A_525 = arith.mulf %mul3A_523, %mul3A_524 : vector<1544x128xf32>
    %add3A_526 = vector.broadcast %get3A_39 : vector<1x128xf32> to vector<1544x128xf32>
    %add3A_527 = arith.addf %mul3A_525, %add3A_526 : vector<1544x128xf32>
    %dot_general3A_528 = arith.constant dense<0.000000e+00> : vector<1544x512xf32>
    %dot_general3A_529 = tpu.matmul %add3A_527, %get3A_42, %dot_general3A_528 {dimension_numbers = #tpu.dot_dimension_numbers<[1], [0], [0], [1], [0, 0, 1, 1], [], []>, transpose_lhs_hint = false} : vector<1544x128xf32>, vector<128x512xf32>, vector<1544x512xf32> -> vector<1544x512xf32>
    %add3A_530 = vector.broadcast %get3A_45 : vector<1x512xf32> to vector<1544x512xf32>
    %add3A_531 = arith.addf %dot_general3A_529, %add3A_530 : vector<1544x512xf32>
    %integer_pow3A_532 = arith.mulf %add3A_531, %add3A_531 : vector<1544x512xf32>
    %integer_pow3A_533 = arith.mulf %add3A_531, %integer_pow3A_532 : vector<1544x512xf32>
    %mul3A_534 = arith.constant 4.471500e-02 : f32
    %mul3A_535 = vector.broadcast %mul3A_534 : f32 to vector<1544x512xf32>
    %mul3A_536 = arith.mulf %mul3A_535, %integer_pow3A_533 : vector<1544x512xf32>
    %add3A_537 = arith.addf %add3A_531, %mul3A_536 : vector<1544x512xf32>
    %mul3A_538 = arith.constant 0.797884583 : f32
    %mul3A_539 = vector.broadcast %mul3A_538 : f32 to vector<1544x512xf32>
    %mul3A_540 = arith.mulf %mul3A_539, %add3A_537 : vector<1544x512xf32>
    %tanh3A = math.tanh %mul3A_540 : vector<1544x512xf32>
    %add3A_541 = arith.constant 1.000000e+00 : f32
    %add3A_542 = vector.broadcast %add3A_541 : f32 to vector<1544x512xf32>
    %add3A_543 = arith.addf %add3A_542, %tanh3A : vector<1544x512xf32>
    %mul3A_544 = arith.constant 5.000000e-01 : f32
    %mul3A_545 = vector.broadcast %mul3A_544 : f32 to vector<1544x512xf32>
    %mul3A_546 = arith.mulf %mul3A_545, %add3A_543 : vector<1544x512xf32>
    %mul3A_547 = arith.mulf %add3A_531, %mul3A_546 : vector<1544x512xf32>
    %dot_general3A_548 = arith.constant dense<0.000000e+00> : vector<1544x128xf32>
    %dot_general3A_549 = tpu.matmul %mul3A_547, %get3A_48, %dot_general3A_548 {dimension_numbers = #tpu.dot_dimension_numbers<[1], [0], [0], [1], [0, 0, 1, 1], [], []>, transpose_lhs_hint = false} : vector<1544x512xf32>, vector<512x128xf32>, vector<1544x128xf32> -> vector<1544x128xf32>
    %add3A_550 = arith.addf %add3A_500, %dot_general3A_549 : vector<1544x128xf32>
    %add3A_551 = vector.broadcast %get3A_51 : vector<1x128xf32> to vector<1544x128xf32>
    %add3A_552 = arith.addf %add3A_550, %add3A_551 : vector<1544x128xf32>
    %get3A_553 = arith.constant 0 : index
    %get3A_554 = arith.constant 0 : index
    %get3A_555 = vector.load %arg18[%get3A_553, %get3A_554] : memref<1x128xf32, #tpu.memory_space<vmem>>, vector<1x128xf32>
    %get3A_556 = arith.constant 0 : index
    %get3A_557 = arith.constant 0 : index
    %get3A_558 = vector.load %arg19[%get3A_556, %get3A_557] : memref<1x128xf32, #tpu.memory_space<vmem>>, vector<1x128xf32>
    %reduce_sum3A_559 = arith.constant dense<0.000000e+00> : vector<1544xf32>
    %reduce_sum3A_560 = vector.multi_reduction <add>, %add3A_552, %reduce_sum3A_559 [1] : vector<1544x128xf32> to vector<1544xf32>
    %broadcast_in_dim3A_561 = vector.shape_cast %reduce_sum3A_560 : vector<1544xf32> to vector<1544x1xf32>
    %div3A_562 = arith.constant 1.280000e+02 : f32
    %div3A_563 = vector.broadcast %div3A_562 : f32 to vector<1544x1xf32>
    %div3A_564 = arith.divf %broadcast_in_dim3A_561, %div3A_563 : vector<1544x1xf32>
    %sub3A_565 = vector.broadcast %div3A_564 : vector<1544x1xf32> to vector<1544x128xf32>
    %sub3A_566 = arith.subf %add3A_552, %sub3A_565 : vector<1544x128xf32>
    %integer_pow3A_567 = arith.mulf %sub3A_566, %sub3A_566 : vector<1544x128xf32>
    %reduce_sum3A_568 = arith.constant dense<0.000000e+00> : vector<1544xf32>
    %reduce_sum3A_569 = vector.multi_reduction <add>, %integer_pow3A_567, %reduce_sum3A_568 [1] : vector<1544x128xf32> to vector<1544xf32>
    %broadcast_in_dim3A_570 = vector.shape_cast %reduce_sum3A_569 : vector<1544xf32> to vector<1544x1xf32>
    %div3A_571 = arith.constant 1.280000e+02 : f32
    %div3A_572 = vector.broadcast %div3A_571 : f32 to vector<1544x1xf32>
    %div3A_573 = arith.divf %broadcast_in_dim3A_570, %div3A_572 : vector<1544x1xf32>
    %sub3A_574 = vector.broadcast %div3A_564 : vector<1544x1xf32> to vector<1544x128xf32>
    %sub3A_575 = arith.subf %add3A_552, %sub3A_574 : vector<1544x128xf32>
    %add3A_576 = arith.constant 9.99999974E-6 : f32
    %add3A_577 = vector.broadcast %add3A_576 : f32 to vector<1544x1xf32>
    %add3A_578 = arith.addf %div3A_573, %add3A_577 : vector<1544x1xf32>
    %rsqrt3A_579 = math.rsqrt %add3A_578 : vector<1544x1xf32>
    %mul3A_580 = vector.broadcast %rsqrt3A_579 : vector<1544x1xf32> to vector<1544x128xf32>
    %mul3A_581 = arith.mulf %sub3A_575, %mul3A_580 : vector<1544x128xf32>
    %mul3A_582 = vector.broadcast %get3A_555 : vector<1x128xf32> to vector<1544x128xf32>
    %mul3A_583 = arith.mulf %mul3A_581, %mul3A_582 : vector<1544x128xf32>
    %add3A_584 = vector.broadcast %get3A_558 : vector<1x128xf32> to vector<1544x128xf32>
    %add3A_585 = arith.addf %mul3A_583, %add3A_584 : vector<1544x128xf32>
    %swap3A = arith.constant 0 : index
    %swap3A_586 = arith.constant 0 : index
    %swap3A_587 = arith.constant 0 : index
    %swap3A_588 = vector.load %arg20[%swap3A, %swap3A_586, %swap3A_587] : memref<1x1544x128xf32, #tpu.memory_space<vmem>>, vector<1x1544x128xf32>
    %swap3A_589 = vector.shape_cast %swap3A_588 : vector<1x1544x128xf32> to vector<1544x128xf32>
    %swap3A_590 = vector.shape_cast %add3A_585 : vector<1544x128xf32> to vector<1x1544x128xf32>
    tpu.vector_store %arg20[%swap3A, %swap3A_586, %swap3A_587], %swap3A_590 {strides = array<i32>} : memref<1x1544x128xf32, #tpu.memory_space<vmem>>, vector<1x1544x128xf32>,
    return
  }
  func.func @transform_0(%arg0: i32) -> (i32, i32, i32) {
    %c0_i32 = arith.constant 0 : i32
    %c0_i32_0 = arith.constant 0 : i32
    %c0_i32_1 = arith.constant 0 : i32
    return %arg0, %c0_i32, %c0_i32_0 : i32, i32, i32
  }
  func.func @transform_1(%arg0: i32) -> (i32, i32) {
    %c0_i32 = arith.constant 0 : i32
    %c0_i32_0 = arith.constant 0 : i32
    %c0_i32_1 = arith.constant 0 : i32
    return %c0_i32, %c0_i32_0 : i32, i32
  }
  func.func @transform_2(%arg0: i32) -> (i32, i32) {
    %c0_i32 = arith.constant 0 : i32
    %c0_i32_0 = arith.constant 0 : i32
    %c0_i32_1 = arith.constant 0 : i32
    return %c0_i32, %c0_i32_0 : i32, i32
  }
  func.func @transform_3(%arg0: i32) -> (i32, i32) {
    %c0_i32 = arith.constant 0 : i32
    %c0_i32_0 = arith.constant 0 : i32
    %c0_i32_1 = arith.constant 0 : i32
    return %c0_i32, %c0_i32_0 : i32, i32
  }
  func.func @transform_4(%arg0: i32) -> (i32, i32) {
    %c0_i32 = arith.constant 0 : i32
    %c0_i32_0 = arith.constant 0 : i32
    %c0_i32_1 = arith.constant 0 : i32
    return %c0_i32, %c0_i32_0 : i32, i32
  }
  func.func @transform_5(%arg0: i32) -> (i32, i32) {
    %c0_i32 = arith.constant 0 : i32
    %c0_i32_0 = arith.constant 0 : i32
    %c0_i32_1 = arith.constant 0 : i32
    return %c0_i32, %c0_i32_0 : i32, i32
  }
  func.func @transform_6(%arg0: i32) -> (i32, i32) {
    %c0_i32 = arith.constant 0 : i32
    %c0_i32_0 = arith.constant 0 : i32
    %c0_i32_1 = arith.constant 0 : i32
    return %c0_i32, %c0_i32_0 : i32, i32
  }
  func.func @transform_7(%arg0: i32) -> (i32, i32) {
    %c0_i32 = arith.constant 0 : i32
    %c0_i32_0 = arith.constant 0 : i32
    %c0_i32_1 = arith.constant 0 : i32
    return %c0_i32, %c0_i32_0 : i32, i32
  }
  func.func @transform_8(%arg0: i32) -> (i32, i32) {
    %c0_i32 = arith.constant 0 : i32
    %c0_i32_0 = arith.constant 0 : i32
    %c0_i32_1 = arith.constant 0 : i32
    return %c0_i32, %c0_i32_0 : i32, i32
  }
  func.func @transform_9(%arg0: i32) -> (i32, i32) {
    %c0_i32 = arith.constant 0 : i32
    %c0_i32_0 = arith.constant 0 : i32
    %c0_i32_1 = arith.constant 0 : i32
    return %c0_i32, %c0_i32_0 : i32, i32
  }
  func.func @transform_10(%arg0: i32) -> (i32, i32) {
    %c0_i32 = arith.constant 0 : i32
    %c0_i32_0 = arith.constant 0 : i32
    %c0_i32_1 = arith.constant 0 : i32
    return %c0_i32, %c0_i32_0 : i32, i32
  }
  func.func @transform_11(%arg0: i32) -> (i32, i32) {
    %c0_i32 = arith.constant 0 : i32
    %c0_i32_0 = arith.constant 0 : i32
    %c0_i32_1 = arith.constant 0 : i32
    return %c0_i32, %c0_i32_0 : i32, i32
  }
  func.func @transform_12(%arg0: i32) -> (i32, i32) {
    %c0_i32 = arith.constant 0 : i32
    %c0_i32_0 = arith.constant 0 : i32
    %c0_i32_1 = arith.constant 0 : i32
    return %c0_i32, %c0_i32_0 : i32, i32
  }
  func.func @transform_13(%arg0: i32) -> (i32, i32) {
    %c0_i32 = arith.constant 0 : i32
    %c0_i32_0 = arith.constant 0 : i32
    %c0_i32_1 = arith.constant 0 : i32
    return %c0_i32, %c0_i32_0 : i32, i32
  }
  func.func @transform_14(%arg0: i32) -> (i32, i32) {
    %c0_i32 = arith.constant 0 : i32
    %c0_i32_0 = arith.constant 0 : i32
    %c0_i32_1 = arith.constant 0 : i32
    return %c0_i32, %c0_i32_0 : i32, i32
  }
  func.func @transform_15(%arg0: i32) -> (i32, i32) {
    %c0_i32 = arith.constant 0 : i32
    %c0_i32_0 = arith.constant 0 : i32
    %c0_i32_1 = arith.constant 0 : i32
    return %c0_i32, %c0_i32_0 : i32, i32
  }
  func.func @transform_16(%arg0: i32) -> (i32, i32) {
    %c0_i32 = arith.constant 0 : i32
    %c0_i32_0 = arith.constant 0 : i32
    %c0_i32_1 = arith.constant 0 : i32
    return %c0_i32, %c0_i32_0 : i32, i32
  }
  func.func @transform_17(%arg0: i32) -> (i32, i32) {
    %c0_i32 = arith.constant 0 : i32
    %c0_i32_0 = arith.constant 0 : i32
    %c0_i32_1 = arith.constant 0 : i32
    return %c0_i32, %c0_i32_0 : i32, i32
  }
  func.func @transform_18(%arg0: i32) -> (i32, i32) {
    %c0_i32 = arith.constant 0 : i32
    %c0_i32_0 = arith.constant 0 : i32
    %c0_i32_1 = arith.constant 0 : i32
    return %c0_i32, %c0_i32_0 : i32, i32
  }
  func.func @transform_19(%arg0: i32) -> (i32, i32, i32) {
    %c0_i32 = arith.constant 0 : i32
    %c0_i32_0 = arith.constant 0 : i32
    %c0_i32_1 = arith.constant 0 : i32
    return %arg0, %c0_i32, %c0_i32_0 : i32, i32, i32
  }
}

module attributes {stable_mosaic.version = 14 : i64} {
  func.func @_asm_layer_body(%arg0: i32, %arg1: memref<1x512x128xf32, #tpu.memory_space<vmem>>, %arg2: memref<1x1024x128xf32, #tpu.memory_space<vmem>>, %arg3: memref<1x1024x128xf32, #tpu.memory_space<vmem>>, %arg4: memref<1x1024x128xf32, #tpu.memory_space<vmem>>, %arg5: memref<1x512x16xf32, #tpu.memory_space<vmem>>, %arg6: memref<1x1x1024xi32, #tpu.memory_space<vmem>>, %arg7: memref<1x1x1024xi32, #tpu.memory_space<vmem>>, %arg8: memref<128x128xf32, #tpu.memory_space<vmem>>, %arg9: memref<128x128xf32, #tpu.memory_space<vmem>>, %arg10: memref<2x128xf32, #tpu.memory_space<vmem>>, %arg11: memref<1x128xf32, #tpu.memory_space<vmem>>, %arg12: memref<1x128xf32, #tpu.memory_space<vmem>>, %arg13: memref<128x128xf32, #tpu.memory_space<vmem>>, %arg14: memref<1x128xf32, #tpu.memory_space<vmem>>, %arg15: memref<128x128xf32, #tpu.memory_space<vmem>>, %arg16: memref<1x128xf32, #tpu.memory_space<vmem>>, %arg17: memref<128x128xf32, #tpu.memory_space<vmem>>, %arg18: memref<1x128xf32, #tpu.memory_space<vmem>>, %arg19: memref<128x128xf32, #tpu.memory_space<vmem>>, %arg20: memref<1x128xf32, #tpu.memory_space<vmem>>, %arg21: memref<1x128xf32, #tpu.memory_space<vmem>>, %arg22: memref<1x128xf32, #tpu.memory_space<vmem>>, %arg23: memref<1x128xf32, #tpu.memory_space<vmem>>, %arg24: memref<1x128xf32, #tpu.memory_space<vmem>>, %arg25: memref<128x512xf32, #tpu.memory_space<vmem>>, %arg26: memref<1x512xf32, #tpu.memory_space<vmem>>, %arg27: memref<512x128xf32, #tpu.memory_space<vmem>>, %arg28: memref<1x128xf32, #tpu.memory_space<vmem>>, %arg29: memref<1x128xf32, #tpu.memory_space<vmem>>, %arg30: memref<1x128xf32, #tpu.memory_space<vmem>>, %arg31: memref<1x1544x128xf32, #tpu.memory_space<vmem>>) attributes {dimension_semantics = [#tpu.dimension_semantics<arbitrary>], iteration_bounds = array<i64: 8>, scalar_prefetch = 0 : i64, scratch_operands = 0 : i64, tpu.core_type = #tpu.core_type<tc>, window_params = [{transform_indices = @transform_0, window_bounds = array<i64: 1, 512, 128>}, {transform_indices = @transform_1, window_bounds = array<i64: 1, 1024, 128>}, {transform_indices = @transform_2, window_bounds = array<i64: 1, 1024, 128>}, {transform_indices = @transform_3, window_bounds = array<i64: 1, 1024, 128>}, {transform_indices = @transform_4, window_bounds = array<i64: 1, 512, 16>}, {transform_indices = @transform_5, window_bounds = array<i64: 1, 1, 1024>}, {transform_indices = @transform_6, window_bounds = array<i64: 1, 1, 1024>}, {pipeline_mode = #tpu.pipeline_mode<synchronous>, transform_indices = @transform_7, window_bounds = array<i64: 128, 128>}, {pipeline_mode = #tpu.pipeline_mode<synchronous>, transform_indices = @transform_8, window_bounds = array<i64: 128, 128>}, {pipeline_mode = #tpu.pipeline_mode<synchronous>, transform_indices = @transform_9, window_bounds = array<i64: 2, 128>}, {pipeline_mode = #tpu.pipeline_mode<synchronous>, transform_indices = @transform_10, window_bounds = array<i64: 1, 128>}, {pipeline_mode = #tpu.pipeline_mode<synchronous>, transform_indices = @transform_11, window_bounds = array<i64: 1, 128>}, {pipeline_mode = #tpu.pipeline_mode<synchronous>, transform_indices = @transform_12, window_bounds = array<i64: 128, 128>}, {pipeline_mode = #tpu.pipeline_mode<synchronous>, transform_indices = @transform_13, window_bounds = array<i64: 1, 128>}, {pipeline_mode = #tpu.pipeline_mode<synchronous>, transform_indices = @transform_14, window_bounds = array<i64: 128, 128>}, {pipeline_mode = #tpu.pipeline_mode<synchronous>, transform_indices = @transform_15, window_bounds = array<i64: 1, 128>}, {pipeline_mode = #tpu.pipeline_mode<synchronous>, transform_indices = @transform_16, window_bounds = array<i64: 128, 128>}, {pipeline_mode = #tpu.pipeline_mode<synchronous>, transform_indices = @transform_17, window_bounds = array<i64: 1, 128>}, {pipeline_mode = #tpu.pipeline_mode<synchronous>, transform_indices = @transform_18, window_bounds = array<i64: 128, 128>}, {pipeline_mode = #tpu.pipeline_mode<synchronous>, transform_indices = @transform_19, window_bounds = array<i64: 1, 128>}, {pipeline_mode = #tpu.pipeline_mode<synchronous>, transform_indices = @transform_20, window_bounds = array<i64: 1, 128>}, {pipeline_mode = #tpu.pipeline_mode<synchronous>, transform_indices = @transform_21, window_bounds = array<i64: 1, 128>}, {pipeline_mode = #tpu.pipeline_mode<synchronous>, transform_indices = @transform_22, window_bounds = array<i64: 1, 128>}, {pipeline_mode = #tpu.pipeline_mode<synchronous>, transform_indices = @transform_23, window_bounds = array<i64: 1, 128>}, {pipeline_mode = #tpu.pipeline_mode<synchronous>, transform_indices = @transform_24, window_bounds = array<i64: 128, 512>}, {pipeline_mode = #tpu.pipeline_mode<synchronous>, transform_indices = @transform_25, window_bounds = array<i64: 1, 512>}, {pipeline_mode = #tpu.pipeline_mode<synchronous>, transform_indices = @transform_26, window_bounds = array<i64: 512, 128>}, {pipeline_mode = #tpu.pipeline_mode<synchronous>, transform_indices = @transform_27, window_bounds = array<i64: 1, 128>}, {pipeline_mode = #tpu.pipeline_mode<synchronous>, transform_indices = @transform_28, window_bounds = array<i64: 1, 128>}, {pipeline_mode = #tpu.pipeline_mode<synchronous>, transform_indices = @transform_29, window_bounds = array<i64: 1, 128>}, {transform_indices = @transform_30, window_bounds = array<i64: 1, 1544, 128>}]} {
    %get3A = arith.constant 0 : index
    %get3A_0 = arith.constant 0 : index
    %get3A_1 = arith.constant 0 : index
    %get3A_2 = vector.load %arg1[%get3A, %get3A_0, %get3A_1] : memref<1x512x128xf32, #tpu.memory_space<vmem>>, vector<1x512x128xf32>
    %get3A_3 = vector.shape_cast %get3A_2 : vector<1x512x128xf32> to vector<512x128xf32>
    %get3A_4 = arith.constant 0 : index
    %get3A_5 = arith.constant 0 : index
    %get3A_6 = arith.constant 0 : index
    %get3A_7 = vector.load %arg2[%get3A_4, %get3A_5, %get3A_6] : memref<1x1024x128xf32, #tpu.memory_space<vmem>>, vector<1x1024x128xf32>
    %get3A_8 = vector.shape_cast %get3A_7 : vector<1x1024x128xf32> to vector<1024x128xf32>
    %get3A_9 = arith.constant 0 : index
    %get3A_10 = arith.constant 0 : index
    %get3A_11 = arith.constant 0 : index
    %get3A_12 = vector.load %arg3[%get3A_9, %get3A_10, %get3A_11] : memref<1x1024x128xf32, #tpu.memory_space<vmem>>, vector<1x1024x128xf32>
    %get3A_13 = vector.shape_cast %get3A_12 : vector<1x1024x128xf32> to vector<1024x128xf32>
    %get3A_14 = arith.constant 0 : index
    %get3A_15 = arith.constant 0 : index
    %get3A_16 = arith.constant 0 : index
    %get3A_17 = vector.load %arg4[%get3A_14, %get3A_15, %get3A_16] : memref<1x1024x128xf32, #tpu.memory_space<vmem>>, vector<1x1024x128xf32>
    %get3A_18 = vector.shape_cast %get3A_17 : vector<1x1024x128xf32> to vector<1024x128xf32>
    %get3A_19 = arith.constant 0 : index
    %get3A_20 = arith.constant 0 : index
    %get3A_21 = arith.constant 0 : index
    %get3A_22 = vector.load %arg5[%get3A_19, %get3A_20, %get3A_21] : memref<1x512x16xf32, #tpu.memory_space<vmem>>, vector<1x512x16xf32>
    %get3A_23 = vector.shape_cast %get3A_22 : vector<1x512x16xf32> to vector<512x16xf32>
    %get3A_24 = arith.constant 0 : index
    %get3A_25 = arith.constant 0 : index
    %get3A_26 = arith.constant 0 : index
    %get3A_27 = vector.load %arg6[%get3A_24, %get3A_25, %get3A_26] : memref<1x1x1024xi32, #tpu.memory_space<vmem>>, vector<1x1x1024xi32>
    %get3A_28 = vector.shape_cast %get3A_27 : vector<1x1x1024xi32> to vector<1x1024xi32>
    %get3A_29 = arith.constant 0 : index
    %get3A_30 = arith.constant 0 : index
    %get3A_31 = arith.constant 0 : index
    %get3A_32 = vector.load %arg7[%get3A_29, %get3A_30, %get3A_31] : memref<1x1x1024xi32, #tpu.memory_space<vmem>>, vector<1x1x1024xi32>
    %get3A_33 = vector.shape_cast %get3A_32 : vector<1x1x1024xi32> to vector<1x1024xi32>
    %get3A_34 = arith.constant 0 : index
    %get3A_35 = arith.constant 0 : index
    %get3A_36 = vector.load %arg8[%get3A_34, %get3A_35] : memref<128x128xf32, #tpu.memory_space<vmem>>, vector<128x128xf32>
    %get3A_37 = arith.constant 0 : index
    %get3A_38 = arith.constant 0 : index
    %get3A_39 = vector.load %arg9[%get3A_37, %get3A_38] : memref<128x128xf32, #tpu.memory_space<vmem>>, vector<128x128xf32>
    %get3A_40 = arith.constant 0 : index
    %get3A_41 = arith.constant 0 : index
    %get3A_42 = vector.load %arg10[%get3A_40, %get3A_41] : memref<2x128xf32, #tpu.memory_space<vmem>>, vector<2x128xf32>
    %get3A_43 = arith.constant 0 : index
    %get3A_44 = arith.constant 0 : index
    %get3A_45 = vector.load %arg11[%get3A_43, %get3A_44] : memref<1x128xf32, #tpu.memory_space<vmem>>, vector<1x128xf32>
    %get3A_46 = arith.constant 0 : index
    %get3A_47 = arith.constant 0 : index
    %get3A_48 = vector.load %arg12[%get3A_46, %get3A_47] : memref<1x128xf32, #tpu.memory_space<vmem>>, vector<1x128xf32>
    %slice3A = vector.extract_strided_slice %get3A_42 {offsets = [0, 0], sizes = [1, 128], strides = [1, 1]} : vector<2x128xf32> to vector<1x128xf32>
    %slice3A_49 = vector.extract_strided_slice %get3A_42 {offsets = [1, 0], sizes = [1, 128], strides = [1, 1]} : vector<2x128xf32> to vector<1x128xf32>
    %slice3A_50 = vector.extract_strided_slice %get3A_36 {offsets = [0, 0], sizes = [16, 128], strides = [1, 1]} : vector<128x128xf32> to vector<16x128xf32>
    %slice3A_51 = vector.extract_strided_slice %get3A_39 {offsets = [0, 0], sizes = [16, 128], strides = [1, 1]} : vector<128x128xf32> to vector<16x128xf32>
    %add3A = arith.addf %slice3A_50, %slice3A_51 : vector<16x128xf32>
    %dot_general3A = arith.constant dense<0.000000e+00> : vector<512x128xf32>
    %dot_general3A_52 = tpu.matmul %get3A_23, %add3A, %dot_general3A {dimension_numbers = #tpu.dot_dimension_numbers<[1], [0], [0], [1], [0, 0, 1, 1], [], []>, transpose_lhs_hint = false} : vector<512x16xf32>, vector<16x128xf32>, vector<512x128xf32> -> vector<512x128xf32>
    %add3A_53 = arith.addf %get3A_3, %dot_general3A_52 : vector<512x128xf32>
    %add3A_54 = vector.broadcast %slice3A_49 : vector<1x128xf32> to vector<512x128xf32>
    %add3A_55 = arith.addf %add3A_53, %add3A_54 : vector<512x128xf32>
    %dot_general3A_56 = arith.constant dense<0.000000e+00> : vector<1024x128xf32>
    %dot_general3A_57 = tpu.matmul %get3A_13, %get3A_36, %dot_general3A_56 {dimension_numbers = #tpu.dot_dimension_numbers<[1], [0], [0], [1], [0, 0, 1, 1], [], []>, transpose_lhs_hint = false} : vector<1024x128xf32>, vector<128x128xf32>, vector<1024x128xf32> -> vector<1024x128xf32>
    %add3A_58 = arith.addf %get3A_8, %dot_general3A_57 : vector<1024x128xf32>
    %dot_general3A_59 = arith.constant dense<0.000000e+00> : vector<1024x128xf32>
    %dot_general3A_60 = tpu.matmul %get3A_18, %get3A_39, %dot_general3A_59 {dimension_numbers = #tpu.dot_dimension_numbers<[1], [0], [0], [1], [0, 0, 1, 1], [], []>, transpose_lhs_hint = false} : vector<1024x128xf32>, vector<128x128xf32>, vector<1024x128xf32> -> vector<1024x128xf32>
    %add3A_61 = arith.addf %add3A_58, %dot_general3A_60 : vector<1024x128xf32>
    %add3A_62 = vector.broadcast %slice3A : vector<1x128xf32> to vector<1024x128xf32>
    %add3A_63 = arith.addf %add3A_61, %add3A_62 : vector<1024x128xf32>
    %eq3A = arith.cmpi eq, %get3A_28, %get3A_33 : vector<1x1024xi32>
    %convert_element_type3A = arith.extui %eq3A : vector<1x1024xi1> to vector<1x1024xi32>
    %convert_element_type3A_64 = arith.sitofp %convert_element_type3A : vector<1x1024xi32> to vector<1x1024xf32>
    %sub3A = arith.subf %slice3A_49, %slice3A : vector<1x128xf32>
    %dot_general3A_65 = arith.constant dense<0.000000e+00> : vector<1024x128xf32>
    %dot_general3A_66 = tpu.matmul %convert_element_type3A_64, %sub3A, %dot_general3A_65 {dimension_numbers = #tpu.dot_dimension_numbers<[0], [0], [1], [1], [0, 1, 1, 1], [], []>, transpose_lhs_hint = false} : vector<1x1024xf32>, vector<1x128xf32>, vector<1024x128xf32> -> vector<1024x128xf32>
    %add3A_67 = arith.addf %add3A_63, %dot_general3A_66 : vector<1024x128xf32>
    %broadcast_in_dim3A = arith.constant 0.000000e+00 : f32
    %broadcast_in_dim3A_68 = vector.broadcast %broadcast_in_dim3A : f32 to vector<6x128xf32>
    %concatenate3A = tpu.concatenate %get3A_45, %get3A_48, %add3A_55, %add3A_67, %broadcast_in_dim3A_68 in 0 : vector<1x128xf32>, vector<1x128xf32>, vector<512x128xf32>, vector<1024x128xf32>, vector<6x128xf32> -> vector<1544x128xf32>
    %get3A_69 = arith.constant 0 : index
    %get3A_70 = arith.constant 0 : index
    %get3A_71 = vector.load %arg13[%get3A_69, %get3A_70] : memref<128x128xf32, #tpu.memory_space<vmem>>, vector<128x128xf32>
    %get3A_72 = arith.constant 0 : index
    %get3A_73 = arith.constant 0 : index
    %get3A_74 = vector.load %arg14[%get3A_72, %get3A_73] : memref<1x128xf32, #tpu.memory_space<vmem>>, vector<1x128xf32>
    %get3A_75 = arith.constant 0 : index
    %get3A_76 = arith.constant 0 : index
    %get3A_77 = vector.load %arg15[%get3A_75, %get3A_76] : memref<128x128xf32, #tpu.memory_space<vmem>>, vector<128x128xf32>
    %get3A_78 = arith.constant 0 : index
    %get3A_79 = arith.constant 0 : index
    %get3A_80 = vector.load %arg16[%get3A_78, %get3A_79] : memref<1x128xf32, #tpu.memory_space<vmem>>, vector<1x128xf32>
    %get3A_81 = arith.constant 0 : index
    %get3A_82 = arith.constant 0 : index
    %get3A_83 = vector.load %arg17[%get3A_81, %get3A_82] : memref<128x128xf32, #tpu.memory_space<vmem>>, vector<128x128xf32>
    %get3A_84 = arith.constant 0 : index
    %get3A_85 = arith.constant 0 : index
    %get3A_86 = vector.load %arg18[%get3A_84, %get3A_85] : memref<1x128xf32, #tpu.memory_space<vmem>>, vector<1x128xf32>
    %get3A_87 = arith.constant 0 : index
    %get3A_88 = arith.constant 0 : index
    %get3A_89 = vector.load %arg19[%get3A_87, %get3A_88] : memref<128x128xf32, #tpu.memory_space<vmem>>, vector<128x128xf32>
    %get3A_90 = arith.constant 0 : index
    %get3A_91 = arith.constant 0 : index
    %get3A_92 = vector.load %arg20[%get3A_90, %get3A_91] : memref<1x128xf32, #tpu.memory_space<vmem>>, vector<1x128xf32>
    %get3A_93 = arith.constant 0 : index
    %get3A_94 = arith.constant 0 : index
    %get3A_95 = vector.load %arg21[%get3A_93, %get3A_94] : memref<1x128xf32, #tpu.memory_space<vmem>>, vector<1x128xf32>
    %get3A_96 = arith.constant 0 : index
    %get3A_97 = arith.constant 0 : index
    %get3A_98 = vector.load %arg22[%get3A_96, %get3A_97] : memref<1x128xf32, #tpu.memory_space<vmem>>, vector<1x128xf32>
    %get3A_99 = arith.constant 0 : index
    %get3A_100 = arith.constant 0 : index
    %get3A_101 = vector.load %arg23[%get3A_99, %get3A_100] : memref<1x128xf32, #tpu.memory_space<vmem>>, vector<1x128xf32>
    %get3A_102 = arith.constant 0 : index
    %get3A_103 = arith.constant 0 : index
    %get3A_104 = vector.load %arg24[%get3A_102, %get3A_103] : memref<1x128xf32, #tpu.memory_space<vmem>>, vector<1x128xf32>
    %get3A_105 = arith.constant 0 : index
    %get3A_106 = arith.constant 0 : index
    %get3A_107 = vector.load %arg25[%get3A_105, %get3A_106] : memref<128x512xf32, #tpu.memory_space<vmem>>, vector<128x512xf32>
    %get3A_108 = arith.constant 0 : index
    %get3A_109 = arith.constant 0 : index
    %get3A_110 = vector.load %arg26[%get3A_108, %get3A_109] : memref<1x512xf32, #tpu.memory_space<vmem>>, vector<1x512xf32>
    %get3A_111 = arith.constant 0 : index
    %get3A_112 = arith.constant 0 : index
    %get3A_113 = vector.load %arg27[%get3A_111, %get3A_112] : memref<512x128xf32, #tpu.memory_space<vmem>>, vector<512x128xf32>
    %get3A_114 = arith.constant 0 : index
    %get3A_115 = arith.constant 0 : index
    %get3A_116 = vector.load %arg28[%get3A_114, %get3A_115] : memref<1x128xf32, #tpu.memory_space<vmem>>, vector<1x128xf32>
    %reduce_sum3A = arith.constant dense<0.000000e+00> : vector<1544xf32>
    %reduce_sum3A_117 = vector.multi_reduction <add>, %concatenate3A, %reduce_sum3A [1] : vector<1544x128xf32> to vector<1544xf32>
    %broadcast_in_dim3A_118 = vector.shape_cast %reduce_sum3A_117 : vector<1544xf32> to vector<1544x1xf32>
    %div3A = arith.constant 1.280000e+02 : f32
    %div3A_119 = vector.broadcast %div3A : f32 to vector<1544x1xf32>
    %div3A_120 = arith.divf %broadcast_in_dim3A_118, %div3A_119 : vector<1544x1xf32>
    %sub3A_121 = vector.broadcast %div3A_120 : vector<1544x1xf32> to vector<1544x128xf32>
    %sub3A_122 = arith.subf %concatenate3A, %sub3A_121 : vector<1544x128xf32>
    %integer_pow3A = arith.mulf %sub3A_122, %sub3A_122 : vector<1544x128xf32>
    %reduce_sum3A_123 = arith.constant dense<0.000000e+00> : vector<1544xf32>
    %reduce_sum3A_124 = vector.multi_reduction <add>, %integer_pow3A, %reduce_sum3A_123 [1] : vector<1544x128xf32> to vector<1544xf32>
    %broadcast_in_dim3A_125 = vector.shape_cast %reduce_sum3A_124 : vector<1544xf32> to vector<1544x1xf32>
    %div3A_126 = arith.constant 1.280000e+02 : f32
    %div3A_127 = vector.broadcast %div3A_126 : f32 to vector<1544x1xf32>
    %div3A_128 = arith.divf %broadcast_in_dim3A_125, %div3A_127 : vector<1544x1xf32>
    %sub3A_129 = vector.broadcast %div3A_120 : vector<1544x1xf32> to vector<1544x128xf32>
    %sub3A_130 = arith.subf %concatenate3A, %sub3A_129 : vector<1544x128xf32>
    %add3A_131 = arith.constant 9.99999974E-6 : f32
    %add3A_132 = vector.broadcast %add3A_131 : f32 to vector<1544x1xf32>
    %add3A_133 = arith.addf %div3A_128, %add3A_132 : vector<1544x1xf32>
    %rsqrt3A = math.rsqrt %add3A_133 : vector<1544x1xf32>
    %mul3A = vector.broadcast %rsqrt3A : vector<1544x1xf32> to vector<1544x128xf32>
    %mul3A_134 = arith.mulf %sub3A_130, %mul3A : vector<1544x128xf32>
    %mul3A_135 = vector.broadcast %get3A_95 : vector<1x128xf32> to vector<1544x128xf32>
    %mul3A_136 = arith.mulf %mul3A_134, %mul3A_135 : vector<1544x128xf32>
    %add3A_137 = vector.broadcast %get3A_98 : vector<1x128xf32> to vector<1544x128xf32>
    %add3A_138 = arith.addf %mul3A_136, %add3A_137 : vector<1544x128xf32>
    %dot_general3A_139 = arith.constant dense<0.000000e+00> : vector<1544x128xf32>
    %dot_general3A_140 = tpu.matmul %add3A_138, %get3A_71, %dot_general3A_139 {dimension_numbers = #tpu.dot_dimension_numbers<[1], [0], [0], [1], [0, 0, 1, 1], [], []>, transpose_lhs_hint = false} : vector<1544x128xf32>, vector<128x128xf32>, vector<1544x128xf32> -> vector<1544x128xf32>
    %add3A_141 = vector.broadcast %get3A_74 : vector<1x128xf32> to vector<1544x128xf32>
    %add3A_142 = arith.addf %dot_general3A_140, %add3A_141 : vector<1544x128xf32>
    %dot_general3A_143 = arith.constant dense<0.000000e+00> : vector<1544x128xf32>
    %dot_general3A_144 = tpu.matmul %add3A_138, %get3A_77, %dot_general3A_143 {dimension_numbers = #tpu.dot_dimension_numbers<[1], [0], [0], [1], [0, 0, 1, 1], [], []>, transpose_lhs_hint = false} : vector<1544x128xf32>, vector<128x128xf32>, vector<1544x128xf32> -> vector<1544x128xf32>
    %add3A_145 = vector.broadcast %get3A_80 : vector<1x128xf32> to vector<1544x128xf32>
    %add3A_146 = arith.addf %dot_general3A_144, %add3A_145 : vector<1544x128xf32>
    %dot_general3A_147 = arith.constant dense<0.000000e+00> : vector<1544x128xf32>
    %dot_general3A_148 = tpu.matmul %add3A_138, %get3A_83, %dot_general3A_147 {dimension_numbers = #tpu.dot_dimension_numbers<[1], [0], [0], [1], [0, 0, 1, 1], [], []>, transpose_lhs_hint = false} : vector<1544x128xf32>, vector<128x128xf32>, vector<1544x128xf32> -> vector<1544x128xf32>
    %add3A_149 = vector.broadcast %get3A_86 : vector<1x128xf32> to vector<1544x128xf32>
    %add3A_150 = arith.addf %dot_general3A_148, %add3A_149 : vector<1544x128xf32>
    %iota3A = tpu.iota {dimensions = array<i32: 0>} : vector<1544x1xi32>
    %ge3A = arith.constant 1538 : i32
    %ge3A_151 = vector.broadcast %ge3A : i32 to vector<1544x1xi32>
    %ge3A_152 = arith.cmpi sge, %iota3A, %ge3A_151 : vector<1544x1xi32>
    %jit3A = arith.constant -1.000000e+30 : f32
    %jit3A_153 = arith.constant 0.000000e+00 : f32
    %broadcast_in_dim3A_154 = vector.broadcast %jit3A : f32 to vector<1544x1xf32>
    %broadcast_in_dim3A_155 = vector.broadcast %jit3A_153 : f32 to vector<1544x1xf32>
    %select_n3A = arith.select %ge3A_152, %broadcast_in_dim3A_154, %broadcast_in_dim3A_155 : vector<1544x1xi1>, vector<1544x1xf32>
    %broadcast_in_dim3A_156 = arith.constant 1.000000e+00 : f32
    %broadcast_in_dim3A_157 = vector.broadcast %broadcast_in_dim3A_156 : f32 to vector<1544x1xf32>
    %broadcast_in_dim3A_158 = arith.constant 1.000000e+00 : f32
    %broadcast_in_dim3A_159 = vector.broadcast %broadcast_in_dim3A_158 : f32 to vector<1544x16xf32>
    %broadcast_in_dim3A_160 = arith.constant 0.000000e+00 : f32
    %broadcast_in_dim3A_161 = vector.broadcast %broadcast_in_dim3A_160 : f32 to vector<1544x128xf32>
    %slice3A_162 = vector.extract_strided_slice %add3A_142 {offsets = [0, 0], sizes = [1544, 16], strides = [1, 1]} : vector<1544x128xf32> to vector<1544x16xf32>
    %mul3A_163 = arith.constant 2.500000e-01 : f32
    %mul3A_164 = vector.broadcast %mul3A_163 : f32 to vector<1544x16xf32>
    %mul3A_165 = arith.mulf %slice3A_162, %mul3A_164 : vector<1544x16xf32>
    %concatenate3A_166 = tpu.concatenate %mul3A_165, %broadcast_in_dim3A_157 in 1 : vector<1544x16xf32>, vector<1544x1xf32> -> vector<1544x17xf32>
    %slice3A_167 = vector.extract_strided_slice %add3A_142 {offsets = [0, 16], sizes = [1544, 16], strides = [1, 1]} : vector<1544x128xf32> to vector<1544x16xf32>
    %mul3A_168 = arith.constant 2.500000e-01 : f32
    %mul3A_169 = vector.broadcast %mul3A_168 : f32 to vector<1544x16xf32>
    %mul3A_170 = arith.mulf %slice3A_167, %mul3A_169 : vector<1544x16xf32>
    %concatenate3A_171 = tpu.concatenate %mul3A_170, %broadcast_in_dim3A_157 in 1 : vector<1544x16xf32>, vector<1544x1xf32> -> vector<1544x17xf32>
    %slice3A_172 = vector.extract_strided_slice %add3A_142 {offsets = [0, 32], sizes = [1544, 16], strides = [1, 1]} : vector<1544x128xf32> to vector<1544x16xf32>
    %mul3A_173 = arith.constant 2.500000e-01 : f32
    %mul3A_174 = vector.broadcast %mul3A_173 : f32 to vector<1544x16xf32>
    %mul3A_175 = arith.mulf %slice3A_172, %mul3A_174 : vector<1544x16xf32>
    %concatenate3A_176 = tpu.concatenate %mul3A_175, %broadcast_in_dim3A_157 in 1 : vector<1544x16xf32>, vector<1544x1xf32> -> vector<1544x17xf32>
    %slice3A_177 = vector.extract_strided_slice %add3A_142 {offsets = [0, 48], sizes = [1544, 16], strides = [1, 1]} : vector<1544x128xf32> to vector<1544x16xf32>
    %mul3A_178 = arith.constant 2.500000e-01 : f32
    %mul3A_179 = vector.broadcast %mul3A_178 : f32 to vector<1544x16xf32>
    %mul3A_180 = arith.mulf %slice3A_177, %mul3A_179 : vector<1544x16xf32>
    %concatenate3A_181 = tpu.concatenate %mul3A_180, %broadcast_in_dim3A_157 in 1 : vector<1544x16xf32>, vector<1544x1xf32> -> vector<1544x17xf32>
    %slice3A_182 = vector.extract_strided_slice %add3A_142 {offsets = [0, 64], sizes = [1544, 16], strides = [1, 1]} : vector<1544x128xf32> to vector<1544x16xf32>
    %mul3A_183 = arith.constant 2.500000e-01 : f32
    %mul3A_184 = vector.broadcast %mul3A_183 : f32 to vector<1544x16xf32>
    %mul3A_185 = arith.mulf %slice3A_182, %mul3A_184 : vector<1544x16xf32>
    %concatenate3A_186 = tpu.concatenate %mul3A_185, %broadcast_in_dim3A_157 in 1 : vector<1544x16xf32>, vector<1544x1xf32> -> vector<1544x17xf32>
    %slice3A_187 = vector.extract_strided_slice %add3A_142 {offsets = [0, 80], sizes = [1544, 16], strides = [1, 1]} : vector<1544x128xf32> to vector<1544x16xf32>
    %mul3A_188 = arith.constant 2.500000e-01 : f32
    %mul3A_189 = vector.broadcast %mul3A_188 : f32 to vector<1544x16xf32>
    %mul3A_190 = arith.mulf %slice3A_187, %mul3A_189 : vector<1544x16xf32>
    %concatenate3A_191 = tpu.concatenate %mul3A_190, %broadcast_in_dim3A_157 in 1 : vector<1544x16xf32>, vector<1544x1xf32> -> vector<1544x17xf32>
    %slice3A_192 = vector.extract_strided_slice %add3A_142 {offsets = [0, 96], sizes = [1544, 16], strides = [1, 1]} : vector<1544x128xf32> to vector<1544x16xf32>
    %mul3A_193 = arith.constant 2.500000e-01 : f32
    %mul3A_194 = vector.broadcast %mul3A_193 : f32 to vector<1544x16xf32>
    %mul3A_195 = arith.mulf %slice3A_192, %mul3A_194 : vector<1544x16xf32>
    %concatenate3A_196 = tpu.concatenate %mul3A_195, %broadcast_in_dim3A_157 in 1 : vector<1544x16xf32>, vector<1544x1xf32> -> vector<1544x17xf32>
    %slice3A_197 = vector.extract_strided_slice %add3A_142 {offsets = [0, 112], sizes = [1544, 16], strides = [1, 1]} : vector<1544x128xf32> to vector<1544x16xf32>
    %mul3A_198 = arith.constant 2.500000e-01 : f32
    %mul3A_199 = vector.broadcast %mul3A_198 : f32 to vector<1544x16xf32>
    %mul3A_200 = arith.mulf %slice3A_197, %mul3A_199 : vector<1544x16xf32>
    %concatenate3A_201 = tpu.concatenate %mul3A_200, %broadcast_in_dim3A_157 in 1 : vector<1544x16xf32>, vector<1544x1xf32> -> vector<1544x17xf32>
    %slice3A_202 = vector.extract_strided_slice %add3A_146 {offsets = [0, 0], sizes = [1544, 16], strides = [1, 1]} : vector<1544x128xf32> to vector<1544x16xf32>
    %concatenate3A_203 = tpu.concatenate %slice3A_202, %select_n3A in 1 : vector<1544x16xf32>, vector<1544x1xf32> -> vector<1544x17xf32>
    %slice3A_204 = vector.extract_strided_slice %add3A_146 {offsets = [0, 16], sizes = [1544, 16], strides = [1, 1]} : vector<1544x128xf32> to vector<1544x16xf32>
    %concatenate3A_205 = tpu.concatenate %slice3A_204, %select_n3A in 1 : vector<1544x16xf32>, vector<1544x1xf32> -> vector<1544x17xf32>
    %slice3A_206 = vector.extract_strided_slice %add3A_146 {offsets = [0, 32], sizes = [1544, 16], strides = [1, 1]} : vector<1544x128xf32> to vector<1544x16xf32>
    %concatenate3A_207 = tpu.concatenate %slice3A_206, %select_n3A in 1 : vector<1544x16xf32>, vector<1544x1xf32> -> vector<1544x17xf32>
    %slice3A_208 = vector.extract_strided_slice %add3A_146 {offsets = [0, 48], sizes = [1544, 16], strides = [1, 1]} : vector<1544x128xf32> to vector<1544x16xf32>
    %concatenate3A_209 = tpu.concatenate %slice3A_208, %select_n3A in 1 : vector<1544x16xf32>, vector<1544x1xf32> -> vector<1544x17xf32>
    %slice3A_210 = vector.extract_strided_slice %add3A_146 {offsets = [0, 64], sizes = [1544, 16], strides = [1, 1]} : vector<1544x128xf32> to vector<1544x16xf32>
    %concatenate3A_211 = tpu.concatenate %slice3A_210, %select_n3A in 1 : vector<1544x16xf32>, vector<1544x1xf32> -> vector<1544x17xf32>
    %slice3A_212 = vector.extract_strided_slice %add3A_146 {offsets = [0, 80], sizes = [1544, 16], strides = [1, 1]} : vector<1544x128xf32> to vector<1544x16xf32>
    %concatenate3A_213 = tpu.concatenate %slice3A_212, %select_n3A in 1 : vector<1544x16xf32>, vector<1544x1xf32> -> vector<1544x17xf32>
    %slice3A_214 = vector.extract_strided_slice %add3A_146 {offsets = [0, 96], sizes = [1544, 16], strides = [1, 1]} : vector<1544x128xf32> to vector<1544x16xf32>
    %concatenate3A_215 = tpu.concatenate %slice3A_214, %select_n3A in 1 : vector<1544x16xf32>, vector<1544x1xf32> -> vector<1544x17xf32>
    %slice3A_216 = vector.extract_strided_slice %add3A_146 {offsets = [0, 112], sizes = [1544, 16], strides = [1, 1]} : vector<1544x128xf32> to vector<1544x16xf32>
    %concatenate3A_217 = tpu.concatenate %slice3A_216, %select_n3A in 1 : vector<1544x16xf32>, vector<1544x1xf32> -> vector<1544x17xf32>
    %slice3A_218 = vector.extract_strided_slice %add3A_150 {offsets = [0, 0], sizes = [1544, 16], strides = [1, 1]} : vector<1544x128xf32> to vector<1544x16xf32>
    %concatenate3A_219 = tpu.concatenate %slice3A_218, %broadcast_in_dim3A_159 in 1 : vector<1544x16xf32>, vector<1544x16xf32> -> vector<1544x32xf32>
    %slice3A_220 = vector.extract_strided_slice %add3A_150 {offsets = [0, 16], sizes = [1544, 16], strides = [1, 1]} : vector<1544x128xf32> to vector<1544x16xf32>
    %concatenate3A_221 = tpu.concatenate %slice3A_220, %broadcast_in_dim3A_159 in 1 : vector<1544x16xf32>, vector<1544x16xf32> -> vector<1544x32xf32>
    %slice3A_222 = vector.extract_strided_slice %add3A_150 {offsets = [0, 32], sizes = [1544, 16], strides = [1, 1]} : vector<1544x128xf32> to vector<1544x16xf32>
    %concatenate3A_223 = tpu.concatenate %slice3A_222, %broadcast_in_dim3A_159 in 1 : vector<1544x16xf32>, vector<1544x16xf32> -> vector<1544x32xf32>
    %slice3A_224 = vector.extract_strided_slice %add3A_150 {offsets = [0, 48], sizes = [1544, 16], strides = [1, 1]} : vector<1544x128xf32> to vector<1544x16xf32>
    %concatenate3A_225 = tpu.concatenate %slice3A_224, %broadcast_in_dim3A_159 in 1 : vector<1544x16xf32>, vector<1544x16xf32> -> vector<1544x32xf32>
    %slice3A_226 = vector.extract_strided_slice %add3A_150 {offsets = [0, 64], sizes = [1544, 16], strides = [1, 1]} : vector<1544x128xf32> to vector<1544x16xf32>
    %concatenate3A_227 = tpu.concatenate %slice3A_226, %broadcast_in_dim3A_159 in 1 : vector<1544x16xf32>, vector<1544x16xf32> -> vector<1544x32xf32>
    %slice3A_228 = vector.extract_strided_slice %add3A_150 {offsets = [0, 80], sizes = [1544, 16], strides = [1, 1]} : vector<1544x128xf32> to vector<1544x16xf32>
    %concatenate3A_229 = tpu.concatenate %slice3A_228, %broadcast_in_dim3A_159 in 1 : vector<1544x16xf32>, vector<1544x16xf32> -> vector<1544x32xf32>
    %slice3A_230 = vector.extract_strided_slice %add3A_150 {offsets = [0, 96], sizes = [1544, 16], strides = [1, 1]} : vector<1544x128xf32> to vector<1544x16xf32>
    %concatenate3A_231 = tpu.concatenate %slice3A_230, %broadcast_in_dim3A_159 in 1 : vector<1544x16xf32>, vector<1544x16xf32> -> vector<1544x32xf32>
    %slice3A_232 = vector.extract_strided_slice %add3A_150 {offsets = [0, 112], sizes = [1544, 16], strides = [1, 1]} : vector<1544x128xf32> to vector<1544x16xf32>
    %concatenate3A_233 = tpu.concatenate %slice3A_232, %broadcast_in_dim3A_159 in 1 : vector<1544x16xf32>, vector<1544x16xf32> -> vector<1544x32xf32>
    %broadcast_in_dim3A_234 = arith.constant 0.000000e+00 : f32
    %broadcast_in_dim3A_235 = vector.broadcast %broadcast_in_dim3A_234 : f32 to vector<1544x32xf32>
    %broadcast_in_dim3A_236 = arith.constant 0.000000e+00 : f32
    %broadcast_in_dim3A_237 = vector.broadcast %broadcast_in_dim3A_236 : f32 to vector<1544x32xf32>
    %broadcast_in_dim3A_238 = arith.constant 0.000000e+00 : f32
    %broadcast_in_dim3A_239 = vector.broadcast %broadcast_in_dim3A_238 : f32 to vector<1544x32xf32>
    %broadcast_in_dim3A_240 = arith.constant 0.000000e+00 : f32
    %broadcast_in_dim3A_241 = vector.broadcast %broadcast_in_dim3A_240 : f32 to vector<1544x32xf32>
    %broadcast_in_dim3A_242 = arith.constant 0.000000e+00 : f32
    %broadcast_in_dim3A_243 = vector.broadcast %broadcast_in_dim3A_242 : f32 to vector<1544x32xf32>
    %broadcast_in_dim3A_244 = arith.constant 0.000000e+00 : f32
    %broadcast_in_dim3A_245 = vector.broadcast %broadcast_in_dim3A_244 : f32 to vector<1544x32xf32>
    %broadcast_in_dim3A_246 = arith.constant 0.000000e+00 : f32
    %broadcast_in_dim3A_247 = vector.broadcast %broadcast_in_dim3A_246 : f32 to vector<1544x32xf32>
    %broadcast_in_dim3A_248 = arith.constant 0.000000e+00 : f32
    %broadcast_in_dim3A_249 = vector.broadcast %broadcast_in_dim3A_248 : f32 to vector<1544x32xf32>
    %slice3A_250 = vector.extract_strided_slice %concatenate3A_203 {offsets = [0, 0], sizes = [512, 17], strides = [1, 1]} : vector<1544x17xf32> to vector<512x17xf32>
    %dot_general3A_251 = arith.constant dense<0.000000e+00> : vector<1544x512xf32>
    %dot_general3A_252 = tpu.matmul %concatenate3A_166, %slice3A_250, %dot_general3A_251 {dimension_numbers = #tpu.dot_dimension_numbers<[1], [1], [0], [0], [0, 0, 1, 0], [], []>, transpose_lhs_hint = false} : vector<1544x17xf32>, vector<512x17xf32>, vector<1544x512xf32> -> vector<1544x512xf32>
    %exp3A = math.exp %dot_general3A_252 : vector<1544x512xf32>
    %slice3A_253 = vector.extract_strided_slice %concatenate3A_219 {offsets = [0, 0], sizes = [512, 32], strides = [1, 1]} : vector<1544x32xf32> to vector<512x32xf32>
    %dot_general3A_254 = arith.constant dense<0.000000e+00> : vector<1544x32xf32>
    %dot_general3A_255 = tpu.matmul %exp3A, %slice3A_253, %dot_general3A_254 {dimension_numbers = #tpu.dot_dimension_numbers<[1], [0], [0], [1], [0, 0, 1, 1], [], []>, transpose_lhs_hint = false} : vector<1544x512xf32>, vector<512x32xf32>, vector<1544x32xf32> -> vector<1544x32xf32>
    %add3A_256 = arith.addf %broadcast_in_dim3A_235, %dot_general3A_255 : vector<1544x32xf32>
    %slice3A_257 = vector.extract_strided_slice %concatenate3A_205 {offsets = [0, 0], sizes = [512, 17], strides = [1, 1]} : vector<1544x17xf32> to vector<512x17xf32>
    %dot_general3A_258 = arith.constant dense<0.000000e+00> : vector<1544x512xf32>
    %dot_general3A_259 = tpu.matmul %concatenate3A_171, %slice3A_257, %dot_general3A_258 {dimension_numbers = #tpu.dot_dimension_numbers<[1], [1], [0], [0], [0, 0, 1, 0], [], []>, transpose_lhs_hint = false} : vector<1544x17xf32>, vector<512x17xf32>, vector<1544x512xf32> -> vector<1544x512xf32>
    %exp3A_260 = math.exp %dot_general3A_259 : vector<1544x512xf32>
    %slice3A_261 = vector.extract_strided_slice %concatenate3A_221 {offsets = [0, 0], sizes = [512, 32], strides = [1, 1]} : vector<1544x32xf32> to vector<512x32xf32>
    %dot_general3A_262 = arith.constant dense<0.000000e+00> : vector<1544x32xf32>
    %dot_general3A_263 = tpu.matmul %exp3A_260, %slice3A_261, %dot_general3A_262 {dimension_numbers = #tpu.dot_dimension_numbers<[1], [0], [0], [1], [0, 0, 1, 1], [], []>, transpose_lhs_hint = false} : vector<1544x512xf32>, vector<512x32xf32>, vector<1544x32xf32> -> vector<1544x32xf32>
    %add3A_264 = arith.addf %broadcast_in_dim3A_237, %dot_general3A_263 : vector<1544x32xf32>
    %slice3A_265 = vector.extract_strided_slice %concatenate3A_207 {offsets = [0, 0], sizes = [512, 17], strides = [1, 1]} : vector<1544x17xf32> to vector<512x17xf32>
    %dot_general3A_266 = arith.constant dense<0.000000e+00> : vector<1544x512xf32>
    %dot_general3A_267 = tpu.matmul %concatenate3A_176, %slice3A_265, %dot_general3A_266 {dimension_numbers = #tpu.dot_dimension_numbers<[1], [1], [0], [0], [0, 0, 1, 0], [], []>, transpose_lhs_hint = false} : vector<1544x17xf32>, vector<512x17xf32>, vector<1544x512xf32> -> vector<1544x512xf32>
    %exp3A_268 = math.exp %dot_general3A_267 : vector<1544x512xf32>
    %slice3A_269 = vector.extract_strided_slice %concatenate3A_223 {offsets = [0, 0], sizes = [512, 32], strides = [1, 1]} : vector<1544x32xf32> to vector<512x32xf32>
    %dot_general3A_270 = arith.constant dense<0.000000e+00> : vector<1544x32xf32>
    %dot_general3A_271 = tpu.matmul %exp3A_268, %slice3A_269, %dot_general3A_270 {dimension_numbers = #tpu.dot_dimension_numbers<[1], [0], [0], [1], [0, 0, 1, 1], [], []>, transpose_lhs_hint = false} : vector<1544x512xf32>, vector<512x32xf32>, vector<1544x32xf32> -> vector<1544x32xf32>
    %add3A_272 = arith.addf %broadcast_in_dim3A_239, %dot_general3A_271 : vector<1544x32xf32>
    %slice3A_273 = vector.extract_strided_slice %concatenate3A_209 {offsets = [0, 0], sizes = [512, 17], strides = [1, 1]} : vector<1544x17xf32> to vector<512x17xf32>
    %dot_general3A_274 = arith.constant dense<0.000000e+00> : vector<1544x512xf32>
    %dot_general3A_275 = tpu.matmul %concatenate3A_181, %slice3A_273, %dot_general3A_274 {dimension_numbers = #tpu.dot_dimension_numbers<[1], [1], [0], [0], [0, 0, 1, 0], [], []>, transpose_lhs_hint = false} : vector<1544x17xf32>, vector<512x17xf32>, vector<1544x512xf32> -> vector<1544x512xf32>
    %exp3A_276 = math.exp %dot_general3A_275 : vector<1544x512xf32>
    %slice3A_277 = vector.extract_strided_slice %concatenate3A_225 {offsets = [0, 0], sizes = [512, 32], strides = [1, 1]} : vector<1544x32xf32> to vector<512x32xf32>
    %dot_general3A_278 = arith.constant dense<0.000000e+00> : vector<1544x32xf32>
    %dot_general3A_279 = tpu.matmul %exp3A_276, %slice3A_277, %dot_general3A_278 {dimension_numbers = #tpu.dot_dimension_numbers<[1], [0], [0], [1], [0, 0, 1, 1], [], []>, transpose_lhs_hint = false} : vector<1544x512xf32>, vector<512x32xf32>, vector<1544x32xf32> -> vector<1544x32xf32>
    %add3A_280 = arith.addf %broadcast_in_dim3A_241, %dot_general3A_279 : vector<1544x32xf32>
    %slice3A_281 = vector.extract_strided_slice %concatenate3A_211 {offsets = [0, 0], sizes = [512, 17], strides = [1, 1]} : vector<1544x17xf32> to vector<512x17xf32>
    %dot_general3A_282 = arith.constant dense<0.000000e+00> : vector<1544x512xf32>
    %dot_general3A_283 = tpu.matmul %concatenate3A_186, %slice3A_281, %dot_general3A_282 {dimension_numbers = #tpu.dot_dimension_numbers<[1], [1], [0], [0], [0, 0, 1, 0], [], []>, transpose_lhs_hint = false} : vector<1544x17xf32>, vector<512x17xf32>, vector<1544x512xf32> -> vector<1544x512xf32>
    %exp3A_284 = math.exp %dot_general3A_283 : vector<1544x512xf32>
    %slice3A_285 = vector.extract_strided_slice %concatenate3A_227 {offsets = [0, 0], sizes = [512, 32], strides = [1, 1]} : vector<1544x32xf32> to vector<512x32xf32>
    %dot_general3A_286 = arith.constant dense<0.000000e+00> : vector<1544x32xf32>
    %dot_general3A_287 = tpu.matmul %exp3A_284, %slice3A_285, %dot_general3A_286 {dimension_numbers = #tpu.dot_dimension_numbers<[1], [0], [0], [1], [0, 0, 1, 1], [], []>, transpose_lhs_hint = false} : vector<1544x512xf32>, vector<512x32xf32>, vector<1544x32xf32> -> vector<1544x32xf32>
    %add3A_288 = arith.addf %broadcast_in_dim3A_243, %dot_general3A_287 : vector<1544x32xf32>
    %slice3A_289 = vector.extract_strided_slice %concatenate3A_213 {offsets = [0, 0], sizes = [512, 17], strides = [1, 1]} : vector<1544x17xf32> to vector<512x17xf32>
    %dot_general3A_290 = arith.constant dense<0.000000e+00> : vector<1544x512xf32>
    %dot_general3A_291 = tpu.matmul %concatenate3A_191, %slice3A_289, %dot_general3A_290 {dimension_numbers = #tpu.dot_dimension_numbers<[1], [1], [0], [0], [0, 0, 1, 0], [], []>, transpose_lhs_hint = false} : vector<1544x17xf32>, vector<512x17xf32>, vector<1544x512xf32> -> vector<1544x512xf32>
    %exp3A_292 = math.exp %dot_general3A_291 : vector<1544x512xf32>
    %slice3A_293 = vector.extract_strided_slice %concatenate3A_229 {offsets = [0, 0], sizes = [512, 32], strides = [1, 1]} : vector<1544x32xf32> to vector<512x32xf32>
    %dot_general3A_294 = arith.constant dense<0.000000e+00> : vector<1544x32xf32>
    %dot_general3A_295 = tpu.matmul %exp3A_292, %slice3A_293, %dot_general3A_294 {dimension_numbers = #tpu.dot_dimension_numbers<[1], [0], [0], [1], [0, 0, 1, 1], [], []>, transpose_lhs_hint = false} : vector<1544x512xf32>, vector<512x32xf32>, vector<1544x32xf32> -> vector<1544x32xf32>
    %add3A_296 = arith.addf %broadcast_in_dim3A_245, %dot_general3A_295 : vector<1544x32xf32>
    %slice3A_297 = vector.extract_strided_slice %concatenate3A_215 {offsets = [0, 0], sizes = [512, 17], strides = [1, 1]} : vector<1544x17xf32> to vector<512x17xf32>
    %dot_general3A_298 = arith.constant dense<0.000000e+00> : vector<1544x512xf32>
    %dot_general3A_299 = tpu.matmul %concatenate3A_196, %slice3A_297, %dot_general3A_298 {dimension_numbers = #tpu.dot_dimension_numbers<[1], [1], [0], [0], [0, 0, 1, 0], [], []>, transpose_lhs_hint = false} : vector<1544x17xf32>, vector<512x17xf32>, vector<1544x512xf32> -> vector<1544x512xf32>
    %exp3A_300 = math.exp %dot_general3A_299 : vector<1544x512xf32>
    %slice3A_301 = vector.extract_strided_slice %concatenate3A_231 {offsets = [0, 0], sizes = [512, 32], strides = [1, 1]} : vector<1544x32xf32> to vector<512x32xf32>
    %dot_general3A_302 = arith.constant dense<0.000000e+00> : vector<1544x32xf32>
    %dot_general3A_303 = tpu.matmul %exp3A_300, %slice3A_301, %dot_general3A_302 {dimension_numbers = #tpu.dot_dimension_numbers<[1], [0], [0], [1], [0, 0, 1, 1], [], []>, transpose_lhs_hint = false} : vector<1544x512xf32>, vector<512x32xf32>, vector<1544x32xf32> -> vector<1544x32xf32>
    %add3A_304 = arith.addf %broadcast_in_dim3A_247, %dot_general3A_303 : vector<1544x32xf32>
    %slice3A_305 = vector.extract_strided_slice %concatenate3A_217 {offsets = [0, 0], sizes = [512, 17], strides = [1, 1]} : vector<1544x17xf32> to vector<512x17xf32>
    %dot_general3A_306 = arith.constant dense<0.000000e+00> : vector<1544x512xf32>
    %dot_general3A_307 = tpu.matmul %concatenate3A_201, %slice3A_305, %dot_general3A_306 {dimension_numbers = #tpu.dot_dimension_numbers<[1], [1], [0], [0], [0, 0, 1, 0], [], []>, transpose_lhs_hint = false} : vector<1544x17xf32>, vector<512x17xf32>, vector<1544x512xf32> -> vector<1544x512xf32>
    %exp3A_308 = math.exp %dot_general3A_307 : vector<1544x512xf32>
    %slice3A_309 = vector.extract_strided_slice %concatenate3A_233 {offsets = [0, 0], sizes = [512, 32], strides = [1, 1]} : vector<1544x32xf32> to vector<512x32xf32>
    %dot_general3A_310 = arith.constant dense<0.000000e+00> : vector<1544x32xf32>
    %dot_general3A_311 = tpu.matmul %exp3A_308, %slice3A_309, %dot_general3A_310 {dimension_numbers = #tpu.dot_dimension_numbers<[1], [0], [0], [1], [0, 0, 1, 1], [], []>, transpose_lhs_hint = false} : vector<1544x512xf32>, vector<512x32xf32>, vector<1544x32xf32> -> vector<1544x32xf32>
    %add3A_312 = arith.addf %broadcast_in_dim3A_249, %dot_general3A_311 : vector<1544x32xf32>
    %slice3A_313 = vector.extract_strided_slice %concatenate3A_203 {offsets = [512, 0], sizes = [512, 17], strides = [1, 1]} : vector<1544x17xf32> to vector<512x17xf32>
    %dot_general3A_314 = arith.constant dense<0.000000e+00> : vector<1544x512xf32>
    %dot_general3A_315 = tpu.matmul %concatenate3A_166, %slice3A_313, %dot_general3A_314 {dimension_numbers = #tpu.dot_dimension_numbers<[1], [1], [0], [0], [0, 0, 1, 0], [], []>, transpose_lhs_hint = false} : vector<1544x17xf32>, vector<512x17xf32>, vector<1544x512xf32> -> vector<1544x512xf32>
    %exp3A_316 = math.exp %dot_general3A_315 : vector<1544x512xf32>
    %slice3A_317 = vector.extract_strided_slice %concatenate3A_219 {offsets = [512, 0], sizes = [512, 32], strides = [1, 1]} : vector<1544x32xf32> to vector<512x32xf32>
    %dot_general3A_318 = arith.constant dense<0.000000e+00> : vector<1544x32xf32>
    %dot_general3A_319 = tpu.matmul %exp3A_316, %slice3A_317, %dot_general3A_318 {dimension_numbers = #tpu.dot_dimension_numbers<[1], [0], [0], [1], [0, 0, 1, 1], [], []>, transpose_lhs_hint = false} : vector<1544x512xf32>, vector<512x32xf32>, vector<1544x32xf32> -> vector<1544x32xf32>
    %add3A_320 = arith.addf %add3A_256, %dot_general3A_319 : vector<1544x32xf32>
    %slice3A_321 = vector.extract_strided_slice %concatenate3A_205 {offsets = [512, 0], sizes = [512, 17], strides = [1, 1]} : vector<1544x17xf32> to vector<512x17xf32>
    %dot_general3A_322 = arith.constant dense<0.000000e+00> : vector<1544x512xf32>
    %dot_general3A_323 = tpu.matmul %concatenate3A_171, %slice3A_321, %dot_general3A_322 {dimension_numbers = #tpu.dot_dimension_numbers<[1], [1], [0], [0], [0, 0, 1, 0], [], []>, transpose_lhs_hint = false} : vector<1544x17xf32>, vector<512x17xf32>, vector<1544x512xf32> -> vector<1544x512xf32>
    %exp3A_324 = math.exp %dot_general3A_323 : vector<1544x512xf32>
    %slice3A_325 = vector.extract_strided_slice %concatenate3A_221 {offsets = [512, 0], sizes = [512, 32], strides = [1, 1]} : vector<1544x32xf32> to vector<512x32xf32>
    %dot_general3A_326 = arith.constant dense<0.000000e+00> : vector<1544x32xf32>
    %dot_general3A_327 = tpu.matmul %exp3A_324, %slice3A_325, %dot_general3A_326 {dimension_numbers = #tpu.dot_dimension_numbers<[1], [0], [0], [1], [0, 0, 1, 1], [], []>, transpose_lhs_hint = false} : vector<1544x512xf32>, vector<512x32xf32>, vector<1544x32xf32> -> vector<1544x32xf32>
    %add3A_328 = arith.addf %add3A_264, %dot_general3A_327 : vector<1544x32xf32>
    %slice3A_329 = vector.extract_strided_slice %concatenate3A_207 {offsets = [512, 0], sizes = [512, 17], strides = [1, 1]} : vector<1544x17xf32> to vector<512x17xf32>
    %dot_general3A_330 = arith.constant dense<0.000000e+00> : vector<1544x512xf32>
    %dot_general3A_331 = tpu.matmul %concatenate3A_176, %slice3A_329, %dot_general3A_330 {dimension_numbers = #tpu.dot_dimension_numbers<[1], [1], [0], [0], [0, 0, 1, 0], [], []>, transpose_lhs_hint = false} : vector<1544x17xf32>, vector<512x17xf32>, vector<1544x512xf32> -> vector<1544x512xf32>
    %exp3A_332 = math.exp %dot_general3A_331 : vector<1544x512xf32>
    %slice3A_333 = vector.extract_strided_slice %concatenate3A_223 {offsets = [512, 0], sizes = [512, 32], strides = [1, 1]} : vector<1544x32xf32> to vector<512x32xf32>
    %dot_general3A_334 = arith.constant dense<0.000000e+00> : vector<1544x32xf32>
    %dot_general3A_335 = tpu.matmul %exp3A_332, %slice3A_333, %dot_general3A_334 {dimension_numbers = #tpu.dot_dimension_numbers<[1], [0], [0], [1], [0, 0, 1, 1], [], []>, transpose_lhs_hint = false} : vector<1544x512xf32>, vector<512x32xf32>, vector<1544x32xf32> -> vector<1544x32xf32>
    %add3A_336 = arith.addf %add3A_272, %dot_general3A_335 : vector<1544x32xf32>
    %slice3A_337 = vector.extract_strided_slice %concatenate3A_209 {offsets = [512, 0], sizes = [512, 17], strides = [1, 1]} : vector<1544x17xf32> to vector<512x17xf32>
    %dot_general3A_338 = arith.constant dense<0.000000e+00> : vector<1544x512xf32>
    %dot_general3A_339 = tpu.matmul %concatenate3A_181, %slice3A_337, %dot_general3A_338 {dimension_numbers = #tpu.dot_dimension_numbers<[1], [1], [0], [0], [0, 0, 1, 0], [], []>, transpose_lhs_hint = false} : vector<1544x17xf32>, vector<512x17xf32>, vector<1544x512xf32> -> vector<1544x512xf32>
    %exp3A_340 = math.exp %dot_general3A_339 : vector<1544x512xf32>
    %slice3A_341 = vector.extract_strided_slice %concatenate3A_225 {offsets = [512, 0], sizes = [512, 32], strides = [1, 1]} : vector<1544x32xf32> to vector<512x32xf32>
    %dot_general3A_342 = arith.constant dense<0.000000e+00> : vector<1544x32xf32>
    %dot_general3A_343 = tpu.matmul %exp3A_340, %slice3A_341, %dot_general3A_342 {dimension_numbers = #tpu.dot_dimension_numbers<[1], [0], [0], [1], [0, 0, 1, 1], [], []>, transpose_lhs_hint = false} : vector<1544x512xf32>, vector<512x32xf32>, vector<1544x32xf32> -> vector<1544x32xf32>
    %add3A_344 = arith.addf %add3A_280, %dot_general3A_343 : vector<1544x32xf32>
    %slice3A_345 = vector.extract_strided_slice %concatenate3A_211 {offsets = [512, 0], sizes = [512, 17], strides = [1, 1]} : vector<1544x17xf32> to vector<512x17xf32>
    %dot_general3A_346 = arith.constant dense<0.000000e+00> : vector<1544x512xf32>
    %dot_general3A_347 = tpu.matmul %concatenate3A_186, %slice3A_345, %dot_general3A_346 {dimension_numbers = #tpu.dot_dimension_numbers<[1], [1], [0], [0], [0, 0, 1, 0], [], []>, transpose_lhs_hint = false} : vector<1544x17xf32>, vector<512x17xf32>, vector<1544x512xf32> -> vector<1544x512xf32>
    %exp3A_348 = math.exp %dot_general3A_347 : vector<1544x512xf32>
    %slice3A_349 = vector.extract_strided_slice %concatenate3A_227 {offsets = [512, 0], sizes = [512, 32], strides = [1, 1]} : vector<1544x32xf32> to vector<512x32xf32>
    %dot_general3A_350 = arith.constant dense<0.000000e+00> : vector<1544x32xf32>
    %dot_general3A_351 = tpu.matmul %exp3A_348, %slice3A_349, %dot_general3A_350 {dimension_numbers = #tpu.dot_dimension_numbers<[1], [0], [0], [1], [0, 0, 1, 1], [], []>, transpose_lhs_hint = false} : vector<1544x512xf32>, vector<512x32xf32>, vector<1544x32xf32> -> vector<1544x32xf32>
    %add3A_352 = arith.addf %add3A_288, %dot_general3A_351 : vector<1544x32xf32>
    %slice3A_353 = vector.extract_strided_slice %concatenate3A_213 {offsets = [512, 0], sizes = [512, 17], strides = [1, 1]} : vector<1544x17xf32> to vector<512x17xf32>
    %dot_general3A_354 = arith.constant dense<0.000000e+00> : vector<1544x512xf32>
    %dot_general3A_355 = tpu.matmul %concatenate3A_191, %slice3A_353, %dot_general3A_354 {dimension_numbers = #tpu.dot_dimension_numbers<[1], [1], [0], [0], [0, 0, 1, 0], [], []>, transpose_lhs_hint = false} : vector<1544x17xf32>, vector<512x17xf32>, vector<1544x512xf32> -> vector<1544x512xf32>
    %exp3A_356 = math.exp %dot_general3A_355 : vector<1544x512xf32>
    %slice3A_357 = vector.extract_strided_slice %concatenate3A_229 {offsets = [512, 0], sizes = [512, 32], strides = [1, 1]} : vector<1544x32xf32> to vector<512x32xf32>
    %dot_general3A_358 = arith.constant dense<0.000000e+00> : vector<1544x32xf32>
    %dot_general3A_359 = tpu.matmul %exp3A_356, %slice3A_357, %dot_general3A_358 {dimension_numbers = #tpu.dot_dimension_numbers<[1], [0], [0], [1], [0, 0, 1, 1], [], []>, transpose_lhs_hint = false} : vector<1544x512xf32>, vector<512x32xf32>, vector<1544x32xf32> -> vector<1544x32xf32>
    %add3A_360 = arith.addf %add3A_296, %dot_general3A_359 : vector<1544x32xf32>
    %slice3A_361 = vector.extract_strided_slice %concatenate3A_215 {offsets = [512, 0], sizes = [512, 17], strides = [1, 1]} : vector<1544x17xf32> to vector<512x17xf32>
    %dot_general3A_362 = arith.constant dense<0.000000e+00> : vector<1544x512xf32>
    %dot_general3A_363 = tpu.matmul %concatenate3A_196, %slice3A_361, %dot_general3A_362 {dimension_numbers = #tpu.dot_dimension_numbers<[1], [1], [0], [0], [0, 0, 1, 0], [], []>, transpose_lhs_hint = false} : vector<1544x17xf32>, vector<512x17xf32>, vector<1544x512xf32> -> vector<1544x512xf32>
    %exp3A_364 = math.exp %dot_general3A_363 : vector<1544x512xf32>
    %slice3A_365 = vector.extract_strided_slice %concatenate3A_231 {offsets = [512, 0], sizes = [512, 32], strides = [1, 1]} : vector<1544x32xf32> to vector<512x32xf32>
    %dot_general3A_366 = arith.constant dense<0.000000e+00> : vector<1544x32xf32>
    %dot_general3A_367 = tpu.matmul %exp3A_364, %slice3A_365, %dot_general3A_366 {dimension_numbers = #tpu.dot_dimension_numbers<[1], [0], [0], [1], [0, 0, 1, 1], [], []>, transpose_lhs_hint = false} : vector<1544x512xf32>, vector<512x32xf32>, vector<1544x32xf32> -> vector<1544x32xf32>
    %add3A_368 = arith.addf %add3A_304, %dot_general3A_367 : vector<1544x32xf32>
    %slice3A_369 = vector.extract_strided_slice %concatenate3A_217 {offsets = [512, 0], sizes = [512, 17], strides = [1, 1]} : vector<1544x17xf32> to vector<512x17xf32>
    %dot_general3A_370 = arith.constant dense<0.000000e+00> : vector<1544x512xf32>
    %dot_general3A_371 = tpu.matmul %concatenate3A_201, %slice3A_369, %dot_general3A_370 {dimension_numbers = #tpu.dot_dimension_numbers<[1], [1], [0], [0], [0, 0, 1, 0], [], []>, transpose_lhs_hint = false} : vector<1544x17xf32>, vector<512x17xf32>, vector<1544x512xf32> -> vector<1544x512xf32>
    %exp3A_372 = math.exp %dot_general3A_371 : vector<1544x512xf32>
    %slice3A_373 = vector.extract_strided_slice %concatenate3A_233 {offsets = [512, 0], sizes = [512, 32], strides = [1, 1]} : vector<1544x32xf32> to vector<512x32xf32>
    %dot_general3A_374 = arith.constant dense<0.000000e+00> : vector<1544x32xf32>
    %dot_general3A_375 = tpu.matmul %exp3A_372, %slice3A_373, %dot_general3A_374 {dimension_numbers = #tpu.dot_dimension_numbers<[1], [0], [0], [1], [0, 0, 1, 1], [], []>, transpose_lhs_hint = false} : vector<1544x512xf32>, vector<512x32xf32>, vector<1544x32xf32> -> vector<1544x32xf32>
    %add3A_376 = arith.addf %add3A_312, %dot_general3A_375 : vector<1544x32xf32>
    %slice3A_377 = vector.extract_strided_slice %concatenate3A_203 {offsets = [1024, 0], sizes = [512, 17], strides = [1, 1]} : vector<1544x17xf32> to vector<512x17xf32>
    %dot_general3A_378 = arith.constant dense<0.000000e+00> : vector<1544x512xf32>
    %dot_general3A_379 = tpu.matmul %concatenate3A_166, %slice3A_377, %dot_general3A_378 {dimension_numbers = #tpu.dot_dimension_numbers<[1], [1], [0], [0], [0, 0, 1, 0], [], []>, transpose_lhs_hint = false} : vector<1544x17xf32>, vector<512x17xf32>, vector<1544x512xf32> -> vector<1544x512xf32>
    %exp3A_380 = math.exp %dot_general3A_379 : vector<1544x512xf32>
    %slice3A_381 = vector.extract_strided_slice %concatenate3A_219 {offsets = [1024, 0], sizes = [512, 32], strides = [1, 1]} : vector<1544x32xf32> to vector<512x32xf32>
    %dot_general3A_382 = arith.constant dense<0.000000e+00> : vector<1544x32xf32>
    %dot_general3A_383 = tpu.matmul %exp3A_380, %slice3A_381, %dot_general3A_382 {dimension_numbers = #tpu.dot_dimension_numbers<[1], [0], [0], [1], [0, 0, 1, 1], [], []>, transpose_lhs_hint = false} : vector<1544x512xf32>, vector<512x32xf32>, vector<1544x32xf32> -> vector<1544x32xf32>
    %add3A_384 = arith.addf %add3A_320, %dot_general3A_383 : vector<1544x32xf32>
    %slice3A_385 = vector.extract_strided_slice %concatenate3A_205 {offsets = [1024, 0], sizes = [512, 17], strides = [1, 1]} : vector<1544x17xf32> to vector<512x17xf32>
    %dot_general3A_386 = arith.constant dense<0.000000e+00> : vector<1544x512xf32>
    %dot_general3A_387 = tpu.matmul %concatenate3A_171, %slice3A_385, %dot_general3A_386 {dimension_numbers = #tpu.dot_dimension_numbers<[1], [1], [0], [0], [0, 0, 1, 0], [], []>, transpose_lhs_hint = false} : vector<1544x17xf32>, vector<512x17xf32>, vector<1544x512xf32> -> vector<1544x512xf32>
    %exp3A_388 = math.exp %dot_general3A_387 : vector<1544x512xf32>
    %slice3A_389 = vector.extract_strided_slice %concatenate3A_221 {offsets = [1024, 0], sizes = [512, 32], strides = [1, 1]} : vector<1544x32xf32> to vector<512x32xf32>
    %dot_general3A_390 = arith.constant dense<0.000000e+00> : vector<1544x32xf32>
    %dot_general3A_391 = tpu.matmul %exp3A_388, %slice3A_389, %dot_general3A_390 {dimension_numbers = #tpu.dot_dimension_numbers<[1], [0], [0], [1], [0, 0, 1, 1], [], []>, transpose_lhs_hint = false} : vector<1544x512xf32>, vector<512x32xf32>, vector<1544x32xf32> -> vector<1544x32xf32>
    %add3A_392 = arith.addf %add3A_328, %dot_general3A_391 : vector<1544x32xf32>
    %slice3A_393 = vector.extract_strided_slice %concatenate3A_207 {offsets = [1024, 0], sizes = [512, 17], strides = [1, 1]} : vector<1544x17xf32> to vector<512x17xf32>
    %dot_general3A_394 = arith.constant dense<0.000000e+00> : vector<1544x512xf32>
    %dot_general3A_395 = tpu.matmul %concatenate3A_176, %slice3A_393, %dot_general3A_394 {dimension_numbers = #tpu.dot_dimension_numbers<[1], [1], [0], [0], [0, 0, 1, 0], [], []>, transpose_lhs_hint = false} : vector<1544x17xf32>, vector<512x17xf32>, vector<1544x512xf32> -> vector<1544x512xf32>
    %exp3A_396 = math.exp %dot_general3A_395 : vector<1544x512xf32>
    %slice3A_397 = vector.extract_strided_slice %concatenate3A_223 {offsets = [1024, 0], sizes = [512, 32], strides = [1, 1]} : vector<1544x32xf32> to vector<512x32xf32>
    %dot_general3A_398 = arith.constant dense<0.000000e+00> : vector<1544x32xf32>
    %dot_general3A_399 = tpu.matmul %exp3A_396, %slice3A_397, %dot_general3A_398 {dimension_numbers = #tpu.dot_dimension_numbers<[1], [0], [0], [1], [0, 0, 1, 1], [], []>, transpose_lhs_hint = false} : vector<1544x512xf32>, vector<512x32xf32>, vector<1544x32xf32> -> vector<1544x32xf32>
    %add3A_400 = arith.addf %add3A_336, %dot_general3A_399 : vector<1544x32xf32>
    %slice3A_401 = vector.extract_strided_slice %concatenate3A_209 {offsets = [1024, 0], sizes = [512, 17], strides = [1, 1]} : vector<1544x17xf32> to vector<512x17xf32>
    %dot_general3A_402 = arith.constant dense<0.000000e+00> : vector<1544x512xf32>
    %dot_general3A_403 = tpu.matmul %concatenate3A_181, %slice3A_401, %dot_general3A_402 {dimension_numbers = #tpu.dot_dimension_numbers<[1], [1], [0], [0], [0, 0, 1, 0], [], []>, transpose_lhs_hint = false} : vector<1544x17xf32>, vector<512x17xf32>, vector<1544x512xf32> -> vector<1544x512xf32>
    %exp3A_404 = math.exp %dot_general3A_403 : vector<1544x512xf32>
    %slice3A_405 = vector.extract_strided_slice %concatenate3A_225 {offsets = [1024, 0], sizes = [512, 32], strides = [1, 1]} : vector<1544x32xf32> to vector<512x32xf32>
    %dot_general3A_406 = arith.constant dense<0.000000e+00> : vector<1544x32xf32>
    %dot_general3A_407 = tpu.matmul %exp3A_404, %slice3A_405, %dot_general3A_406 {dimension_numbers = #tpu.dot_dimension_numbers<[1], [0], [0], [1], [0, 0, 1, 1], [], []>, transpose_lhs_hint = false} : vector<1544x512xf32>, vector<512x32xf32>, vector<1544x32xf32> -> vector<1544x32xf32>
    %add3A_408 = arith.addf %add3A_344, %dot_general3A_407 : vector<1544x32xf32>
    %slice3A_409 = vector.extract_strided_slice %concatenate3A_211 {offsets = [1024, 0], sizes = [512, 17], strides = [1, 1]} : vector<1544x17xf32> to vector<512x17xf32>
    %dot_general3A_410 = arith.constant dense<0.000000e+00> : vector<1544x512xf32>
    %dot_general3A_411 = tpu.matmul %concatenate3A_186, %slice3A_409, %dot_general3A_410 {dimension_numbers = #tpu.dot_dimension_numbers<[1], [1], [0], [0], [0, 0, 1, 0], [], []>, transpose_lhs_hint = false} : vector<1544x17xf32>, vector<512x17xf32>, vector<1544x512xf32> -> vector<1544x512xf32>
    %exp3A_412 = math.exp %dot_general3A_411 : vector<1544x512xf32>
    %slice3A_413 = vector.extract_strided_slice %concatenate3A_227 {offsets = [1024, 0], sizes = [512, 32], strides = [1, 1]} : vector<1544x32xf32> to vector<512x32xf32>
    %dot_general3A_414 = arith.constant dense<0.000000e+00> : vector<1544x32xf32>
    %dot_general3A_415 = tpu.matmul %exp3A_412, %slice3A_413, %dot_general3A_414 {dimension_numbers = #tpu.dot_dimension_numbers<[1], [0], [0], [1], [0, 0, 1, 1], [], []>, transpose_lhs_hint = false} : vector<1544x512xf32>, vector<512x32xf32>, vector<1544x32xf32> -> vector<1544x32xf32>
    %add3A_416 = arith.addf %add3A_352, %dot_general3A_415 : vector<1544x32xf32>
    %slice3A_417 = vector.extract_strided_slice %concatenate3A_213 {offsets = [1024, 0], sizes = [512, 17], strides = [1, 1]} : vector<1544x17xf32> to vector<512x17xf32>
    %dot_general3A_418 = arith.constant dense<0.000000e+00> : vector<1544x512xf32>
    %dot_general3A_419 = tpu.matmul %concatenate3A_191, %slice3A_417, %dot_general3A_418 {dimension_numbers = #tpu.dot_dimension_numbers<[1], [1], [0], [0], [0, 0, 1, 0], [], []>, transpose_lhs_hint = false} : vector<1544x17xf32>, vector<512x17xf32>, vector<1544x512xf32> -> vector<1544x512xf32>
    %exp3A_420 = math.exp %dot_general3A_419 : vector<1544x512xf32>
    %slice3A_421 = vector.extract_strided_slice %concatenate3A_229 {offsets = [1024, 0], sizes = [512, 32], strides = [1, 1]} : vector<1544x32xf32> to vector<512x32xf32>
    %dot_general3A_422 = arith.constant dense<0.000000e+00> : vector<1544x32xf32>
    %dot_general3A_423 = tpu.matmul %exp3A_420, %slice3A_421, %dot_general3A_422 {dimension_numbers = #tpu.dot_dimension_numbers<[1], [0], [0], [1], [0, 0, 1, 1], [], []>, transpose_lhs_hint = false} : vector<1544x512xf32>, vector<512x32xf32>, vector<1544x32xf32> -> vector<1544x32xf32>
    %add3A_424 = arith.addf %add3A_360, %dot_general3A_423 : vector<1544x32xf32>
    %slice3A_425 = vector.extract_strided_slice %concatenate3A_215 {offsets = [1024, 0], sizes = [512, 17], strides = [1, 1]} : vector<1544x17xf32> to vector<512x17xf32>
    %dot_general3A_426 = arith.constant dense<0.000000e+00> : vector<1544x512xf32>
    %dot_general3A_427 = tpu.matmul %concatenate3A_196, %slice3A_425, %dot_general3A_426 {dimension_numbers = #tpu.dot_dimension_numbers<[1], [1], [0], [0], [0, 0, 1, 0], [], []>, transpose_lhs_hint = false} : vector<1544x17xf32>, vector<512x17xf32>, vector<1544x512xf32> -> vector<1544x512xf32>
    %exp3A_428 = math.exp %dot_general3A_427 : vector<1544x512xf32>
    %slice3A_429 = vector.extract_strided_slice %concatenate3A_231 {offsets = [1024, 0], sizes = [512, 32], strides = [1, 1]} : vector<1544x32xf32> to vector<512x32xf32>
    %dot_general3A_430 = arith.constant dense<0.000000e+00> : vector<1544x32xf32>
    %dot_general3A_431 = tpu.matmul %exp3A_428, %slice3A_429, %dot_general3A_430 {dimension_numbers = #tpu.dot_dimension_numbers<[1], [0], [0], [1], [0, 0, 1, 1], [], []>, transpose_lhs_hint = false} : vector<1544x512xf32>, vector<512x32xf32>, vector<1544x32xf32> -> vector<1544x32xf32>
    %add3A_432 = arith.addf %add3A_368, %dot_general3A_431 : vector<1544x32xf32>
    %slice3A_433 = vector.extract_strided_slice %concatenate3A_217 {offsets = [1024, 0], sizes = [512, 17], strides = [1, 1]} : vector<1544x17xf32> to vector<512x17xf32>
    %dot_general3A_434 = arith.constant dense<0.000000e+00> : vector<1544x512xf32>
    %dot_general3A_435 = tpu.matmul %concatenate3A_201, %slice3A_433, %dot_general3A_434 {dimension_numbers = #tpu.dot_dimension_numbers<[1], [1], [0], [0], [0, 0, 1, 0], [], []>, transpose_lhs_hint = false} : vector<1544x17xf32>, vector<512x17xf32>, vector<1544x512xf32> -> vector<1544x512xf32>
    %exp3A_436 = math.exp %dot_general3A_435 : vector<1544x512xf32>
    %slice3A_437 = vector.extract_strided_slice %concatenate3A_233 {offsets = [1024, 0], sizes = [512, 32], strides = [1, 1]} : vector<1544x32xf32> to vector<512x32xf32>
    %dot_general3A_438 = arith.constant dense<0.000000e+00> : vector<1544x32xf32>
    %dot_general3A_439 = tpu.matmul %exp3A_436, %slice3A_437, %dot_general3A_438 {dimension_numbers = #tpu.dot_dimension_numbers<[1], [0], [0], [1], [0, 0, 1, 1], [], []>, transpose_lhs_hint = false} : vector<1544x512xf32>, vector<512x32xf32>, vector<1544x32xf32> -> vector<1544x32xf32>
    %add3A_440 = arith.addf %add3A_376, %dot_general3A_439 : vector<1544x32xf32>
    %slice3A_441 = vector.extract_strided_slice %concatenate3A_203 {offsets = [1536, 0], sizes = [8, 17], strides = [1, 1]} : vector<1544x17xf32> to vector<8x17xf32>
    %dot_general3A_442 = arith.constant dense<0.000000e+00> : vector<1544x8xf32>
    %dot_general3A_443 = tpu.matmul %concatenate3A_166, %slice3A_441, %dot_general3A_442 {dimension_numbers = #tpu.dot_dimension_numbers<[1], [1], [0], [0], [0, 0, 1, 0], [], []>, transpose_lhs_hint = false} : vector<1544x17xf32>, vector<8x17xf32>, vector<1544x8xf32> -> vector<1544x8xf32>
    %exp3A_444 = math.exp %dot_general3A_443 : vector<1544x8xf32>
    %slice3A_445 = vector.extract_strided_slice %concatenate3A_219 {offsets = [1536, 0], sizes = [8, 32], strides = [1, 1]} : vector<1544x32xf32> to vector<8x32xf32>
    %dot_general3A_446 = arith.constant dense<0.000000e+00> : vector<1544x32xf32>
    %dot_general3A_447 = tpu.matmul %exp3A_444, %slice3A_445, %dot_general3A_446 {dimension_numbers = #tpu.dot_dimension_numbers<[1], [0], [0], [1], [0, 0, 1, 1], [], []>, transpose_lhs_hint = false} : vector<1544x8xf32>, vector<8x32xf32>, vector<1544x32xf32> -> vector<1544x32xf32>
    %add3A_448 = arith.addf %add3A_384, %dot_general3A_447 : vector<1544x32xf32>
    %slice3A_449 = vector.extract_strided_slice %concatenate3A_205 {offsets = [1536, 0], sizes = [8, 17], strides = [1, 1]} : vector<1544x17xf32> to vector<8x17xf32>
    %dot_general3A_450 = arith.constant dense<0.000000e+00> : vector<1544x8xf32>
    %dot_general3A_451 = tpu.matmul %concatenate3A_171, %slice3A_449, %dot_general3A_450 {dimension_numbers = #tpu.dot_dimension_numbers<[1], [1], [0], [0], [0, 0, 1, 0], [], []>, transpose_lhs_hint = false} : vector<1544x17xf32>, vector<8x17xf32>, vector<1544x8xf32> -> vector<1544x8xf32>
    %exp3A_452 = math.exp %dot_general3A_451 : vector<1544x8xf32>
    %slice3A_453 = vector.extract_strided_slice %concatenate3A_221 {offsets = [1536, 0], sizes = [8, 32], strides = [1, 1]} : vector<1544x32xf32> to vector<8x32xf32>
    %dot_general3A_454 = arith.constant dense<0.000000e+00> : vector<1544x32xf32>
    %dot_general3A_455 = tpu.matmul %exp3A_452, %slice3A_453, %dot_general3A_454 {dimension_numbers = #tpu.dot_dimension_numbers<[1], [0], [0], [1], [0, 0, 1, 1], [], []>, transpose_lhs_hint = false} : vector<1544x8xf32>, vector<8x32xf32>, vector<1544x32xf32> -> vector<1544x32xf32>
    %add3A_456 = arith.addf %add3A_392, %dot_general3A_455 : vector<1544x32xf32>
    %slice3A_457 = vector.extract_strided_slice %concatenate3A_207 {offsets = [1536, 0], sizes = [8, 17], strides = [1, 1]} : vector<1544x17xf32> to vector<8x17xf32>
    %dot_general3A_458 = arith.constant dense<0.000000e+00> : vector<1544x8xf32>
    %dot_general3A_459 = tpu.matmul %concatenate3A_176, %slice3A_457, %dot_general3A_458 {dimension_numbers = #tpu.dot_dimension_numbers<[1], [1], [0], [0], [0, 0, 1, 0], [], []>, transpose_lhs_hint = false} : vector<1544x17xf32>, vector<8x17xf32>, vector<1544x8xf32> -> vector<1544x8xf32>
    %exp3A_460 = math.exp %dot_general3A_459 : vector<1544x8xf32>
    %slice3A_461 = vector.extract_strided_slice %concatenate3A_223 {offsets = [1536, 0], sizes = [8, 32], strides = [1, 1]} : vector<1544x32xf32> to vector<8x32xf32>
    %dot_general3A_462 = arith.constant dense<0.000000e+00> : vector<1544x32xf32>
    %dot_general3A_463 = tpu.matmul %exp3A_460, %slice3A_461, %dot_general3A_462 {dimension_numbers = #tpu.dot_dimension_numbers<[1], [0], [0], [1], [0, 0, 1, 1], [], []>, transpose_lhs_hint = false} : vector<1544x8xf32>, vector<8x32xf32>, vector<1544x32xf32> -> vector<1544x32xf32>
    %add3A_464 = arith.addf %add3A_400, %dot_general3A_463 : vector<1544x32xf32>
    %slice3A_465 = vector.extract_strided_slice %concatenate3A_209 {offsets = [1536, 0], sizes = [8, 17], strides = [1, 1]} : vector<1544x17xf32> to vector<8x17xf32>
    %dot_general3A_466 = arith.constant dense<0.000000e+00> : vector<1544x8xf32>
    %dot_general3A_467 = tpu.matmul %concatenate3A_181, %slice3A_465, %dot_general3A_466 {dimension_numbers = #tpu.dot_dimension_numbers<[1], [1], [0], [0], [0, 0, 1, 0], [], []>, transpose_lhs_hint = false} : vector<1544x17xf32>, vector<8x17xf32>, vector<1544x8xf32> -> vector<1544x8xf32>
    %exp3A_468 = math.exp %dot_general3A_467 : vector<1544x8xf32>
    %slice3A_469 = vector.extract_strided_slice %concatenate3A_225 {offsets = [1536, 0], sizes = [8, 32], strides = [1, 1]} : vector<1544x32xf32> to vector<8x32xf32>
    %dot_general3A_470 = arith.constant dense<0.000000e+00> : vector<1544x32xf32>
    %dot_general3A_471 = tpu.matmul %exp3A_468, %slice3A_469, %dot_general3A_470 {dimension_numbers = #tpu.dot_dimension_numbers<[1], [0], [0], [1], [0, 0, 1, 1], [], []>, transpose_lhs_hint = false} : vector<1544x8xf32>, vector<8x32xf32>, vector<1544x32xf32> -> vector<1544x32xf32>
    %add3A_472 = arith.addf %add3A_408, %dot_general3A_471 : vector<1544x32xf32>
    %slice3A_473 = vector.extract_strided_slice %concatenate3A_211 {offsets = [1536, 0], sizes = [8, 17], strides = [1, 1]} : vector<1544x17xf32> to vector<8x17xf32>
    %dot_general3A_474 = arith.constant dense<0.000000e+00> : vector<1544x8xf32>
    %dot_general3A_475 = tpu.matmul %concatenate3A_186, %slice3A_473, %dot_general3A_474 {dimension_numbers = #tpu.dot_dimension_numbers<[1], [1], [0], [0], [0, 0, 1, 0], [], []>, transpose_lhs_hint = false} : vector<1544x17xf32>, vector<8x17xf32>, vector<1544x8xf32> -> vector<1544x8xf32>
    %exp3A_476 = math.exp %dot_general3A_475 : vector<1544x8xf32>
    %slice3A_477 = vector.extract_strided_slice %concatenate3A_227 {offsets = [1536, 0], sizes = [8, 32], strides = [1, 1]} : vector<1544x32xf32> to vector<8x32xf32>
    %dot_general3A_478 = arith.constant dense<0.000000e+00> : vector<1544x32xf32>
    %dot_general3A_479 = tpu.matmul %exp3A_476, %slice3A_477, %dot_general3A_478 {dimension_numbers = #tpu.dot_dimension_numbers<[1], [0], [0], [1], [0, 0, 1, 1], [], []>, transpose_lhs_hint = false} : vector<1544x8xf32>, vector<8x32xf32>, vector<1544x32xf32> -> vector<1544x32xf32>
    %add3A_480 = arith.addf %add3A_416, %dot_general3A_479 : vector<1544x32xf32>
    %slice3A_481 = vector.extract_strided_slice %concatenate3A_213 {offsets = [1536, 0], sizes = [8, 17], strides = [1, 1]} : vector<1544x17xf32> to vector<8x17xf32>
    %dot_general3A_482 = arith.constant dense<0.000000e+00> : vector<1544x8xf32>
    %dot_general3A_483 = tpu.matmul %concatenate3A_191, %slice3A_481, %dot_general3A_482 {dimension_numbers = #tpu.dot_dimension_numbers<[1], [1], [0], [0], [0, 0, 1, 0], [], []>, transpose_lhs_hint = false} : vector<1544x17xf32>, vector<8x17xf32>, vector<1544x8xf32> -> vector<1544x8xf32>
    %exp3A_484 = math.exp %dot_general3A_483 : vector<1544x8xf32>
    %slice3A_485 = vector.extract_strided_slice %concatenate3A_229 {offsets = [1536, 0], sizes = [8, 32], strides = [1, 1]} : vector<1544x32xf32> to vector<8x32xf32>
    %dot_general3A_486 = arith.constant dense<0.000000e+00> : vector<1544x32xf32>
    %dot_general3A_487 = tpu.matmul %exp3A_484, %slice3A_485, %dot_general3A_486 {dimension_numbers = #tpu.dot_dimension_numbers<[1], [0], [0], [1], [0, 0, 1, 1], [], []>, transpose_lhs_hint = false} : vector<1544x8xf32>, vector<8x32xf32>, vector<1544x32xf32> -> vector<1544x32xf32>
    %add3A_488 = arith.addf %add3A_424, %dot_general3A_487 : vector<1544x32xf32>
    %slice3A_489 = vector.extract_strided_slice %concatenate3A_215 {offsets = [1536, 0], sizes = [8, 17], strides = [1, 1]} : vector<1544x17xf32> to vector<8x17xf32>
    %dot_general3A_490 = arith.constant dense<0.000000e+00> : vector<1544x8xf32>
    %dot_general3A_491 = tpu.matmul %concatenate3A_196, %slice3A_489, %dot_general3A_490 {dimension_numbers = #tpu.dot_dimension_numbers<[1], [1], [0], [0], [0, 0, 1, 0], [], []>, transpose_lhs_hint = false} : vector<1544x17xf32>, vector<8x17xf32>, vector<1544x8xf32> -> vector<1544x8xf32>
    %exp3A_492 = math.exp %dot_general3A_491 : vector<1544x8xf32>
    %slice3A_493 = vector.extract_strided_slice %concatenate3A_231 {offsets = [1536, 0], sizes = [8, 32], strides = [1, 1]} : vector<1544x32xf32> to vector<8x32xf32>
    %dot_general3A_494 = arith.constant dense<0.000000e+00> : vector<1544x32xf32>
    %dot_general3A_495 = tpu.matmul %exp3A_492, %slice3A_493, %dot_general3A_494 {dimension_numbers = #tpu.dot_dimension_numbers<[1], [0], [0], [1], [0, 0, 1, 1], [], []>, transpose_lhs_hint = false} : vector<1544x8xf32>, vector<8x32xf32>, vector<1544x32xf32> -> vector<1544x32xf32>
    %add3A_496 = arith.addf %add3A_432, %dot_general3A_495 : vector<1544x32xf32>
    %slice3A_497 = vector.extract_strided_slice %concatenate3A_217 {offsets = [1536, 0], sizes = [8, 17], strides = [1, 1]} : vector<1544x17xf32> to vector<8x17xf32>
    %dot_general3A_498 = arith.constant dense<0.000000e+00> : vector<1544x8xf32>
    %dot_general3A_499 = tpu.matmul %concatenate3A_201, %slice3A_497, %dot_general3A_498 {dimension_numbers = #tpu.dot_dimension_numbers<[1], [1], [0], [0], [0, 0, 1, 0], [], []>, transpose_lhs_hint = false} : vector<1544x17xf32>, vector<8x17xf32>, vector<1544x8xf32> -> vector<1544x8xf32>
    %exp3A_500 = math.exp %dot_general3A_499 : vector<1544x8xf32>
    %slice3A_501 = vector.extract_strided_slice %concatenate3A_233 {offsets = [1536, 0], sizes = [8, 32], strides = [1, 1]} : vector<1544x32xf32> to vector<8x32xf32>
    %dot_general3A_502 = arith.constant dense<0.000000e+00> : vector<1544x32xf32>
    %dot_general3A_503 = tpu.matmul %exp3A_500, %slice3A_501, %dot_general3A_502 {dimension_numbers = #tpu.dot_dimension_numbers<[1], [0], [0], [1], [0, 0, 1, 1], [], []>, transpose_lhs_hint = false} : vector<1544x8xf32>, vector<8x32xf32>, vector<1544x32xf32> -> vector<1544x32xf32>
    %add3A_504 = arith.addf %add3A_440, %dot_general3A_503 : vector<1544x32xf32>
    %slice3A_505 = vector.extract_strided_slice %add3A_448 {offsets = [0, 0], sizes = [1544, 16], strides = [1, 1]} : vector<1544x32xf32> to vector<1544x16xf32>
    %slice3A_506 = vector.extract_strided_slice %add3A_448 {offsets = [0, 16], sizes = [1544, 1], strides = [1, 1]} : vector<1544x32xf32> to vector<1544x1xf32>
    %div3A_507 = vector.broadcast %slice3A_506 : vector<1544x1xf32> to vector<1544x16xf32>
    %div3A_508 = arith.divf %slice3A_505, %div3A_507 : vector<1544x16xf32>
    %slice3A_509 = vector.extract_strided_slice %get3A_89 {offsets = [0, 0], sizes = [16, 128], strides = [1, 1]} : vector<128x128xf32> to vector<16x128xf32>
    %dot_general3A_510 = arith.constant dense<0.000000e+00> : vector<1544x128xf32>
    %dot_general3A_511 = tpu.matmul %div3A_508, %slice3A_509, %dot_general3A_510 {dimension_numbers = #tpu.dot_dimension_numbers<[1], [0], [0], [1], [0, 0, 1, 1], [], []>, transpose_lhs_hint = false} : vector<1544x16xf32>, vector<16x128xf32>, vector<1544x128xf32> -> vector<1544x128xf32>
    %add3A_512 = arith.addf %broadcast_in_dim3A_161, %dot_general3A_511 : vector<1544x128xf32>
    %slice3A_513 = vector.extract_strided_slice %add3A_456 {offsets = [0, 0], sizes = [1544, 16], strides = [1, 1]} : vector<1544x32xf32> to vector<1544x16xf32>
    %slice3A_514 = vector.extract_strided_slice %add3A_456 {offsets = [0, 16], sizes = [1544, 1], strides = [1, 1]} : vector<1544x32xf32> to vector<1544x1xf32>
    %div3A_515 = vector.broadcast %slice3A_514 : vector<1544x1xf32> to vector<1544x16xf32>
    %div3A_516 = arith.divf %slice3A_513, %div3A_515 : vector<1544x16xf32>
    %slice3A_517 = vector.extract_strided_slice %get3A_89 {offsets = [16, 0], sizes = [16, 128], strides = [1, 1]} : vector<128x128xf32> to vector<16x128xf32>
    %dot_general3A_518 = arith.constant dense<0.000000e+00> : vector<1544x128xf32>
    %dot_general3A_519 = tpu.matmul %div3A_516, %slice3A_517, %dot_general3A_518 {dimension_numbers = #tpu.dot_dimension_numbers<[1], [0], [0], [1], [0, 0, 1, 1], [], []>, transpose_lhs_hint = false} : vector<1544x16xf32>, vector<16x128xf32>, vector<1544x128xf32> -> vector<1544x128xf32>
    %add3A_520 = arith.addf %add3A_512, %dot_general3A_519 : vector<1544x128xf32>
    %slice3A_521 = vector.extract_strided_slice %add3A_464 {offsets = [0, 0], sizes = [1544, 16], strides = [1, 1]} : vector<1544x32xf32> to vector<1544x16xf32>
    %slice3A_522 = vector.extract_strided_slice %add3A_464 {offsets = [0, 16], sizes = [1544, 1], strides = [1, 1]} : vector<1544x32xf32> to vector<1544x1xf32>
    %div3A_523 = vector.broadcast %slice3A_522 : vector<1544x1xf32> to vector<1544x16xf32>
    %div3A_524 = arith.divf %slice3A_521, %div3A_523 : vector<1544x16xf32>
    %slice3A_525 = vector.extract_strided_slice %get3A_89 {offsets = [32, 0], sizes = [16, 128], strides = [1, 1]} : vector<128x128xf32> to vector<16x128xf32>
    %dot_general3A_526 = arith.constant dense<0.000000e+00> : vector<1544x128xf32>
    %dot_general3A_527 = tpu.matmul %div3A_524, %slice3A_525, %dot_general3A_526 {dimension_numbers = #tpu.dot_dimension_numbers<[1], [0], [0], [1], [0, 0, 1, 1], [], []>, transpose_lhs_hint = false} : vector<1544x16xf32>, vector<16x128xf32>, vector<1544x128xf32> -> vector<1544x128xf32>
    %add3A_528 = arith.addf %add3A_520, %dot_general3A_527 : vector<1544x128xf32>
    %slice3A_529 = vector.extract_strided_slice %add3A_472 {offsets = [0, 0], sizes = [1544, 16], strides = [1, 1]} : vector<1544x32xf32> to vector<1544x16xf32>
    %slice3A_530 = vector.extract_strided_slice %add3A_472 {offsets = [0, 16], sizes = [1544, 1], strides = [1, 1]} : vector<1544x32xf32> to vector<1544x1xf32>
    %div3A_531 = vector.broadcast %slice3A_530 : vector<1544x1xf32> to vector<1544x16xf32>
    %div3A_532 = arith.divf %slice3A_529, %div3A_531 : vector<1544x16xf32>
    %slice3A_533 = vector.extract_strided_slice %get3A_89 {offsets = [48, 0], sizes = [16, 128], strides = [1, 1]} : vector<128x128xf32> to vector<16x128xf32>
    %dot_general3A_534 = arith.constant dense<0.000000e+00> : vector<1544x128xf32>
    %dot_general3A_535 = tpu.matmul %div3A_532, %slice3A_533, %dot_general3A_534 {dimension_numbers = #tpu.dot_dimension_numbers<[1], [0], [0], [1], [0, 0, 1, 1], [], []>, transpose_lhs_hint = false} : vector<1544x16xf32>, vector<16x128xf32>, vector<1544x128xf32> -> vector<1544x128xf32>
    %add3A_536 = arith.addf %add3A_528, %dot_general3A_535 : vector<1544x128xf32>
    %slice3A_537 = vector.extract_strided_slice %add3A_480 {offsets = [0, 0], sizes = [1544, 16], strides = [1, 1]} : vector<1544x32xf32> to vector<1544x16xf32>
    %slice3A_538 = vector.extract_strided_slice %add3A_480 {offsets = [0, 16], sizes = [1544, 1], strides = [1, 1]} : vector<1544x32xf32> to vector<1544x1xf32>
    %div3A_539 = vector.broadcast %slice3A_538 : vector<1544x1xf32> to vector<1544x16xf32>
    %div3A_540 = arith.divf %slice3A_537, %div3A_539 : vector<1544x16xf32>
    %slice3A_541 = vector.extract_strided_slice %get3A_89 {offsets = [64, 0], sizes = [16, 128], strides = [1, 1]} : vector<128x128xf32> to vector<16x128xf32>
    %dot_general3A_542 = arith.constant dense<0.000000e+00> : vector<1544x128xf32>
    %dot_general3A_543 = tpu.matmul %div3A_540, %slice3A_541, %dot_general3A_542 {dimension_numbers = #tpu.dot_dimension_numbers<[1], [0], [0], [1], [0, 0, 1, 1], [], []>, transpose_lhs_hint = false} : vector<1544x16xf32>, vector<16x128xf32>, vector<1544x128xf32> -> vector<1544x128xf32>
    %add3A_544 = arith.addf %add3A_536, %dot_general3A_543 : vector<1544x128xf32>
    %slice3A_545 = vector.extract_strided_slice %add3A_488 {offsets = [0, 0], sizes = [1544, 16], strides = [1, 1]} : vector<1544x32xf32> to vector<1544x16xf32>
    %slice3A_546 = vector.extract_strided_slice %add3A_488 {offsets = [0, 16], sizes = [1544, 1], strides = [1, 1]} : vector<1544x32xf32> to vector<1544x1xf32>
    %div3A_547 = vector.broadcast %slice3A_546 : vector<1544x1xf32> to vector<1544x16xf32>
    %div3A_548 = arith.divf %slice3A_545, %div3A_547 : vector<1544x16xf32>
    %slice3A_549 = vector.extract_strided_slice %get3A_89 {offsets = [80, 0], sizes = [16, 128], strides = [1, 1]} : vector<128x128xf32> to vector<16x128xf32>
    %dot_general3A_550 = arith.constant dense<0.000000e+00> : vector<1544x128xf32>
    %dot_general3A_551 = tpu.matmul %div3A_548, %slice3A_549, %dot_general3A_550 {dimension_numbers = #tpu.dot_dimension_numbers<[1], [0], [0], [1], [0, 0, 1, 1], [], []>, transpose_lhs_hint = false} : vector<1544x16xf32>, vector<16x128xf32>, vector<1544x128xf32> -> vector<1544x128xf32>
    %add3A_552 = arith.addf %add3A_544, %dot_general3A_551 : vector<1544x128xf32>
    %slice3A_553 = vector.extract_strided_slice %add3A_496 {offsets = [0, 0], sizes = [1544, 16], strides = [1, 1]} : vector<1544x32xf32> to vector<1544x16xf32>
    %slice3A_554 = vector.extract_strided_slice %add3A_496 {offsets = [0, 16], sizes = [1544, 1], strides = [1, 1]} : vector<1544x32xf32> to vector<1544x1xf32>
    %div3A_555 = vector.broadcast %slice3A_554 : vector<1544x1xf32> to vector<1544x16xf32>
    %div3A_556 = arith.divf %slice3A_553, %div3A_555 : vector<1544x16xf32>
    %slice3A_557 = vector.extract_strided_slice %get3A_89 {offsets = [96, 0], sizes = [16, 128], strides = [1, 1]} : vector<128x128xf32> to vector<16x128xf32>
    %dot_general3A_558 = arith.constant dense<0.000000e+00> : vector<1544x128xf32>
    %dot_general3A_559 = tpu.matmul %div3A_556, %slice3A_557, %dot_general3A_558 {dimension_numbers = #tpu.dot_dimension_numbers<[1], [0], [0], [1], [0, 0, 1, 1], [], []>, transpose_lhs_hint = false} : vector<1544x16xf32>, vector<16x128xf32>, vector<1544x128xf32> -> vector<1544x128xf32>
    %add3A_560 = arith.addf %add3A_552, %dot_general3A_559 : vector<1544x128xf32>
    %slice3A_561 = vector.extract_strided_slice %add3A_504 {offsets = [0, 0], sizes = [1544, 16], strides = [1, 1]} : vector<1544x32xf32> to vector<1544x16xf32>
    %slice3A_562 = vector.extract_strided_slice %add3A_504 {offsets = [0, 16], sizes = [1544, 1], strides = [1, 1]} : vector<1544x32xf32> to vector<1544x1xf32>
    %div3A_563 = vector.broadcast %slice3A_562 : vector<1544x1xf32> to vector<1544x16xf32>
    %div3A_564 = arith.divf %slice3A_561, %div3A_563 : vector<1544x16xf32>
    %slice3A_565 = vector.extract_strided_slice %get3A_89 {offsets = [112, 0], sizes = [16, 128], strides = [1, 1]} : vector<128x128xf32> to vector<16x128xf32>
    %dot_general3A_566 = arith.constant dense<0.000000e+00> : vector<1544x128xf32>
    %dot_general3A_567 = tpu.matmul %div3A_564, %slice3A_565, %dot_general3A_566 {dimension_numbers = #tpu.dot_dimension_numbers<[1], [0], [0], [1], [0, 0, 1, 1], [], []>, transpose_lhs_hint = false} : vector<1544x16xf32>, vector<16x128xf32>, vector<1544x128xf32> -> vector<1544x128xf32>
    %add3A_568 = arith.addf %add3A_560, %dot_general3A_567 : vector<1544x128xf32>
    %add3A_569 = arith.addf %concatenate3A, %add3A_568 : vector<1544x128xf32>
    %add3A_570 = vector.broadcast %get3A_92 : vector<1x128xf32> to vector<1544x128xf32>
    %add3A_571 = arith.addf %add3A_569, %add3A_570 : vector<1544x128xf32>
    %reduce_sum3A_572 = arith.constant dense<0.000000e+00> : vector<1544xf32>
    %reduce_sum3A_573 = vector.multi_reduction <add>, %add3A_571, %reduce_sum3A_572 [1] : vector<1544x128xf32> to vector<1544xf32>
    %broadcast_in_dim3A_574 = vector.shape_cast %reduce_sum3A_573 : vector<1544xf32> to vector<1544x1xf32>
    %div3A_575 = arith.constant 1.280000e+02 : f32
    %div3A_576 = vector.broadcast %div3A_575 : f32 to vector<1544x1xf32>
    %div3A_577 = arith.divf %broadcast_in_dim3A_574, %div3A_576 : vector<1544x1xf32>
    %sub3A_578 = vector.broadcast %div3A_577 : vector<1544x1xf32> to vector<1544x128xf32>
    %sub3A_579 = arith.subf %add3A_571, %sub3A_578 : vector<1544x128xf32>
    %integer_pow3A_580 = arith.mulf %sub3A_579, %sub3A_579 : vector<1544x128xf32>
    %reduce_sum3A_581 = arith.constant dense<0.000000e+00> : vector<1544xf32>
    %reduce_sum3A_582 = vector.multi_reduction <add>, %integer_pow3A_580, %reduce_sum3A_581 [1] : vector<1544x128xf32> to vector<1544xf32>
    %broadcast_in_dim3A_583 = vector.shape_cast %reduce_sum3A_582 : vector<1544xf32> to vector<1544x1xf32>
    %div3A_584 = arith.constant 1.280000e+02 : f32
    %div3A_585 = vector.broadcast %div3A_584 : f32 to vector<1544x1xf32>
    %div3A_586 = arith.divf %broadcast_in_dim3A_583, %div3A_585 : vector<1544x1xf32>
    %sub3A_587 = vector.broadcast %div3A_577 : vector<1544x1xf32> to vector<1544x128xf32>
    %sub3A_588 = arith.subf %add3A_571, %sub3A_587 : vector<1544x128xf32>
    %add3A_589 = arith.constant 9.99999974E-6 : f32
    %add3A_590 = vector.broadcast %add3A_589 : f32 to vector<1544x1xf32>
    %add3A_591 = arith.addf %div3A_586, %add3A_590 : vector<1544x1xf32>
    %rsqrt3A_592 = math.rsqrt %add3A_591 : vector<1544x1xf32>
    %mul3A_593 = vector.broadcast %rsqrt3A_592 : vector<1544x1xf32> to vector<1544x128xf32>
    %mul3A_594 = arith.mulf %sub3A_588, %mul3A_593 : vector<1544x128xf32>
    %mul3A_595 = vector.broadcast %get3A_101 : vector<1x128xf32> to vector<1544x128xf32>
    %mul3A_596 = arith.mulf %mul3A_594, %mul3A_595 : vector<1544x128xf32>
    %add3A_597 = vector.broadcast %get3A_104 : vector<1x128xf32> to vector<1544x128xf32>
    %add3A_598 = arith.addf %mul3A_596, %add3A_597 : vector<1544x128xf32>
    %dot_general3A_599 = arith.constant dense<0.000000e+00> : vector<1544x512xf32>
    %dot_general3A_600 = tpu.matmul %add3A_598, %get3A_107, %dot_general3A_599 {dimension_numbers = #tpu.dot_dimension_numbers<[1], [0], [0], [1], [0, 0, 1, 1], [], []>, transpose_lhs_hint = false} : vector<1544x128xf32>, vector<128x512xf32>, vector<1544x512xf32> -> vector<1544x512xf32>
    %add3A_601 = vector.broadcast %get3A_110 : vector<1x512xf32> to vector<1544x512xf32>
    %add3A_602 = arith.addf %dot_general3A_600, %add3A_601 : vector<1544x512xf32>
    %integer_pow3A_603 = arith.mulf %add3A_602, %add3A_602 : vector<1544x512xf32>
    %integer_pow3A_604 = arith.mulf %add3A_602, %integer_pow3A_603 : vector<1544x512xf32>
    %mul3A_605 = arith.constant 4.471500e-02 : f32
    %mul3A_606 = vector.broadcast %mul3A_605 : f32 to vector<1544x512xf32>
    %mul3A_607 = arith.mulf %mul3A_606, %integer_pow3A_604 : vector<1544x512xf32>
    %add3A_608 = arith.addf %add3A_602, %mul3A_607 : vector<1544x512xf32>
    %mul3A_609 = arith.constant 0.797884583 : f32
    %mul3A_610 = vector.broadcast %mul3A_609 : f32 to vector<1544x512xf32>
    %mul3A_611 = arith.mulf %mul3A_610, %add3A_608 : vector<1544x512xf32>
    %tanh3A = math.tanh %mul3A_611 : vector<1544x512xf32>
    %add3A_612 = arith.constant 1.000000e+00 : f32
    %add3A_613 = vector.broadcast %add3A_612 : f32 to vector<1544x512xf32>
    %add3A_614 = arith.addf %add3A_613, %tanh3A : vector<1544x512xf32>
    %mul3A_615 = arith.constant 5.000000e-01 : f32
    %mul3A_616 = vector.broadcast %mul3A_615 : f32 to vector<1544x512xf32>
    %mul3A_617 = arith.mulf %mul3A_616, %add3A_614 : vector<1544x512xf32>
    %mul3A_618 = arith.mulf %add3A_602, %mul3A_617 : vector<1544x512xf32>
    %dot_general3A_619 = arith.constant dense<0.000000e+00> : vector<1544x128xf32>
    %dot_general3A_620 = tpu.matmul %mul3A_618, %get3A_113, %dot_general3A_619 {dimension_numbers = #tpu.dot_dimension_numbers<[1], [0], [0], [1], [0, 0, 1, 1], [], []>, transpose_lhs_hint = false} : vector<1544x512xf32>, vector<512x128xf32>, vector<1544x128xf32> -> vector<1544x128xf32>
    %add3A_621 = arith.addf %add3A_571, %dot_general3A_620 : vector<1544x128xf32>
    %add3A_622 = vector.broadcast %get3A_116 : vector<1x128xf32> to vector<1544x128xf32>
    %add3A_623 = arith.addf %add3A_621, %add3A_622 : vector<1544x128xf32>
    %swap3A = arith.constant 0 : index
    %swap3A_624 = arith.constant 0 : index
    %swap3A_625 = arith.constant 0 : index
    %swap3A_626 = vector.load %arg31[%swap3A, %swap3A_624, %swap3A_625] : memref<1x1544x128xf32, #tpu.memory_space<vmem>>, vector<1x1544x128xf32>
    %swap3A_627 = vector.shape_cast %swap3A_626 : vector<1x1544x128xf32> to vector<1544x128xf32>
    %swap3A_628 = vector.shape_cast %add3A_623 : vector<1544x128xf32> to vector<1x1544x128xf32>
    tpu.vector_store %arg31[%swap3A, %swap3A_624, %swap3A_625], %swap3A_628 {strides = array<i32>} : memref<1x1544x128xf32, #tpu.memory_space<vmem>>, vector<1x1544x128xf32>,
    return
  }
  func.func @transform_0(%arg0: i32) -> (i32, i32, i32) {
    %c0_i32 = arith.constant 0 : i32
    %c0_i32_0 = arith.constant 0 : i32
    %c0_i32_1 = arith.constant 0 : i32
    return %arg0, %c0_i32, %c0_i32_0 : i32, i32, i32
  }
  func.func @transform_1(%arg0: i32) -> (i32, i32, i32) {
    %c0_i32 = arith.constant 0 : i32
    %c0_i32_0 = arith.constant 0 : i32
    %c0_i32_1 = arith.constant 0 : i32
    return %arg0, %c0_i32, %c0_i32_0 : i32, i32, i32
  }
  func.func @transform_2(%arg0: i32) -> (i32, i32, i32) {
    %c0_i32 = arith.constant 0 : i32
    %c0_i32_0 = arith.constant 0 : i32
    %c0_i32_1 = arith.constant 0 : i32
    return %arg0, %c0_i32, %c0_i32_0 : i32, i32, i32
  }
  func.func @transform_3(%arg0: i32) -> (i32, i32, i32) {
    %c0_i32 = arith.constant 0 : i32
    %c0_i32_0 = arith.constant 0 : i32
    %c0_i32_1 = arith.constant 0 : i32
    return %arg0, %c0_i32, %c0_i32_0 : i32, i32, i32
  }
  func.func @transform_4(%arg0: i32) -> (i32, i32, i32) {
    %c0_i32 = arith.constant 0 : i32
    %c0_i32_0 = arith.constant 0 : i32
    %c0_i32_1 = arith.constant 0 : i32
    return %arg0, %c0_i32, %c0_i32_0 : i32, i32, i32
  }
  func.func @transform_5(%arg0: i32) -> (i32, i32, i32) {
    %c0_i32 = arith.constant 0 : i32
    %c0_i32_0 = arith.constant 0 : i32
    %c0_i32_1 = arith.constant 0 : i32
    return %arg0, %c0_i32, %c0_i32_0 : i32, i32, i32
  }
  func.func @transform_6(%arg0: i32) -> (i32, i32, i32) {
    %c0_i32 = arith.constant 0 : i32
    %c0_i32_0 = arith.constant 0 : i32
    %c0_i32_1 = arith.constant 0 : i32
    return %arg0, %c0_i32, %c0_i32_0 : i32, i32, i32
  }
  func.func @transform_7(%arg0: i32) -> (i32, i32) {
    %c0_i32 = arith.constant 0 : i32
    %c0_i32_0 = arith.constant 0 : i32
    %c0_i32_1 = arith.constant 0 : i32
    return %c0_i32, %c0_i32_0 : i32, i32
  }
  func.func @transform_8(%arg0: i32) -> (i32, i32) {
    %c0_i32 = arith.constant 0 : i32
    %c0_i32_0 = arith.constant 0 : i32
    %c0_i32_1 = arith.constant 0 : i32
    return %c0_i32, %c0_i32_0 : i32, i32
  }
  func.func @transform_9(%arg0: i32) -> (i32, i32) {
    %c0_i32 = arith.constant 0 : i32
    %c0_i32_0 = arith.constant 0 : i32
    %c0_i32_1 = arith.constant 0 : i32
    return %c0_i32, %c0_i32_0 : i32, i32
  }
  func.func @transform_10(%arg0: i32) -> (i32, i32) {
    %c0_i32 = arith.constant 0 : i32
    %c0_i32_0 = arith.constant 0 : i32
    %c0_i32_1 = arith.constant 0 : i32
    return %c0_i32, %c0_i32_0 : i32, i32
  }
  func.func @transform_11(%arg0: i32) -> (i32, i32) {
    %c0_i32 = arith.constant 0 : i32
    %c0_i32_0 = arith.constant 0 : i32
    %c0_i32_1 = arith.constant 0 : i32
    return %c0_i32, %c0_i32_0 : i32, i32
  }
  func.func @transform_12(%arg0: i32) -> (i32, i32) {
    %c0_i32 = arith.constant 0 : i32
    %c0_i32_0 = arith.constant 0 : i32
    %c0_i32_1 = arith.constant 0 : i32
    return %c0_i32, %c0_i32_0 : i32, i32
  }
  func.func @transform_13(%arg0: i32) -> (i32, i32) {
    %c0_i32 = arith.constant 0 : i32
    %c0_i32_0 = arith.constant 0 : i32
    %c0_i32_1 = arith.constant 0 : i32
    return %c0_i32, %c0_i32_0 : i32, i32
  }
  func.func @transform_14(%arg0: i32) -> (i32, i32) {
    %c0_i32 = arith.constant 0 : i32
    %c0_i32_0 = arith.constant 0 : i32
    %c0_i32_1 = arith.constant 0 : i32
    return %c0_i32, %c0_i32_0 : i32, i32
  }
  func.func @transform_15(%arg0: i32) -> (i32, i32) {
    %c0_i32 = arith.constant 0 : i32
    %c0_i32_0 = arith.constant 0 : i32
    %c0_i32_1 = arith.constant 0 : i32
    return %c0_i32, %c0_i32_0 : i32, i32
  }
  func.func @transform_16(%arg0: i32) -> (i32, i32) {
    %c0_i32 = arith.constant 0 : i32
    %c0_i32_0 = arith.constant 0 : i32
    %c0_i32_1 = arith.constant 0 : i32
    return %c0_i32, %c0_i32_0 : i32, i32
  }
  func.func @transform_17(%arg0: i32) -> (i32, i32) {
    %c0_i32 = arith.constant 0 : i32
    %c0_i32_0 = arith.constant 0 : i32
    %c0_i32_1 = arith.constant 0 : i32
    return %c0_i32, %c0_i32_0 : i32, i32
  }
  func.func @transform_18(%arg0: i32) -> (i32, i32) {
    %c0_i32 = arith.constant 0 : i32
    %c0_i32_0 = arith.constant 0 : i32
    %c0_i32_1 = arith.constant 0 : i32
    return %c0_i32, %c0_i32_0 : i32, i32
  }
  func.func @transform_19(%arg0: i32) -> (i32, i32) {
    %c0_i32 = arith.constant 0 : i32
    %c0_i32_0 = arith.constant 0 : i32
    %c0_i32_1 = arith.constant 0 : i32
    return %c0_i32, %c0_i32_0 : i32, i32
  }
  func.func @transform_20(%arg0: i32) -> (i32, i32) {
    %c0_i32 = arith.constant 0 : i32
    %c0_i32_0 = arith.constant 0 : i32
    %c0_i32_1 = arith.constant 0 : i32
    return %c0_i32, %c0_i32_0 : i32, i32
  }
  func.func @transform_21(%arg0: i32) -> (i32, i32) {
    %c0_i32 = arith.constant 0 : i32
    %c0_i32_0 = arith.constant 0 : i32
    %c0_i32_1 = arith.constant 0 : i32
    return %c0_i32, %c0_i32_0 : i32, i32
  }
  func.func @transform_22(%arg0: i32) -> (i32, i32) {
    %c0_i32 = arith.constant 0 : i32
    %c0_i32_0 = arith.constant 0 : i32
    %c0_i32_1 = arith.constant 0 : i32
    return %c0_i32, %c0_i32_0 : i32, i32
  }
  func.func @transform_23(%arg0: i32) -> (i32, i32) {
    %c0_i32 = arith.constant 0 : i32
    %c0_i32_0 = arith.constant 0 : i32
    %c0_i32_1 = arith.constant 0 : i32
    return %c0_i32, %c0_i32_0 : i32, i32
  }
  func.func @transform_24(%arg0: i32) -> (i32, i32) {
    %c0_i32 = arith.constant 0 : i32
    %c0_i32_0 = arith.constant 0 : i32
    %c0_i32_1 = arith.constant 0 : i32
    return %c0_i32, %c0_i32_0 : i32, i32
  }
  func.func @transform_25(%arg0: i32) -> (i32, i32) {
    %c0_i32 = arith.constant 0 : i32
    %c0_i32_0 = arith.constant 0 : i32
    %c0_i32_1 = arith.constant 0 : i32
    return %c0_i32, %c0_i32_0 : i32, i32
  }
  func.func @transform_26(%arg0: i32) -> (i32, i32) {
    %c0_i32 = arith.constant 0 : i32
    %c0_i32_0 = arith.constant 0 : i32
    %c0_i32_1 = arith.constant 0 : i32
    return %c0_i32, %c0_i32_0 : i32, i32
  }
  func.func @transform_27(%arg0: i32) -> (i32, i32) {
    %c0_i32 = arith.constant 0 : i32
    %c0_i32_0 = arith.constant 0 : i32
    %c0_i32_1 = arith.constant 0 : i32
    return %c0_i32, %c0_i32_0 : i32, i32
  }
  func.func @transform_28(%arg0: i32) -> (i32, i32) {
    %c0_i32 = arith.constant 0 : i32
    %c0_i32_0 = arith.constant 0 : i32
    %c0_i32_1 = arith.constant 0 : i32
    return %c0_i32, %c0_i32_0 : i32, i32
  }
  func.func @transform_29(%arg0: i32) -> (i32, i32) {
    %c0_i32 = arith.constant 0 : i32
    %c0_i32_0 = arith.constant 0 : i32
    %c0_i32_1 = arith.constant 0 : i32
    return %c0_i32, %c0_i32_0 : i32, i32
  }
  func.func @transform_30(%arg0: i32) -> (i32, i32, i32) {
    %c0_i32 = arith.constant 0 : i32
    %c0_i32_0 = arith.constant 0 : i32
    %c0_i32_1 = arith.constant 0 : i32
    return %arg0, %c0_i32, %c0_i32_0 : i32, i32, i32
  }
}

</mosaic_0001>

<sc_bundles>
// kernel: kernel.5.cloned.1.call-start
scs
__scs_entry_jumppad:
0x0: {  	(pc) =	sbr.rel $0x88, $3  }
0x1: {  	(tag) =	ssettag $0x0;
	lr =	simm.s32 $0x1  }
0x2: {  	[smem:$0x3F85] =	sst lr;
	_ =	strace $0xD0000000  }
0x3: {  	_ = 	snop  }
0x4: {  	_ = 	snop  }
0x5: {  	_ = 	snop  }
0x6: {  	_ = 	snop  }
0x7: {  	_ = 	snop  }
__scs_overlays_trampoline_lowered:
0x8: {  	[smem:$0x3F94] =	sst s0  }
0x9: {  	[smem:$0x3F95] =	sst s1  }
0xa: {  	[smem:$0x3F96] =	sst s2  }
0xb: {  	[smem:$0x3F97] =	sst s3  }
0xc: {  	[smem:$0x3F98] =	sst s4  }
0xd: {  	[smem:$0x3F99] =	sst s5  }
0xe: {  	[smem:$0x3F9A] =	sst s6  }
0xf: {  	[smem:$0x3F9B] =	sst s7  }
0x10: {  	[smem:$0x3F9C] =	sst s8  }
0x11: {  	[smem:$0x3F9D] =	sst s9;
	s0 =	simm.s32 @!p0 $0x0  }
0x12: {  	s1 =	sld [smem:$0x3F83];
	s0 =	simm.s32 @p0 $0x1  }
0x13: {  	[smem:$0x3F9E] =	sst s0;
	s0 =	simm.s32 @!p1 $0x0  }
0x14: {  	s2 =	sld [smem:$0x3F82];
	s0 =	simm.s32 @p1 $0x1  }
0x15: {  	[smem:$0x3F9F] =	sst s0;
	s0 =	simm.s32 @!p2 $0x0  }
0x16: {  	s3 =	sld [smem:$0x3FDB];
	s0 =	simm.s32 @p2 $0x1  }
0x17: {  	s4 =	simm.s32 $0x1BF5;
	[smem:$0x3FA1] =	sst s0  }
0x18: {  	s0 =	sld [smem:$0x3F84];
	_ =	swait.ge [sflag:s4], $0x0  }
0x19: {  	s7 =	sld [smem:$0x3F85]  }
0x1a: {  	s8 =	sadd.s32 $0xFFFFE003, lr  }
0x1b: {  	s9 =	sadd.s32 $0xFFFFFEF7, lr;
	s5 =	simm.s32 $0xFFFFFFFF;
	p2 =	slt.u32 s8, $0xFFFFF086  }
0x1c: {  	p1 =	slt.u32 s9, $0xF7A;
	s5 =	simm.s32 @!p2 $0x0  }
0x1d: {  	s5 =	simm.s32 @p1 $0x1;
	p0 =	seq.s32 s7, s2  }
0x1e: {  	s7 =	smul.u32 @!p0 $0xF7A, s2;
	p2 =	seq.s32 @!p0 s5, $0x0  }
0x1f: {  	s9 =	smul.u32 $0xF7A, s1;
	s8 =	simm.s32 @!p0 $0x1BF5;
	p2 =	por !p2, p0  }
0x20: {  	[sflag:s8] =	ssyncset.s32 @!p0 $0xFFFFF086;
	s6 =	sadd.s32 @!p0 s3, s7;
	s7 =	simm.s32 @!p0 $0x108  }
0x21: {  	s3 =	sadd.s32 s3, s9;
	s6 =	sadd.s32 @!p0 $0x88, s6;
	s7 =	simm.s32 @p2 $0x1082  }
0x22: {  	[simem:s7], [sflag:s8] =	dma.local @!p0 [hbm:s6], $0xF7A  }
0x23: {  	s9 =	sor.u32 $0xD0000000, s2;
	s6 =	simm.s32 $0x108;
	_ =	swait.ge @!p0 [sflag:s8], $0x0  }
0x24: {  	s3 =	sadd.s32 $0x88, s3;
	s6 =	simm.s32 @!p1 $0x1082;
	[sflag:s4] =	ssyncset.s32 $0xFFFFF086  }
0x25: {  	[simem:s6], [sflag:s4] =	dma.local [hbm:s3], $0xF7A  }
0x26: {  	[smem:$0x3F85] =	sst s1;
	(tag) =	ssettag s2;
	_ =	strace s9  }
0x27: {  	s1 =	sld [smem:$0x3F95]  }
0x28: {  	s2 =	sld [smem:$0x3F96]  }
0x29: {  	s4 =	sld [smem:$0x3F98]  }
0x2a: {  	p0 =	seq.s32 s5, $0x0;
	s5 =	sld [smem:$0x3F99]  }
0x2b: {  	s6 =	sld [smem:$0x3F9A]  }
0x2c: {  	s7 =	sld [smem:$0x3F9B]  }
0x2d: {  	s3 =	simm.s32 $0x108;
	s8 =	sld [smem:$0x3F9C]  }
0x2e: {  	s3 =	simm.s32 @!p0 $0x1082;
	s9 =	sld [smem:$0x3F9D]  }
0x2f: {  	lr =	sadd.s32 s0, s3;
	s0 =	sld [smem:$0x3F94]  }
0x30: {  	s3 =	sld [smem:$0x3F97]  }
0x31: {  	[smem:$0x3FA0] =	sst s10  }
0x32: {  	s10 =	sld [smem:$0x3F9E];
	_ =	sdelay $0x3  }
0x33: {  	p0 =	seq.s32 s10, $0x1;
	s10 =	sld [smem:$0x3FA0];
	_ =	sdelay $0x3  }
0x34: {  	[smem:$0x3FA0] =	sst s10  }
0x35: {  	s10 =	sld [smem:$0x3F9F];
	_ =	sdelay $0x3  }
0x36: {  	p1 =	seq.s32 s10, $0x1;
	s10 =	sld [smem:$0x3FA0];
	_ =	sdelay $0x3  }
0x37: {  	[smem:$0x3FA0] =	sst s10  }
0x38: {  	s10 =	sld [smem:$0x3FA1]  }
0x39: {  	_ = 	snop;
	(pc) =	sbr.ind lr, $3  }
0x3a: {  	_ = 	snop  }
0x3b: {  	_ = 	snop  }
0x3c: {  	p2 =	seq.s32 s10, $0x1;
	s10 =	sld [smem:$0x3FA0]  }
0x3d: {  	_ =	shalt  }
0x3e: {  	_ =	shalt  }
0x3f: {  	_ =	shalt  }
0x40: {  	_ =	shalt  }
0x41: {  	_ =	shalt  }
0x42: {  	_ =	shalt  }
0x43: {  	_ =	shalt  }
0x44: {  	_ =	shalt  }
0x45: {  	_ =	shalt  }
0x46: {  	_ =	shalt  }
0x47: {  	_ =	shalt  }
0x48: {  	_ =	shalt  }
0x49: {  	_ =	shalt  }
0x4a: {  	_ =	shalt  }
0x4b: {  	_ =	shalt  }
0x4c: {  	_ =	shalt  }
0x4d: {  	_ =	shalt  }
0x4e: {  	_ =	shalt  }
0x4f: {  	_ =	shalt  }
0x50: {  	_ =	shalt  }
0x51: {  	_ =	shalt  }
0x52: {  	_ =	shalt  }
0x53: {  	_ =	shalt  }
0x54: {  	_ =	shalt  }
0x55: {  	_ =	shalt  }
0x56: {  	_ =	shalt  }
0x57: {  	_ =	shalt  }
0x58: {  	_ =	shalt  }
0x59: {  	_ =	shalt  }
0x5a: {  	_ =	shalt  }
0x5b: {  	_ =	shalt  }
0x5c: {  	_ =	shalt  }
0x5d: {  	_ =	shalt  }
0x5e: {  	_ =	shalt  }
0x5f: {  	_ =	shalt  }
0x60: {  	_ =	shalt  }
0x61: {  	_ =	shalt  }
0x62: {  	_ =	shalt  }
0x63: {  	_ =	shalt  }
0x64: {  	_ =	shalt  }
0x65: {  	_ =	shalt  }
0x66: {  	_ =	shalt  }
0x67: {  	_ =	shalt  }
0x68: {  	_ =	shalt  }
0x69: {  	_ =	shalt  }
0x6a: {  	_ =	shalt  }
0x6b: {  	_ =	shalt  }
0x6c: {  	_ =	shalt  }
0x6d: {  	_ =	shalt  }
0x6e: {  	_ =	shalt  }
0x6f: {  	_ =	shalt  }
0x70: {  	_ =	shalt  }
0x71: {  	_ =	shalt  }
0x72: {  	_ =	shalt  }
0x73: {  	_ =	shalt  }
0x74: {  	_ =	shalt  }
0x75: {  	_ =	shalt  }
0x76: {  	_ =	shalt  }
0x77: {  	_ =	shalt  }
0x78: {  	_ =	shalt  }
0x79: {  	_ =	shalt  }
0x7a: {  	_ =	shalt  }
0x7b: {  	_ =	shalt  }
0x7c: {  	_ =	shalt  }
0x7d: {  	_ =	shalt  }
0x7e: {  	_ =	shalt  }
0x7f: {  	_ =	shalt  }
0x80: {  	_ =	shalt  }
0x81: {  	_ =	shalt  }
0x82: {  	_ =	shalt  }
0x83: {  	_ =	shalt  }
0x84: {  	_ =	shalt  }
0x85: {  	_ =	shalt  }
0x86: {  	_ =	shalt  }
0x87: {  	_ =	shalt  }
.Lfunc_end0:
.L_simem_size_0:
called_computation_lowered:
.L_overlay_start_0:
0x88: {  	s2 =	sld [smem:$0x3FD9]  }
0x89: {  	s3 =	sld [smem:$0x3FFE];
	_ =	sdelay $0x1  }
0x8a: {  	s1 =	srdreg.scid  }
0x8b: {  	s0 =	sand.u32 $0x1, s1  }
0x8c: {  	s14 =	sshll.u32 s0, $0xA;
	s2 =	sadd.s32 s3, s2  }
0x8d: {  	s2 =	sadd.s32 s2, s14  }
0x8e: {  	[smem:$0x3FAC] =	sst s2  }
0x8f: {  	_ = 	snop  }
0x90: {  	s2 =	sld [smem:$0x3FC9]  }
0x91: {  	s15 =	sld [smem:$0x3FD0]  }
0x92: {  	s4 =	sld [smem:$0x3FC7]  }
0x93: {  	s5 =	sld [smem:$0x3FC5]  }
0x94: {  	s7 =	simm.s32 $0xA;
	s8 =	simm.s32 $0x10;
	s6 =	sld [smem:$0x3FC4]  }
0x95: {  	[smem:s8], [sflag:s7] =	dma.local [hbm:s15], $0x1  }
0x96: {  	_ =	swait.eq [sflag:s7], $0x1  }
0x97: {  	[sflag:s7] =	ssyncset.done $0x0  }
0x98: {  	[sflag:s7] =	ssyncadd.s32 $0xFFFFFFFF  }
0x99: {  	s16 =	sld [smem:$0x10];
	(tm) =	ssettm $0x1  }
0x9a: {  	s17 =	sld [smem:$0x3FFB];
	_ =	sdelay $0x3  }
0x9b: {  	_ =	strace s17  }
0x9c: {  	s7 =	sld [smem:$0x3FFC];
	_ =	sdelay $0x3  }
0x9d: {  	_ =	strace s7  }
0x9e: {  	s7 =	sld [smem:$0x3FFD];
	_ =	sdelay $0x3  }
0x9f: {  	_ =	strace s7  }
0xa0: {  	_ =	strace $0x8FFFFFFF  }
0xa1: {  	s18 =	sld [smem:$0x3FDB];
	_ =	sdelay $0x1  }
0xa2: {  	s19 =	simm.s32 $_scs_section_size  }
0xa3: {  	s9 =	simm.s32 $_size__tile_overlayer_lowered;
	s10 =	simm.s32 $_tile_overlayer_lowered  }
0xa4: {  	s22 =	simm.s32 $0x1BFF;
	s21 =	sshll.u32 s10, $0x1;
	s7 =	sadd.s32 s19, s18  }
0xa5: {  	s11 =	simm.s32 $0x0;
	s20 =	sshll.u32 s9, $0x1;
	s9 =	sadd.s32 s21, s7  }
0xa6: {  	[timem:s11], [sflag:s22] =	dma.local [hbm:s9], s20  }
0xa7: {  	_ =	swait.ge [sflag:s22], s20  }
0xa8: {  	s8 =	ssub.s32 $0x0, s20;
	[sflag:s22] =	ssyncset.done $0x0  }
0xa9: {  	[sflag:s22] =	ssyncadd.s32 s8;
	_ =	sdelay $0x1  }
0xaa: {  	s23 =	simm.s32 $0x1B8B  }
0xab: {  	_ =	swait.ge [sflag:s23], $0x1  }
0xac: {  	[sflag:s23] =	ssyncset.done $0x0  }
0xad: {  	s25 =	simm.s32 $0x1B8E;
	s24 =	sld [smem:$0x3FFE];
	[sflag:s23] =	ssyncadd.s32 $0xFFFFFFFF  }
0xae: {  	s26 =	simm.s32 $execute0_lowered;
	[smem:$0x3FD2] =	sst s25  }
0xaf: {  	s9 =	sshll.u32 s26, $0x1;
	_ =	strace $0x80000046;
	[dreg:$0x1] =	wrdreg $0xFFFFFFFF  }
0xb0: {  	s28 =	simm.s32 $_size_execute0_lowered;
	s7 =	sadd.s32 s7, s9;
	[dreg:$0x0] =	wrdreg $0x0  }
0xb1: {  	s9 =	sshll.u32 s28, $0x1;
	[dreg:$0x2] =	wrdreg s7  }
0xb2: {  	[dreg:$0x3] =	wrdreg s9  }
0xb3: {  	[dreg:$0x4] =	wrdreg $0xC0  }
0xb4: {  	_ =	task [dreg:s11], $0x5FFFF  }
0xb5: {  	[dreg:$0x1] =	wrdreg $0xFFFFFFFF  }
0xb6: {  	[dreg:$0x0] =	wrdreg $0x60  }
0xb7: {  	[dreg:$0x2] =	wrdreg s5  }
0xb8: {  	[dreg:$0x3] =	wrdreg s2  }
0xb9: {  	[dreg:$0x4] =	wrdreg s6  }
0xba: {  	[dreg:$0x5] =	wrdreg s4  }
0xbb: {  	[dreg:$0x6] =	wrdreg s24  }
0xbc: {  	[dreg:$0x7] =	wrdreg s16  }
0xbd: {  	[dreg:$0x8] =	wrdreg $0x9  }
0xbe: {  	_ =	task.clear_ibuf [dreg:s11], $0x9FFFF;
	_ =	strace $0x90000046  }
0xbf: {  	s29 =	simm.s32 $0x9;
	_ =	strace $0x80000048  }
0xc0: {  	_ =	swait.ge [sflag:s29], $0x1  }
0xc1: {  	[sflag:s29] =	ssyncadd.s32 $0xFFFFFFFF  }
0xc2: {  	_ =	strace $0x90000048  }
0xc3: {  	_ =	sfence  }
0xc4: {  	s30 =	sld [smem:$0x0];
	_ =	sdelay $0x2  }
0xc5: {  	s31 =	sshll.u32 s1, $0xD;
	s1 =	sshrl.u32 s1, $0x2  }
0xc6: {  	s3 =	sand.u32 $0x4000, s31;
	s1 =	sadd.s32 s1, s30  }
0xc7: {  	s0 =	sor.u32 s3, s0;
	s1 =	sshll.u32 s1, $0x11  }
0xc8: {  	s0 =	sor.u32 s1, s0  }
0xc9: {  	s0 =	sadd.s32 $0x8F2B, s0  }
0xca: {  	[sflag:s0] =	ssyncadd.remote.s32 $0x1  }
0xcb: {  	_ =	sfence.sel $0xFFFF  }
0xcc: {  	[dreg:$0x0] =	wrdreg $0xFFFFFFFF;
	(pc) =	sbr.abs _section_cstart, $3  }
0xcd: {  	[dreg:$0x1] =	wrdreg $0xFFFFFFFF  }
0xce: {  	_ =	task.clear_ibuf [dreg:s11], $0x2FFFF;
	_ =	strace $0x9FFFFFFF  }
0xcf: {  	(tm) =	ssettm $0x7FFFFFFF  }
tec
execute0_lowered:
.L_overlay_start_1:
0x0: {  	(tag) =	ssettag $0x1  }
0x1: {  	s0 =	rddreg [dreg:$0x0]  }
0x2: {  	s4 =	rddreg [dreg:$0x1]  }
0x3: {  	s3 =	rddreg [dreg:$0x2]  }
0x4: {  	s5 =	rddreg [dreg:$0x3]  }
0x5: {  	s23 =	rddreg [dreg:$0x4]  }
0x6: {  	s6 =	srdreg.scid;
	s1 =	stileid.u32  }
0x7: {  	[dreg:$0x7] =	wrdreg s0;
	s26 =	sand.u32 $0x1, s6;
	s15 =	sshll.u32 s1, $0x1  }
0x8: {  	s2 =	simm.s32 $0x0;
	s0 =	rddreg [dreg:$0x5];
	s24 =	sor.u32 s26, s15  }
0x9: {  	[smem:$0x7FF] =	sst s2;
	s8 =	sadd.s32 $0x4800, s23;
	s6 =	sshll.u32 s24, $0x4  }
0xa: {  	_ =	strace $0x80000047;
	s10 =	sshll.u32 s24, $0x5;
	s4 =	sadd.s32 s4, s6  }
0xb: {  	s7 =	sshll.u32 s24, $0x8;
	s16 =	sadd.s32 s5, s10;
	[dreg:$0x8] =	wrdreg s4  }
0xc: {  	s25 =	sor.u32 $0x80, s7;
	s19 =	sadd.s32 s8, s10;
	[dreg:$0x9] =	wrdreg s16  }
0xd: {  	s12 =	sshrl.u32 s25, $0x3;
	[dreg:$0xb] =	wrdreg s19  }
0xe: {  	s17 =	sadd.s32 s5, s12;
	s18 =	rddreg [dreg:$0x8]  }
0xf: {  	s4 =	simm.s32 $0x3;
	[dreg:$0xa] =	wrdreg s17  }
0x10: {  	[tilespmem:s2], [sflag:$0x3] =	stream.linear.gather [hbm4b:s18+s2], $0x80, $0x38;
	[tilespmem:$0x1C380] =	vst v63  }
0x11: {  	_ =	swait.ge [sflag:s4], $0x80  }
0x12: {  	[sflag:s4] =	ssyncset.done $0x0  }
0x13: {  	s5 =	simm.s32 $0x80;
	s20 =	rddreg [dreg:$0x9];
	[sflag:s4] =	ssyncadd.s32 $0xFFFFFF80  }
0x14: {  	[tilespmem:s5], [sflag:$0x3] =	stream.linear.gather [hbm4b:s20+s2], $0x80, $0x38;
	[tilespmem:$0x1C380] =	vst v63  }
0x15: {  	_ =	swait.ge [sflag:s4], $0x80  }
0x16: {  	[sflag:s4] =	ssyncset.done $0x0  }
0x17: {  	s6 =	simm.s32 $0x100;
	s21 =	rddreg [dreg:$0xa];
	[sflag:s4] =	ssyncadd.s32 $0xFFFFFF80  }
0x18: {  	[tilespmem:s6], [sflag:$0x3] =	stream.linear.gather [hbm4b:s21+s2], $0x80, $0x38;
	[tilespmem:$0x1C380] =	vst v63  }
0x19: {  	_ =	swait.ge [sflag:s4], $0x80  }
0x1a: {  	[sflag:s4] =	ssyncset.done $0x0  }
0x1b: {  	s7 =	simm.s32 $0x180;
	s9 =	rddreg [dreg:$0xb];
	[sflag:s4] =	ssyncadd.s32 $0xFFFFFF80  }
0x1c: {  	[tilespmem:s7], [sflag:$0x3] =	stream.linear.gather [hbm4b:s9+s2], $0x80, $0x38;
	[tilespmem:$0x1C380] =	vst v63  }
0x1d: {  	_ =	swait.ge [sflag:s4], $0x80  }
0x1e: {  	[sflag:s4] =	ssyncset.done $0x0  }
0x1f: {  	[sflag:s4] =	ssyncadd.s32 $0xFFFFFF80  }
0x20: {  	v1 =	vld [tilespmem:$0x1D0]  }
0x21: {  	v2 =	vld [tilespmem:$0x190]  }
0x22: {  	s22 =	sshll.u32 s1, $0x8;
	v3 =	vld [tilespmem:$0x1B0]  }
0x23: {  	s9 =	sand.u32 $0xE00, s22;
	v4 =	vld [tilespmem:$0x180]  }
0x24: {  	v0 =	vmov s9;
	v5 =	vld [tilespmem:$0x1A0]  }
0x25: {  	v6 =	vld [tilespmem:$0x1F0];
	v1 =	vadd.s32 v0, v1  }
0x26: {  	v7 =	vld [tilespmem:$0x1C0];
	[tilespmem:$0x1D0] =	vst v1;
	v1 =	vadd.s32 v0, v2  }
0x27: {  	v2 =	vld [tilespmem:$0x1E0];
	[tilespmem:$0x190] =	vst v1;
	v1 =	vadd.s32 v0, v3  }
0x28: {  	v3 =	vadd.s32 v0, v4;
	[tilespmem:$0x1B0] =	vst v1  }
0x29: {  	v1 =	vadd.s32 v0, v5;
	[tilespmem:$0x180] =	vst v3  }
0x2a: {  	[tilespmem:$0x1A0] =	vst v1;
	v1 =	vadd.s32 v0, v6  }
0x2b: {  	[tilespmem:$0x1F0] =	vst v1;
	v1 =	vadd.s32 v0, v7  }
0x2c: {  	v2 =	vadd.s32 v0, v2;
	[tilespmem:$0x1C0] =	vst v1  }
0x2d: {  	s8 =	sadd.s32 s8, s12;
	s9 =	simm.s32 $0x200;
	[tilespmem:$0x1E0] =	vst v2  }
0x2e: {  	[tilespmem:s9], [sflag:$0x3] =	stream.linear.gather [hbm4b:s8+s2], $0x80, $0x38;
	[tilespmem:$0x1C380] =	vst v63  }
0x2f: {  	_ =	swait.ge [sflag:s4], $0x80  }
0x30: {  	[sflag:s4] =	ssyncset.done $0x0  }
0x31: {  	[sflag:s4] =	ssyncadd.s32 $0xFFFFFF80  }
0x32: {  	v1 =	vld [tilespmem:$0x210]  }
0x33: {  	v2 =	vld [tilespmem:$0x220]  }
0x34: {  	v3 =	vld [tilespmem:$0x230]  }
0x35: {  	v53 =	vld [tilespmem:$0x240]  }
0x36: {  	v54 =	vld [tilespmem:$0x250]  }
0x37: {  	v55 =	vld [tilespmem:$0x260];
	v1 =	vadd.s32 v0, v1  }
0x38: {  	[tilespmem:$0x210] =	vst v1;
	v1 =	vadd.s32 v0, v2;
	v2 =	vld [tilespmem:$0x270]  }
0x39: {  	v56 =	vld [tilespmem:$0x200];
	[tilespmem:$0x220] =	vst v1;
	v1 =	vadd.s32 v0, v3  }
0x3a: {  	[tilespmem:$0x230] =	vst v1;
	v1 =	vadd.s32 v0, v53  }
0x3b: {  	[tilespmem:$0x240] =	vst v1;
	v1 =	vadd.s32 v0, v54  }
0x3c: {  	[tilespmem:$0x250] =	vst v1;
	v1 =	vadd.s32 v0, v55  }
0x3d: {  	[tilespmem:$0x260] =	vst v1;
	v1 =	vadd.s32 v0, v2  }
0x3e: {  	s13 =	sadd.s32 $0x4400, s23;
	v2 =	vadd.s32 v0, v56;
	[tilespmem:$0x270] =	vst v1  }
0x3f: {  	s11 =	simm.s32 $0x280;
	s10 =	sadd.s32 s13, s10;
	[tilespmem:$0x200] =	vst v2  }
0x40: {  	[tilespmem:s11], [sflag:$0x3] =	stream.linear.gather [hbm4b:s10+s2], $0x80, $0x38;
	[tilespmem:$0x1C380] =	vst v63  }
0x41: {  	_ =	swait.ge [sflag:s4], $0x80  }
0x42: {  	[sflag:s4] =	ssyncset.done $0x0  }
0x43: {  	[sflag:s4] =	ssyncadd.s32 $0xFFFFFF80  }
0x44: {  	v1 =	vld [tilespmem:$0x2C0]  }
0x45: {  	v2 =	vld [tilespmem:$0x2E0]  }
0x46: {  	v3 =	vld [tilespmem:$0x2B0]  }
0x47: {  	v58 =	vld [tilespmem:$0x280]  }
0x48: {  	v57 =	vld [tilespmem:$0x2F0]  }
0x49: {  	v59 =	vld [tilespmem:$0x2A0];
	v1 =	vadd.s32 v0, v1  }
0x4a: {  	v60 =	vld [tilespmem:$0x2D0];
	[tilespmem:$0x2C0] =	vst v1;
	v1 =	vadd.s32 v0, v2  }
0x4b: {  	v2 =	vld [tilespmem:$0x290];
	[tilespmem:$0x2E0] =	vst v1;
	v1 =	vadd.s32 v0, v3  }
0x4c: {  	v3 =	vadd.s32 v0, v58;
	[tilespmem:$0x2B0] =	vst v1  }
0x4d: {  	v1 =	vadd.s32 v0, v57;
	[tilespmem:$0x280] =	vst v3  }
0x4e: {  	[tilespmem:$0x2F0] =	vst v1;
	v1 =	vadd.s32 v0, v59  }
0x4f: {  	[tilespmem:$0x2A0] =	vst v1;
	v1 =	vadd.s32 v0, v60  }
0x50: {  	v2 =	vadd.s32 v0, v2;
	[tilespmem:$0x2D0] =	vst v1  }
0x51: {  	s12 =	sadd.s32 s13, s12;
	s13 =	simm.s32 $0x300;
	[tilespmem:$0x290] =	vst v2  }
0x52: {  	[tilespmem:s13], [sflag:$0x3] =	stream.linear.gather [hbm4b:s12+s2], $0x80, $0x38;
	[tilespmem:$0x1C380] =	vst v63  }
0x53: {  	_ =	swait.ge [sflag:s4], $0x80  }
0x54: {  	[sflag:s4] =	ssyncset.done $0x0  }
0x55: {  	[sflag:s4] =	ssyncadd.s32 $0xFFFFFF80  }
0x56: {  	v1 =	vld [tilespmem:$0x360]  }
0x57: {  	v2 =	vld [tilespmem:$0x310]  }
0x58: {  	v3 =	vld [tilespmem:$0x300]  }
0x59: {  	v61 =	vld [tilespmem:$0x320]  }
0x5a: {  	v62 =	vld [tilespmem:$0x340]  }
0x5b: {  	v63 =	vld [tilespmem:$0x350];
	v1 =	vadd.s32 v0, v1  }
0x5c: {  	v2 =	vadd.s32 v0, v2;
	[tilespmem:$0x360] =	vst v1;
	v1 =	vld [tilespmem:$0x370]  }
0x5d: {  	v3 =	vadd.s32 v0, v3;
	[tilespmem:$0x310] =	vst v2;
	v2 =	vld [tilespmem:$0x330]  }
0x5e: {  	[tilespmem:$0x300] =	vst v3;
	v3 =	vadd.s32 v0, v61  }
0x5f: {  	[tilespmem:$0x320] =	vst v3;
	v3 =	vadd.s32 v0, v62  }
0x60: {  	[tilespmem:$0x340] =	vst v3;
	v3 =	vadd.s32 v0, v63  }
0x61: {  	[tilespmem:$0x350] =	vst v3;
	v1 =	vadd.s32 v0, v1  }
0x62: {  	v2 =	vadd.s32 v0, v2;
	[tilespmem:$0x370] =	vst v1  }
0x63: {  	s14 =	simm.s32 $0x380;
	s15 =	rddreg [dreg:$0x7];
	[tilespmem:$0x330] =	vst v2  }
0x64: {  	[tilespmem:s14], [sflag:$0x1] =	stream.indirect.gather [hbm4b:s15+s5], $0x80, s2, s5, $0xb8;
	[tilespmem:$0x1C380] =	vst v63  }
0x65: {  	s15 =	simm.s32 $0x4380  }
0x66: {  	[tilespmem:s15], [sflag:$0x1] =	stream.indirect.gather [hbm4b:s3+s5], $0x80, s5, s5, $0xb8;
	[tilespmem:$0x1C380] =	vst v63  }
0x67: {  	s16 =	simm.s32 $0x8380  }
0x68: {  	[tilespmem:s16], [sflag:$0x1] =	stream.indirect.gather [hbm4b:s3+s5], $0x80, s6, s5, $0xb8;
	[tilespmem:$0x1C380] =	vst v63  }
0x69: {  	s17 =	simm.s32 $0xC380;
	s21 =	sadd.s32 $0x14C00, s23  }
0x6a: {  	[tilespmem:s17], [sflag:$0x1] =	stream.indirect.gather [hbm4b:s21+s5], $0x80, s7, s5, $0xb8;
	[tilespmem:$0x1C380] =	vst v63  }
0x6b: {  	s18 =	simm.s32 $0x10380  }
0x6c: {  	[tilespmem:s18], [sflag:$0x1] =	stream.indirect.gather [hbm4b:s21+s5], $0x80, s9, s5, $0xb8;
	[tilespmem:$0x1C380] =	vst v63  }
0x6d: {  	s19 =	simm.s32 $0x14380  }
0x6e: {  	[tilespmem:s19], [sflag:$0x1] =	stream.indirect.gather [hbm4b:s21+s5], $0x80, s11, s5, $0xb8;
	[tilespmem:$0x1C380] =	vst v63  }
0x6f: {  	s20 =	simm.s32 $0x18380;
	s22 =	simm.s32 $0x1  }
0x70: {  	[tilespmem:s20], [sflag:$0x1] =	stream.indirect.gather [hbm4b:s21+s5], $0x80, s13, s5, $0xb8;
	[tilespmem:$0x1C380] =	vst v63  }
0x71: {  	_ =	swait.ge [sflag:s22], $0x4000  }
0x72: {  	[sflag:s22] =	ssyncset.done $0x0  }
0x73: {  	[sflag:s22] =	ssyncadd.s32 $0xFFFFC000  }
0x74: {  	_ =	swait.ge [sflag:s22], $0x4000  }
0x75: {  	[sflag:s22] =	ssyncset.done $0x0  }
0x76: {  	s26 =	ssub.s32 $0x2, s26;
	[sflag:s22] =	ssyncadd.s32 $0xFFFFC000  }
0x77: {  	s28 =	sshrl.u32 s26, $0x1;
	_ =	swait.ge [sflag:s22], $0x4000  }
0x78: {  	s1 =	sshll.u32 s24, $0xB;
	s29 =	sshll.u32 s24, $0xC;
	[sflag:s22] =	ssyncset.done $0x0  }
0x79: {  	s31 =	ssub.s32 s26, s28;
	s1 =	sadd.s32 s1, s23;
	[sflag:s22] =	ssyncadd.s32 $0xFFFFC000  }
0x7a: {  	s28 =	sadd.s32 $0x34C00, s23;
	s24 =	sadd.s32 s0, s29;
	_ =	swait.ge [sflag:s22], $0x4000  }
0x7b: {  	s30 =	sshll.u32 s25, $0x4;
	s26 =	sadd.s32 s28, s29;
	[sflag:s22] =	ssyncset.done $0x0  }
0x7c: {  	s25 =	sadd.s32 s0, s30;
	s23 =	sadd.s32 $0x54C00, s23;
	[sflag:s22] =	ssyncadd.s32 $0xFFFFC000  }
0x7d: {  	s28 =	sadd.s32 s28, s30;
	s29 =	sadd.s32 s23, s29;
	_ =	swait.ge [sflag:s22], $0x4000  }
0x7e: {  	s30 =	sadd.s32 s23, s30;
	s23 =	smax.u32 s31, $0x1;
	[sflag:s22] =	ssyncset.done $0x0  }
0x7f: {  	p0 =	sne.s32 s23, $0x1;
	[sflag:s22] =	ssyncadd.s32 $0xFFFFC000  }
.Ltmp0:
0x80: {  	_ =	swait.ge [sflag:s22], $0x4000;
	(pc) =	sbr.rel @!p0 .LBB2_2-.Ltmp0, $4  }
0x81: {  	[sflag:s22] =	ssyncset.done $0x0  }
0x82: {  	[sflag:s22] =	ssyncadd.s32 $0xFFFFC000  }
0x83: {  	s31 =	sadd.s32 $0x24C00, s1;
	_ =	swait.ge [sflag:s22], $0x4000  }
0x84: {  	s0 =	sadd.s32 $0xFFFFFFFF, s23;
	s23 =	simm.s32 $0x2;
	[sflag:s22] =	ssyncset.done $0x0  }
.LBB2_1:
0x85: {  	[sflag:s22] =	ssyncadd.s32 $0xFFFFC000  }
0x86: {  	[hbm4b:s31+s2] =	stream.linear.scatter [tilespmem:s14], [sflag:$0x2], $0x4000, $0x38;
	[tilespmem:$0x1C380] =	vst v63  }
0x87: {  	_ = 	snop  }
0x88: {  	[hbm4b:s24+s2] =	stream.linear.scatter [tilespmem:s15], [sflag:$0x2], $0x4000, $0x38;
	[tilespmem:$0x1C380] =	vst v63  }
0x89: {  	_ = 	snop  }
0x8a: {  	[hbm4b:s25+s2] =	stream.linear.scatter [tilespmem:s16], [sflag:$0x2], $0x4000, $0x38;
	[tilespmem:$0x1C380] =	vst v63  }
0x8b: {  	_ = 	snop  }
0x8c: {  	[hbm4b:s26+s2] =	stream.linear.scatter [tilespmem:s17], [sflag:$0x2], $0x4000, $0x38;
	[tilespmem:$0x1C380] =	vst v63  }
0x8d: {  	_ = 	snop  }
0x8e: {  	[hbm4b:s28+s2] =	stream.linear.scatter [tilespmem:s18], [sflag:$0x2], $0x4000, $0x38;
	[tilespmem:$0x1C380] =	vst v63  }
0x8f: {  	_ = 	snop  }
0x90: {  	[hbm4b:s29+s2] =	stream.linear.scatter [tilespmem:s19], [sflag:$0x2], $0x4000, $0x38;
	[tilespmem:$0x1C380] =	vst v63  }
0x91: {  	_ = 	snop  }
0x92: {  	[hbm4b:s30+s2] =	stream.linear.scatter [tilespmem:s20], [sflag:$0x2], $0x4000, $0x38;
	[tilespmem:$0x1C380] =	vst v63  }
0x93: {  	_ =	swait.ge [sflag:s23], $0x4000  }
0x94: {  	[sflag:s23] =	ssyncset.done $0x0  }
0x95: {  	[sflag:s23] =	ssyncadd.s32 $0xFFFFC000  }
0x96: {  	_ =	swait.ge [sflag:s23], $0x4000  }
0x97: {  	[sflag:s23] =	ssyncset.done $0x0  }
0x98: {  	[sflag:s23] =	ssyncadd.s32 $0xFFFFC000  }
0x99: {  	_ =	swait.ge [sflag:s23], $0x4000  }
0x9a: {  	[sflag:s23] =	ssyncset.done $0x0  }
0x9b: {  	[sflag:s23] =	ssyncadd.s32 $0xFFFFC000  }
0x9c: {  	_ =	swait.ge [sflag:s23], $0x4000  }
0x9d: {  	[sflag:s23] =	ssyncset.done $0x0  }
0x9e: {  	[sflag:s23] =	ssyncadd.s32 $0xFFFFC000  }
0x9f: {  	_ =	swait.ge [sflag:s23], $0x4000  }
0xa0: {  	[sflag:s23] =	ssyncset.done $0x0  }
0xa1: {  	[sflag:s23] =	ssyncadd.s32 $0xFFFFC000  }
0xa2: {  	_ =	swait.ge [sflag:s23], $0x4000  }
0xa3: {  	[sflag:s23] =	ssyncset.done $0x0  }
0xa4: {  	[sflag:s23] =	ssyncadd.s32 $0xFFFFC000  }
0xa5: {  	_ =	swait.ge [sflag:s23], $0x4000  }
0xa6: {  	[sflag:s23] =	ssyncset.done $0x0  }
0xa7: {  	s1 =	rddreg [dreg:$0x8];
	[sflag:s23] =	ssyncadd.s32 $0xFFFFC000  }
0xa8: {  	[tilespmem:s2], [sflag:$0x3] =	stream.linear.gather [hbm4b:s1+s2], $0x80, $0x38;
	[tilespmem:$0x1C380] =	vst v63  }
0xa9: {  	_ =	swait.ge [sflag:s4], $0x80  }
0xaa: {  	[sflag:s4] =	ssyncset.done $0x0  }
0xab: {  	s1 =	rddreg [dreg:$0x9];
	[sflag:s4] =	ssyncadd.s32 $0xFFFFFF80  }
0xac: {  	[tilespmem:s5], [sflag:$0x3] =	stream.linear.gather [hbm4b:s1+s2], $0x80, $0x38;
	[tilespmem:$0x1C380] =	vst v63  }
0xad: {  	_ =	swait.ge [sflag:s4], $0x80  }
0xae: {  	[sflag:s4] =	ssyncset.done $0x0  }
0xaf: {  	s1 =	rddreg [dreg:$0xa];
	[sflag:s4] =	ssyncadd.s32 $0xFFFFFF80  }
0xb0: {  	[tilespmem:s6], [sflag:$0x3] =	stream.linear.gather [hbm4b:s1+s2], $0x80, $0x38;
	[tilespmem:$0x1C380] =	vst v63  }
0xb1: {  	_ =	swait.ge [sflag:s4], $0x80  }
0xb2: {  	[sflag:s4] =	ssyncset.done $0x0  }
0xb3: {  	s1 =	rddreg [dreg:$0xb];
	[sflag:s4] =	ssyncadd.s32 $0xFFFFFF80  }
0xb4: {  	[tilespmem:s7], [sflag:$0x3] =	stream.linear.gather [hbm4b:s1+s2], $0x80, $0x38;
	[tilespmem:$0x1C380] =	vst v63  }
0xb5: {  	_ =	swait.ge [sflag:s4], $0x80  }
0xb6: {  	[sflag:s4] =	ssyncset.done $0x0  }
0xb7: {  	[sflag:s4] =	ssyncadd.s32 $0xFFFFFF80  }
0xb8: {  	v1 =	vld [tilespmem:$0x1D0]  }
0xb9: {  	v3 =	vld [tilespmem:$0x190]  }
0xba: {  	v5 =	vld [tilespmem:$0x180]  }
0xbb: {  	v2 =	vld [tilespmem:$0x1A0]  }
0xbc: {  	v4 =	vld [tilespmem:$0x1B0]  }
0xbd: {  	v7 =	vld [tilespmem:$0x1E0];
	v1 =	vadd.s32 v0, v1  }
0xbe: {  	v6 =	vld [tilespmem:$0x1C0];
	v3 =	vadd.s32 v0, v3;
	[tilespmem:$0x1D0] =	vst v1  }
0xbf: {  	v51 =	vadd.s32 v0, v5;
	v1 =	vld [tilespmem:$0x1F0];
	[tilespmem:$0x190] =	vst v3  }
0xc0: {  	v2 =	vadd.s32 v0, v2;
	[tilespmem:$0x180] =	vst v51  }
0xc1: {  	v3 =	vadd.s32 v0, v4;
	[tilespmem:$0x1A0] =	vst v2  }
0xc2: {  	v2 =	vadd.s32 v0, v7;
	[tilespmem:$0x1B0] =	vst v3  }
0xc3: {  	v3 =	vadd.s32 v0, v6;
	[tilespmem:$0x1E0] =	vst v2  }
0xc4: {  	[tilespmem:$0x1C0] =	vst v3;
	v1 =	vadd.s32 v0, v1  }
0xc5: {  	[tilespmem:$0x1F0] =	vst v1  }
0xc6: {  	[tilespmem:s9], [sflag:$0x3] =	stream.linear.gather [hbm4b:s8+s2], $0x80, $0x38;
	[tilespmem:$0x1C380] =	vst v63  }
0xc7: {  	_ =	swait.ge [sflag:s4], $0x80  }
0xc8: {  	[sflag:s4] =	ssyncset.done $0x0  }
0xc9: {  	[sflag:s4] =	ssyncadd.s32 $0xFFFFFF80  }
0xca: {  	v1 =	vld [tilespmem:$0x230]  }
0xcb: {  	v2 =	vld [tilespmem:$0x210]  }
0xcc: {  	v3 =	vld [tilespmem:$0x220]  }
0xcd: {  	v52 =	vld [tilespmem:$0x200];
	_ =	sdelay $0x1  }
0xce: {  	v53 =	vld [tilespmem:$0x240]  }
0xcf: {  	v54 =	vld [tilespmem:$0x250];
	v2 =	vadd.s32 v0, v2  }
0xd0: {  	v55 =	vld [tilespmem:$0x260];
	v1 =	vadd.s32 v0, v1;
	[tilespmem:$0x210] =	vst v2  }
0xd1: {  	v4 =	vadd.s32 v0, v52;
	v2 =	vadd.s32 v0, v3;
	v3 =	vld [tilespmem:$0x270];
	[tilespmem:$0x230] =	vst v1  }
0xd2: {  	[tilespmem:$0x200] =	vst v4  }
0xd3: {  	v1 =	vadd.s32 v0, v53;
	[tilespmem:$0x220] =	vst v2  }
0xd4: {  	[tilespmem:$0x240] =	vst v1;
	v1 =	vadd.s32 v0, v54  }
0xd5: {  	[tilespmem:$0x250] =	vst v1;
	v1 =	vadd.s32 v0, v55  }
0xd6: {  	[tilespmem:$0x260] =	vst v1;
	v1 =	vadd.s32 v0, v3  }
0xd7: {  	[tilespmem:$0x270] =	vst v1  }
0xd8: {  	[tilespmem:s11], [sflag:$0x3] =	stream.linear.gather [hbm4b:s10+s2], $0x80, $0x38;
	[tilespmem:$0x1C380] =	vst v63  }
0xd9: {  	_ =	swait.ge [sflag:s4], $0x80  }
0xda: {  	[sflag:s4] =	ssyncset.done $0x0  }
0xdb: {  	[sflag:s4] =	ssyncadd.s32 $0xFFFFFF80  }
0xdc: {  	v1 =	vld [tilespmem:$0x2C0]  }
0xdd: {  	v58 =	vld [tilespmem:$0x280]  }
0xde: {  	v2 =	vld [tilespmem:$0x2E0]  }
0xdf: {  	v3 =	vld [tilespmem:$0x2B0]  }
0xe0: {  	v56 =	vld [tilespmem:$0x2D0]  }
0xe1: {  	v57 =	vld [tilespmem:$0x2F0];
	v1 =	vadd.s32 v0, v1  }
0xe2: {  	v59 =	vld [tilespmem:$0x2A0];
	v60 =	vadd.s32 v0, v58;
	[tilespmem:$0x2C0] =	vst v1  }
0xe3: {  	v1 =	vadd.s32 v0, v2;
	v2 =	vld [tilespmem:$0x290];
	[tilespmem:$0x280] =	vst v60  }
0xe4: {  	[tilespmem:$0x2E0] =	vst v1;
	v1 =	vadd.s32 v0, v3  }
0xe5: {  	v3 =	vadd.s32 v0, v56;
	[tilespmem:$0x2B0] =	vst v1  }
0xe6: {  	v1 =	vadd.s32 v0, v57;
	[tilespmem:$0x2D0] =	vst v3  }
0xe7: {  	[tilespmem:$0x2F0] =	vst v1;
	v1 =	vadd.s32 v0, v59  }
0xe8: {  	[tilespmem:$0x2A0] =	vst v1;
	v2 =	vadd.s32 v0, v2  }
0xe9: {  	[tilespmem:$0x290] =	vst v2  }
0xea: {  	[tilespmem:s13], [sflag:$0x3] =	stream.linear.gather [hbm4b:s12+s2], $0x80, $0x38;
	[tilespmem:$0x1C380] =	vst v63  }
0xeb: {  	_ =	swait.ge [sflag:s4], $0x80  }
0xec: {  	[sflag:s4] =	ssyncset.done $0x0  }
0xed: {  	[sflag:s4] =	ssyncadd.s32 $0xFFFFFF80  }
0xee: {  	v1 =	vld [tilespmem:$0x360]  }
0xef: {  	v2 =	vld [tilespmem:$0x310]  }
0xf0: {  	v3 =	vld [tilespmem:$0x300]  }
0xf1: {  	v61 =	vld [tilespmem:$0x320]  }
0xf2: {  	v62 =	vld [tilespmem:$0x340]  }
0xf3: {  	v63 =	vld [tilespmem:$0x350];
	v1 =	vadd.s32 v0, v1  }
0xf4: {  	v2 =	vadd.s32 v0, v2;
	[tilespmem:$0x360] =	vst v1;
	v1 =	vld [tilespmem:$0x370]  }
0xf5: {  	v3 =	vadd.s32 v0, v3;
	[tilespmem:$0x310] =	vst v2;
	v2 =	vld [tilespmem:$0x330]  }
0xf6: {  	[tilespmem:$0x300] =	vst v3;
	v3 =	vadd.s32 v0, v61  }
0xf7: {  	[tilespmem:$0x320] =	vst v3;
	v3 =	vadd.s32 v0, v62  }
0xf8: {  	[tilespmem:$0x340] =	vst v3;
	v3 =	vadd.s32 v0, v63  }
0xf9: {  	[tilespmem:$0x350] =	vst v3;
	v1 =	vadd.s32 v0, v1  }
0xfa: {  	v2 =	vadd.s32 v0, v2;
	[tilespmem:$0x370] =	vst v1  }
0xfb: {  	s1 =	rddreg [dreg:$0x7];
	[tilespmem:$0x330] =	vst v2  }
0xfc: {  	[tilespmem:s14], [sflag:$0x1] =	stream.indirect.gather [hbm4b:s1+s5], $0x80, s2, s5, $0xb8;
	[tilespmem:$0x1C380] =	vst v63  }
0xfd: {  	_ = 	snop  }
0xfe: {  	[tilespmem:s15], [sflag:$0x1] =	stream.indirect.gather [hbm4b:s3+s5], $0x80, s5, s5, $0xb8;
	[tilespmem:$0x1C380] =	vst v63  }
0xff: {  	_ = 	snop  }
0x100: {  	[tilespmem:s16], [sflag:$0x1] =	stream.indirect.gather [hbm4b:s3+s5], $0x80, s6, s5, $0xb8;
	[tilespmem:$0x1C380] =	vst v63  }
0x101: {  	_ = 	snop  }
0x102: {  	[tilespmem:s17], [sflag:$0x1] =	stream.indirect.gather [hbm4b:s21+s5], $0x80, s7, s5, $0xb8;
	[tilespmem:$0x1C380] =	vst v63  }
0x103: {  	_ = 	snop  }
0x104: {  	[tilespmem:s18], [sflag:$0x1] =	stream.indirect.gather [hbm4b:s21+s5], $0x80, s9, s5, $0xb8;
	[tilespmem:$0x1C380] =	vst v63  }
0x105: {  	_ = 	snop  }
0x106: {  	[tilespmem:s19], [sflag:$0x1] =	stream.indirect.gather [hbm4b:s21+s5], $0x80, s11, s5, $0xb8;
	[tilespmem:$0x1C380] =	vst v63  }
0x107: {  	_ = 	snop  }
0x108: {  	[tilespmem:s20], [sflag:$0x1] =	stream.indirect.gather [hbm4b:s21+s5], $0x80, s13, s5, $0xb8;
	[tilespmem:$0x1C380] =	vst v63  }
0x109: {  	_ =	swait.ge [sflag:s22], $0x4000  }
0x10a: {  	[sflag:s22] =	ssyncset.done $0x0  }
0x10b: {  	[sflag:s22] =	ssyncadd.s32 $0xFFFFC000  }
0x10c: {  	_ =	swait.ge [sflag:s22], $0x4000  }
0x10d: {  	[sflag:s22] =	ssyncset.done $0x0  }
0x10e: {  	[sflag:s22] =	ssyncadd.s32 $0xFFFFC000  }
0x10f: {  	_ =	swait.ge [sflag:s22], $0x4000  }
0x110: {  	[sflag:s22] =	ssyncset.done $0x0  }
0x111: {  	[sflag:s22] =	ssyncadd.s32 $0xFFFFC000  }
0x112: {  	_ =	swait.ge [sflag:s22], $0x4000  }
0x113: {  	[sflag:s22] =	ssyncset.done $0x0  }
0x114: {  	[sflag:s22] =	ssyncadd.s32 $0xFFFFC000  }
0x115: {  	_ =	swait.ge [sflag:s22], $0x4000  }
0x116: {  	[sflag:s22] =	ssyncset.done $0x0  }
0x117: {  	p0 =	sne.s32 s0, $0x1;
	[sflag:s22] =	ssyncadd.s32 $0xFFFFC000  }
.Ltmp1:
0x118: {  	_ =	swait.ge [sflag:s22], $0x4000;
	(pc) =	sbr.rel @p0 .LBB2_1-.Ltmp1, $4  }
0x119: {  	[sflag:s22] =	ssyncset.done $0x0  }
0x11a: {  	[sflag:s22] =	ssyncadd.s32 $0xFFFFC000  }
0x11b: {  	_ =	swait.ge [sflag:s22], $0x4000  }
0x11c: {  	s0 =	sadd.s32 $0xFFFFFFFF, s0;
	[sflag:s22] =	ssyncset.done $0x0  }
.LBB2_2:
0x11d: {  	[sflag:s22] =	ssyncadd.s32 $0xFFFFC000  }
0x11e: {  	[hbm4b:s31+s2] =	stream.linear.scatter [tilespmem:s14], [sflag:$0x2], $0x4000, $0x38;
	[tilespmem:$0x1C380] =	vst v63  }
0x11f: {  	_ = 	snop  }
0x120: {  	[hbm4b:s24+s2] =	stream.linear.scatter [tilespmem:s15], [sflag:$0x2], $0x4000, $0x38;
	[tilespmem:$0x1C380] =	vst v63  }
0x121: {  	_ = 	snop  }
0x122: {  	[hbm4b:s25+s2] =	stream.linear.scatter [tilespmem:s16], [sflag:$0x2], $0x4000, $0x38;
	[tilespmem:$0x1C380] =	vst v63  }
0x123: {  	_ = 	snop  }
0x124: {  	[hbm4b:s26+s2] =	stream.linear.scatter [tilespmem:s17], [sflag:$0x2], $0x4000, $0x38;
	[tilespmem:$0x1C380] =	vst v63  }
0x125: {  	_ = 	snop  }
0x126: {  	[hbm4b:s28+s2] =	stream.linear.scatter [tilespmem:s18], [sflag:$0x2], $0x4000, $0x38;
	[tilespmem:$0x1C380] =	vst v63  }
0x127: {  	_ = 	snop  }
0x128: {  	[hbm4b:s29+s2] =	stream.linear.scatter [tilespmem:s19], [sflag:$0x2], $0x4000, $0x38;
	[tilespmem:$0x1C380] =	vst v63  }
0x129: {  	_ = 	snop  }
0x12a: {  	[hbm4b:s30+s2] =	stream.linear.scatter [tilespmem:s20], [sflag:$0x2], $0x4000, $0x38;
	[tilespmem:$0x1C380] =	vst v63  }
0x12b: {  	_ =	swait.ge [sflag:s23], $0x4000  }
0x12c: {  	[sflag:s23] =	ssyncset.done $0x0  }
0x12d: {  	[sflag:s23] =	ssyncadd.s32 $0xFFFFC000  }
0x12e: {  	_ =	swait.ge [sflag:s23], $0x4000  }
0x12f: {  	[sflag:s23] =	ssyncset.done $0x0  }
0x130: {  	[sflag:s23] =	ssyncadd.s32 $0xFFFFC000  }
0x131: {  	_ =	swait.ge [sflag:s23], $0x4000  }
0x132: {  	[sflag:s23] =	ssyncset.done $0x0  }
0x133: {  	[sflag:s23] =	ssyncadd.s32 $0xFFFFC000  }
0x134: {  	_ =	swait.ge [sflag:s23], $0x4000  }
0x135: {  	[sflag:s23] =	ssyncset.done $0x0  }
0x136: {  	[sflag:s23] =	ssyncadd.s32 $0xFFFFC000  }
0x137: {  	_ =	swait.ge [sflag:s23], $0x4000  }
0x138: {  	[sflag:s23] =	ssyncset.done $0x0  }
0x139: {  	[sflag:s23] =	ssyncadd.s32 $0xFFFFC000  }
0x13a: {  	_ =	swait.ge [sflag:s23], $0x4000  }
0x13b: {  	[sflag:s23] =	ssyncset.done $0x0  }
0x13c: {  	[sflag:s23] =	ssyncadd.s32 $0xFFFFC000  }
0x13d: {  	_ =	swait.ge [sflag:s23], $0x4000  }
0x13e: {  	[sflag:s23] =	ssyncset.done $0x0  }
0x13f: {  	[sflag:s23] =	ssyncadd.s32 $0xFFFFC000  }
0x140: {  	_ =	sfence.sel $0x180000  }
0x141: {  	[bflag:$0x0] =	sbarrier.arrive $0xFFFF  }
0x142: {  	_ =	strace $0x90000047  }
0x143: {  	s0 =	stileid.u32;
	[bflag:$0x2] =	sbarrier.arrive $0xFFFF  }
0x144: {  	p0 =	sne.s32 s0, $0x0;
	s0 =	rddreg [dreg:$0x6]  }
0x145: {  	s0 =	sadd.s32 @!p0 $0x100000, s0  }
0x146: {  	[sflag:s0] =	ssyncadd.tile.s32 @!p0 $0x1;
	_ =	shalt  }
.Lfunc_end2:
_tile_overlayer_lowered:
.L_overlay_start_2:
0x147: {  	(tag) =	ssettag $0x2  }
0x148: {  	s0 =	rddreg [dreg:$0x0];
	s2 =	stileid.u32  }
0x149: {  	s1 =	rddreg [dreg:$0x1];
	p0 =	sne.s32 s2, $0x0  }
0x14a: {  	s3 =	rddreg [dreg:$0x2];
	[bflag:$0x3] =	sbarrier.arrive $0xFFFF;
	s2 =	simm.s32 @!p0 $0x1C03  }
0x14b: {  	[timem:s3], [sflag:s2] =	dma.local @!p0 [hbm:s0], s1  }
0x14c: {  	s0 =	simm.s32 @!p0 $0x3  }
0x14d: {  	_ =	swait.ge @!p0 [sflag:s0], s1  }
0x14e: {  	s1 =	ssub.s32 @!p0 $0x0, s1;
	[sflag:s0] =	ssyncset.done @!p0 $0x0  }
0x14f: {  	[sflag:s0] =	ssyncadd.s32 @!p0 s1  }
0x150: {  	[bflag:$0x3] =	sbarrier.arrive $0xFFFF  }
0x151: {  	_ =	shalt  }

</sc_bundles>
